<compile_context>
chip_gen: v7x
topology: tpu7x:2x2x1
jax: 0.10.2.dev20260603
libtpu: 0.0.44.dev20260713+nightly
codegen_flags: <defaults>
</compile_context>

<pallas_src>
import functools

import jax
import jax.numpy as jnp
from jax import lax
from jax.experimental import pallas as pl
from jax.experimental.pallas import tpu as pltpu
from jax.experimental.pallas import tpu_sc as plsc

_B = 16384
_A = 128
_NC = 2
_NS = 16
_NW = _NC * _NS
_BPW = _B // _NW
_CHUNK = 128
_NCHUNK = _BPW // _CHUNK
_L = 16
_NCHAIN = 8

_mesh = plsc.VectorSubcoreMesh(core_axis_name="c", subcore_axis_name="s")


@functools.partial(
    pl.kernel,
    out_type=jax.ShapeDtypeStruct((_B,), jnp.int32),
    mesh=_mesh,
    compiler_params=pltpu.CompilerParams(needs_layout_passes=False),
    scratch_types=[
        pltpu.VMEM((_BPW,), jnp.int32),
        pltpu.VMEM((_CHUNK, _A), jnp.float32),
        pltpu.VMEM((_CHUNK, _A), jnp.float32),
        pltpu.VMEM((_BPW,), jnp.int32),
        pltpu.SemaphoreType.DMA,
        pltpu.SemaphoreType.DMA,
    ],
)
def _argmax_gather(states_hbm, policy_hbm, out_hbm,
                   idx_v, buf0, buf1, out_v, sem0, sem1):
    wid = lax.axis_index("s") * _NC + lax.axis_index("c")
    base = wid * _BPW
    pltpu.sync_copy(states_hbm.at[pl.ds(base, _BPW)], idx_v)

    bufs = (buf0, buf1)
    sems = (sem0, sem1)

    def start(k):
        return pltpu.async_copy(
            policy_hbm.at[idx_v.at[pl.ds(k * _CHUNK, _CHUNK)]],
            bufs[k % 2], sems[k % 2])

    def compute(k):
        buf = bufs[k % 2]

        def group_body(g, _):
            row_ids = lax.iota(jnp.int32, _L) + g * _L
            def sweep(cols, bvs, bis):
                ncols, nbvs, nbis = [], [], []
                for j in range(_NCHAIN):
                    col = (cols[j] + 1) & (_A - 1)
                    v = plsc.load_gather(buf, [row_ids, col])
                    upd = (v > bvs[j]) | ((v == bvs[j]) & (col < bis[j]))
                    ncols.append(col)
                    nbvs.append(jnp.where(upd, v, bvs[j]))
                    nbis.append(jnp.where(upd, col, bis[j]))
                return ncols, nbvs, nbis

            cols = [lax.iota(jnp.int32, _L) + j * (_A // _NCHAIN)
                    for j in range(_NCHAIN)]
            bvs = [plsc.load_gather(buf, [row_ids, c]) for c in cols]
            bis = list(cols)

            def step_body(_s, carry):
                cols, bvs, bis = carry
                for _u in range(3):
                    cols, bvs, bis = sweep(cols, bvs, bis)
                return cols, bvs, bis

            cols, bvs, bis = lax.fori_loop(
                0, (_A // _NCHAIN - 1) // 3, step_body, (cols, bvs, bis))

            step = 1
            while step < _NCHAIN:
                for j in range(0, _NCHAIN, 2 * step):
                    v, c = bvs[j + step], bis[j + step]
                    upd = (v > bvs[j]) | ((v == bvs[j]) & (c < bis[j]))
                    bvs[j] = jnp.where(upd, v, bvs[j])
                    bis[j] = jnp.where(upd, c, bis[j])
                step *= 2
            out_v[pl.ds(k * _CHUNK + g * _L, _L)] = bis[0]
            return 0

        lax.fori_loop(0, _CHUNK // _L, group_body, 0)

    cp = start(0)
    for k in range(_NCHUNK):
        nxt = start(k + 1) if k + 1 < _NCHUNK else None
        cp.wait()
        compute(k)
        cp = nxt

    pltpu.sync_copy(out_v, out_hbm.at[pl.ds(base, _BPW)])


def kernel(states, policy):
    return _argmax_gather(states.astype(jnp.int32), policy)

# --- scband reference (transcript-rebuilt; emitter-appended) ---
"""Pipeline reference for scband-tabular-policy-14697378087191 (READ-ONLY COPY).

The authoritative reference and input builder live on the scoring server;
editing this copy changes nothing except your own understanding.
"""

import jax, jax.numpy as jnp
import numpy as np

NUM_STATES = 1000000
NUM_ACTIONS = 128

def setup_inputs(seed: int = 0) -> dict:
    key = jax.random.key(seed)
    k1, k2 = jax.random.split(key)
    states = jax.random.randint(k1, (16384,), 0, NUM_STATES, dtype=jnp.int64 if jax.config.jax_enable_x64 else jnp.int32)
    # Learned parameter: policy table initialized uniform (as in torch __init__)
    policy = jnp.ones((NUM_STATES, NUM_ACTIONS), dtype=jnp.float32) / NUM_ACTIONS
    # add small perturbation so argmax is non-trivial but deterministic
    policy = policy + 0.01 * jax.random.normal(k2, (NUM_STATES, NUM_ACTIONS), dtype=jnp.float32)
    return {"states": states, "policy": policy}

def reference(states, policy):
    # greedy=True branch: gather rows of the policy table, then argmax over actions
    rows = jnp.take(policy, states, axis=0)  # [B, num_actions] gather
    return jnp.argmax(rows, axis=1)

if __name__ == "__main__":
    import jax
    _d = setup_inputs()
    print(jax.jit(kernel)(*tuple(_d.values())))

</pallas_src>

<mosaic_0001>
#map = affine_map<(d0, d1) -> (0)>
#map1 = affine_map<(d0, d1) -> (0, 0)>
module attributes {stable_mosaic.version = 14 : i64} {
  func.func @_argmax_gather(%arg0: i32, %arg1: i32, %arg2: memref<16384xi32, #tpu.memory_space<hbm>>, %arg3: memref<1000000x128xf32, #tpu.memory_space<hbm>>, %arg4: memref<16384xi32, #tpu.memory_space<hbm>>, %arg5: memref<512xi32, #tpu.memory_space<vmem>>, %arg6: memref<128x128xf32, #tpu.memory_space<vmem>>, %arg7: memref<128x128xf32, #tpu.memory_space<vmem>>, %arg8: memref<512xi32, #tpu.memory_space<vmem>>, %arg9: memref<!tpu.dma_semaphore, #tpu.memory_space<semaphore_mem>>, %arg10: memref<!tpu.dma_semaphore, #tpu.memory_space<semaphore_mem>>) attributes {dimension_semantics = [#tpu.dimension_semantics<core_parallel>, #tpu.dimension_semantics<subcore_parallel>], iteration_bounds = array<i64: 2, 16>, scalar_prefetch = 0 : i64, scratch_operands = 6 : i64, tpu.core_type = #tpu.core_type<sc_vector_subcore>, window_params = [{transform_indices = #map}, {transform_indices = #map1}, {transform_indices = #map}]} {
    %mul3A = arith.constant 2 : i32
    %mul3A_0 = arith.muli %arg1, %mul3A : i32
    %add3A = arith.addi %mul3A_0, %arg0 : i32
    %mul3A_1 = arith.constant 512 : i32
    %mul3A_2 = arith.muli %add3A, %mul3A_1 : i32
    "tpu.region"() ({
      %run_scoped3A = tpu.sem_alloc : memref<!tpu.dma_semaphore, #tpu.memory_space<semaphore_mem>>
      %dma_start3A_68 = tpu.memref_slice %arg2[%mul3A_2] : memref<16384xi32, #tpu.memory_space<hbm>> -> memref<512xi32, #tpu.memory_space<hbm>>
      %dma_start3A_69 = tpu.memref_slice %arg2[%mul3A_2] : memref<16384xi32, #tpu.memory_space<hbm>> -> memref<512xi32, #tpu.memory_space<hbm>>
      tpu.enqueue_dma source(%dma_start3A_69 : memref<512xi32, #tpu.memory_space<hbm>>) target(%arg5 : memref<512xi32, #tpu.memory_space<vmem>>) target_semaphore(%run_scoped3A : memref<!tpu.dma_semaphore, #tpu.memory_space<semaphore_mem>>)
      %dma_wait3A_70 = tpu.memref_slice %arg2[%mul3A_2] : memref<16384xi32, #tpu.memory_space<hbm>> -> memref<512xi32, #tpu.memory_space<hbm>>
      %dma_wait3A_71 = tpu.memref_slice %arg2[%mul3A_2] : memref<16384xi32, #tpu.memory_space<hbm>> -> memref<512xi32, #tpu.memory_space<hbm>>
      tpu.wait_dma2 semaphore(%run_scoped3A : memref<!tpu.dma_semaphore, #tpu.memory_space<semaphore_mem>>) src(%dma_wait3A_71 : memref<512xi32, #tpu.memory_space<hbm>>) dst(%arg5 : memref<512xi32, #tpu.memory_space<vmem>>)
      tpu.yield
    }) : () -> ()
    %dma_start3A = arith.constant 0 : i32
    %dma_start3A_3 = tpu.memref_slice %arg5[%dma_start3A] : memref<512xi32, #tpu.memory_space<vmem>> -> memref<128xi32, #tpu.memory_space<vmem>>
    %dma_start3A_4 = arith.constant 0 : i32
    %dma_start3A_5 = arith.constant 0 : i32
    %dma_start3A_6 = tpu.memref_slice %arg3[%dma_start3A_4, %dma_start3A_5] : memref<1000000x128xf32, #tpu.memory_space<hbm>> -> memref<1000000x128xf32, #tpu.memory_space<hbm>>
    tpu.enqueue_indirect_dma source(%dma_start3A_6 : memref<1000000x128xf32, #tpu.memory_space<hbm>>) target(%arg6 : memref<128x128xf32, #tpu.memory_space<vmem>>) offsets(%dma_start3A_3 : memref<128xi32, #tpu.memory_space<vmem>>) semaphore(%arg9 : memref<!tpu.dma_semaphore, #tpu.memory_space<semaphore_mem>>)
    %dma_start3A_7 = arith.constant 128 : i32
    %dma_start3A_8 = tpu.memref_slice %arg5[%dma_start3A_7] : memref<512xi32, #tpu.memory_space<vmem>> -> memref<128xi32, #tpu.memory_space<vmem>>
    %dma_start3A_9 = arith.constant 0 : i32
    %dma_start3A_10 = arith.constant 0 : i32
    %dma_start3A_11 = tpu.memref_slice %arg3[%dma_start3A_9, %dma_start3A_10] : memref<1000000x128xf32, #tpu.memory_space<hbm>> -> memref<1000000x128xf32, #tpu.memory_space<hbm>>
    tpu.enqueue_indirect_dma source(%dma_start3A_11 : memref<1000000x128xf32, #tpu.memory_space<hbm>>) target(%arg7 : memref<128x128xf32, #tpu.memory_space<vmem>>) offsets(%dma_start3A_8 : memref<128xi32, #tpu.memory_space<vmem>>) semaphore(%arg10 : memref<!tpu.dma_semaphore, #tpu.memory_space<semaphore_mem>>)
    %dma_wait3A = arith.constant 0 : i32
    %dma_wait3A_12 = tpu.memref_slice %arg5[%dma_wait3A] : memref<512xi32, #tpu.memory_space<vmem>> -> memref<128xi32, #tpu.memory_space<vmem>>
    %dma_wait3A_13 = arith.constant 0 : i32
    %dma_wait3A_14 = arith.constant 0 : i32
    %dma_wait3A_15 = tpu.memref_slice %arg3[%dma_wait3A_13, %dma_wait3A_14] : memref<1000000x128xf32, #tpu.memory_space<hbm>> -> memref<1000000x128xf32, #tpu.memory_space<hbm>>
    tpu.wait_indirect_dma semaphore(%arg9 : memref<!tpu.dma_semaphore, #tpu.memory_space<semaphore_mem>>) src(%dma_wait3A_15 : memref<1000000x128xf32, #tpu.memory_space<hbm>>) dst(%arg6 : memref<128x128xf32, #tpu.memory_space<vmem>>)
    %scan3A = arith.constant 0 : i32
    %scan3A_16 = arith.constant 0 : i32
    %scan3A_17 = arith.constant 8 : i32
    %scan3A_18 = arith.addi %scan3A_16, %scan3A_17 : i32
    %scan3A_19 = arith.constant 1 : i32
    %scan3A_20 = scf.for %scan3A_68 = %scan3A_16 to %scan3A_18 step %scan3A_19 iter_args(%scan3A_69 = %scan3A) -> (i32)  : i32 {
      %iota3A = tpu.iota {dimensions = array<i32: 0>} : vector<16xi32>
      %mul3A_70 = arith.constant 16 : i32
      %mul3A_71 = arith.muli %scan3A_68, %mul3A_70 : i32
      %add3A_72 = vector.broadcast %mul3A_71 : i32 to vector<16xi32>
      %add3A_73 = arith.addi %iota3A, %add3A_72 : vector<16xi32>
      %iota3A_74 = tpu.iota {dimensions = array<i32: 0>} : vector<16xi32>
      %add3A_75 = arith.constant 0 : i32
      %add3A_76 = vector.broadcast %add3A_75 : i32 to vector<16xi32>
      %add3A_77 = arith.addi %iota3A_74, %add3A_76 : vector<16xi32>
      %iota3A_78 = tpu.iota {dimensions = array<i32: 0>} : vector<16xi32>
      %add3A_79 = arith.constant 16 : i32
      %add3A_80 = vector.broadcast %add3A_79 : i32 to vector<16xi32>
      %add3A_81 = arith.addi %iota3A_78, %add3A_80 : vector<16xi32>
      %iota3A_82 = tpu.iota {dimensions = array<i32: 0>} : vector<16xi32>
      %add3A_83 = arith.constant 32 : i32
      %add3A_84 = vector.broadcast %add3A_83 : i32 to vector<16xi32>
      %add3A_85 = arith.addi %iota3A_82, %add3A_84 : vector<16xi32>
      %iota3A_86 = tpu.iota {dimensions = array<i32: 0>} : vector<16xi32>
      %add3A_87 = arith.constant 48 : i32
      %add3A_88 = vector.broadcast %add3A_87 : i32 to vector<16xi32>
      %add3A_89 = arith.addi %iota3A_86, %add3A_88 : vector<16xi32>
      %iota3A_90 = tpu.iota {dimensions = array<i32: 0>} : vector<16xi32>
      %add3A_91 = arith.constant 64 : i32
      %add3A_92 = vector.broadcast %add3A_91 : i32 to vector<16xi32>
      %add3A_93 = arith.addi %iota3A_90, %add3A_92 : vector<16xi32>
      %iota3A_94 = tpu.iota {dimensions = array<i32: 0>} : vector<16xi32>
      %add3A_95 = arith.constant 80 : i32
      %add3A_96 = vector.broadcast %add3A_95 : i32 to vector<16xi32>
      %add3A_97 = arith.addi %iota3A_94, %add3A_96 : vector<16xi32>
      %iota3A_98 = tpu.iota {dimensions = array<i32: 0>} : vector<16xi32>
      %add3A_99 = arith.constant 96 : i32
      %add3A_100 = vector.broadcast %add3A_99 : i32 to vector<16xi32>
      %add3A_101 = arith.addi %iota3A_98, %add3A_100 : vector<16xi32>
      %iota3A_102 = tpu.iota {dimensions = array<i32: 0>} : vector<16xi32>
      %add3A_103 = arith.constant 112 : i32
      %add3A_104 = vector.broadcast %add3A_103 : i32 to vector<16xi32>
      %add3A_105 = arith.addi %iota3A_102, %add3A_104 : vector<16xi32>
      %gather3A = tpu.vector_load_idx %arg6[%add3A_73, %add3A_77] : memref<128x128xf32, #tpu.memory_space<vmem>>[vector<16xi32>, vector<16xi32>], vector<16xf32>,
      %gather3A_106 = tpu.vector_load_idx %arg6[%add3A_73, %add3A_81] : memref<128x128xf32, #tpu.memory_space<vmem>>[vector<16xi32>, vector<16xi32>], vector<16xf32>,
      %gather3A_107 = tpu.vector_load_idx %arg6[%add3A_73, %add3A_85] : memref<128x128xf32, #tpu.memory_space<vmem>>[vector<16xi32>, vector<16xi32>], vector<16xf32>,
      %gather3A_108 = tpu.vector_load_idx %arg6[%add3A_73, %add3A_89] : memref<128x128xf32, #tpu.memory_space<vmem>>[vector<16xi32>, vector<16xi32>], vector<16xf32>,
      %gather3A_109 = tpu.vector_load_idx %arg6[%add3A_73, %add3A_93] : memref<128x128xf32, #tpu.memory_space<vmem>>[vector<16xi32>, vector<16xi32>], vector<16xf32>,
      %gather3A_110 = tpu.vector_load_idx %arg6[%add3A_73, %add3A_97] : memref<128x128xf32, #tpu.memory_space<vmem>>[vector<16xi32>, vector<16xi32>], vector<16xf32>,
      %gather3A_111 = tpu.vector_load_idx %arg6[%add3A_73, %add3A_101] : memref<128x128xf32, #tpu.memory_space<vmem>>[vector<16xi32>, vector<16xi32>], vector<16xf32>,
      %gather3A_112 = tpu.vector_load_idx %arg6[%add3A_73, %add3A_105] : memref<128x128xf32, #tpu.memory_space<vmem>>[vector<16xi32>, vector<16xi32>], vector<16xf32>,
      %scan3A_113 = arith.constant 0 : i32
      %scan3A_114 = arith.constant 5 : i32
      %scan3A_115 = arith.addi %scan3A_113, %scan3A_114 : i32
      %scan3A_116 = arith.constant 1 : i32
      %scan3A_117:24 = scf.for %scan3A_168 = %scan3A_113 to %scan3A_115 step %scan3A_116 iter_args(%scan3A_169 = %add3A_77, %scan3A_170 = %add3A_81, %scan3A_171 = %add3A_85, %scan3A_172 = %add3A_89, %scan3A_173 = %add3A_93, %scan3A_174 = %add3A_97, %scan3A_175 = %add3A_101, %scan3A_176 = %add3A_105, %scan3A_177 = %gather3A, %scan3A_178 = %gather3A_106, %scan3A_179 = %gather3A_107, %scan3A_180 = %gather3A_108, %scan3A_181 = %gather3A_109, %scan3A_182 = %gather3A_110, %scan3A_183 = %gather3A_111, %scan3A_184 = %gather3A_112, %scan3A_185 = %add3A_77, %scan3A_186 = %add3A_81, %scan3A_187 = %add3A_85, %scan3A_188 = %add3A_89, %scan3A_189 = %add3A_93, %scan3A_190 = %add3A_97, %scan3A_191 = %add3A_101, %scan3A_192 = %add3A_105) -> (vector<16xi32>, vector<16xi32>, vector<16xi32>, vector<16xi32>, vector<16xi32>, vector<16xi32>, vector<16xi32>, vector<16xi32>, vector<16xf32>, vector<16xf32>, vector<16xf32>, vector<16xf32>, vector<16xf32>, vector<16xf32>, vector<16xf32>, vector<16xf32>, vector<16xi32>, vector<16xi32>, vector<16xi32>, vector<16xi32>, vector<16xi32>, vector<16xi32>, vector<16xi32>, vector<16xi32>)  : i32 {
        %add3A_193 = arith.constant 1 : i32
        %add3A_194 = vector.broadcast %add3A_193 : i32 to vector<16xi32>
        %add3A_195 = arith.addi %scan3A_169, %add3A_194 : vector<16xi32>
        %and3A_196 = arith.constant 127 : i32
        %and3A_197 = vector.broadcast %and3A_196 : i32 to vector<16xi32>
        %and3A_198 = arith.andi %add3A_195, %and3A_197 : vector<16xi32>
        %gather3A_199 = tpu.vector_load_idx %arg6[%add3A_73, %and3A_198] : memref<128x128xf32, #tpu.memory_space<vmem>>[vector<16xi32>, vector<16xi32>], vector<16xf32>,
        %gt3A_200 = arith.cmpf ogt, %gather3A_199, %scan3A_177 : vector<16xf32>
        %eq3A_201 = arith.cmpf oeq, %gather3A_199, %scan3A_177 : vector<16xf32>
        %lt3A_202 = arith.cmpi slt, %and3A_198, %scan3A_185 : vector<16xi32>
        %and3A_203 = arith.andi %eq3A_201, %lt3A_202 : vector<16xi1>
        %or3A_204 = arith.ori %gt3A_200, %and3A_203 : vector<16xi1>
        %select_n3A_205 = arith.select %or3A_204, %gather3A_199, %scan3A_177 : vector<16xi1>, vector<16xf32>
        %select_n3A_206 = arith.select %or3A_204, %and3A_198, %scan3A_185 : vector<16xi1>, vector<16xi32>
        %add3A_207 = arith.constant 1 : i32
        %add3A_208 = vector.broadcast %add3A_207 : i32 to vector<16xi32>
        %add3A_209 = arith.addi %scan3A_170, %add3A_208 : vector<16xi32>
        %and3A_210 = arith.constant 127 : i32
        %and3A_211 = vector.broadcast %and3A_210 : i32 to vector<16xi32>
        %and3A_212 = arith.andi %add3A_209, %and3A_211 : vector<16xi32>
        %gather3A_213 = tpu.vector_load_idx %arg6[%add3A_73, %and3A_212] : memref<128x128xf32, #tpu.memory_space<vmem>>[vector<16xi32>, vector<16xi32>], vector<16xf32>,
        %gt3A_214 = arith.cmpf ogt, %gather3A_213, %scan3A_178 : vector<16xf32>
        %eq3A_215 = arith.cmpf oeq, %gather3A_213, %scan3A_178 : vector<16xf32>
        %lt3A_216 = arith.cmpi slt, %and3A_212, %scan3A_186 : vector<16xi32>
        %and3A_217 = arith.andi %eq3A_215, %lt3A_216 : vector<16xi1>
        %or3A_218 = arith.ori %gt3A_214, %and3A_217 : vector<16xi1>
        %select_n3A_219 = arith.select %or3A_218, %gather3A_213, %scan3A_178 : vector<16xi1>, vector<16xf32>
        %select_n3A_220 = arith.select %or3A_218, %and3A_212, %scan3A_186 : vector<16xi1>, vector<16xi32>
        %add3A_221 = arith.constant 1 : i32
        %add3A_222 = vector.broadcast %add3A_221 : i32 to vector<16xi32>
        %add3A_223 = arith.addi %scan3A_171, %add3A_222 : vector<16xi32>
        %and3A_224 = arith.constant 127 : i32
        %and3A_225 = vector.broadcast %and3A_224 : i32 to vector<16xi32>
        %and3A_226 = arith.andi %add3A_223, %and3A_225 : vector<16xi32>
        %gather3A_227 = tpu.vector_load_idx %arg6[%add3A_73, %and3A_226] : memref<128x128xf32, #tpu.memory_space<vmem>>[vector<16xi32>, vector<16xi32>], vector<16xf32>,
        %gt3A_228 = arith.cmpf ogt, %gather3A_227, %scan3A_179 : vector<16xf32>
        %eq3A_229 = arith.cmpf oeq, %gather3A_227, %scan3A_179 : vector<16xf32>
        %lt3A_230 = arith.cmpi slt, %and3A_226, %scan3A_187 : vector<16xi32>
        %and3A_231 = arith.andi %eq3A_229, %lt3A_230 : vector<16xi1>
        %or3A_232 = arith.ori %gt3A_228, %and3A_231 : vector<16xi1>
        %select_n3A_233 = arith.select %or3A_232, %gather3A_227, %scan3A_179 : vector<16xi1>, vector<16xf32>
        %select_n3A_234 = arith.select %or3A_232, %and3A_226, %scan3A_187 : vector<16xi1>, vector<16xi32>
        %add3A_235 = arith.constant 1 : i32
        %add3A_236 = vector.broadcast %add3A_235 : i32 to vector<16xi32>
        %add3A_237 = arith.addi %scan3A_172, %add3A_236 : vector<16xi32>
        %and3A_238 = arith.constant 127 : i32
        %and3A_239 = vector.broadcast %and3A_238 : i32 to vector<16xi32>
        %and3A_240 = arith.andi %add3A_237, %and3A_239 : vector<16xi32>
        %gather3A_241 = tpu.vector_load_idx %arg6[%add3A_73, %and3A_240] : memref<128x128xf32, #tpu.memory_space<vmem>>[vector<16xi32>, vector<16xi32>], vector<16xf32>,
        %gt3A_242 = arith.cmpf ogt, %gather3A_241, %scan3A_180 : vector<16xf32>
        %eq3A_243 = arith.cmpf oeq, %gather3A_241, %scan3A_180 : vector<16xf32>
        %lt3A_244 = arith.cmpi slt, %and3A_240, %scan3A_188 : vector<16xi32>
        %and3A_245 = arith.andi %eq3A_243, %lt3A_244 : vector<16xi1>
        %or3A_246 = arith.ori %gt3A_242, %and3A_245 : vector<16xi1>
        %select_n3A_247 = arith.select %or3A_246, %gather3A_241, %scan3A_180 : vector<16xi1>, vector<16xf32>
        %select_n3A_248 = arith.select %or3A_246, %and3A_240, %scan3A_188 : vector<16xi1>, vector<16xi32>
        %add3A_249 = arith.constant 1 : i32
        %add3A_250 = vector.broadcast %add3A_249 : i32 to vector<16xi32>
        %add3A_251 = arith.addi %scan3A_173, %add3A_250 : vector<16xi32>
        %and3A_252 = arith.constant 127 : i32
        %and3A_253 = vector.broadcast %and3A_252 : i32 to vector<16xi32>
        %and3A_254 = arith.andi %add3A_251, %and3A_253 : vector<16xi32>
        %gather3A_255 = tpu.vector_load_idx %arg6[%add3A_73, %and3A_254] : memref<128x128xf32, #tpu.memory_space<vmem>>[vector<16xi32>, vector<16xi32>], vector<16xf32>,
        %gt3A_256 = arith.cmpf ogt, %gather3A_255, %scan3A_181 : vector<16xf32>
        %eq3A_257 = arith.cmpf oeq, %gather3A_255, %scan3A_181 : vector<16xf32>
        %lt3A_258 = arith.cmpi slt, %and3A_254, %scan3A_189 : vector<16xi32>
        %and3A_259 = arith.andi %eq3A_257, %lt3A_258 : vector<16xi1>
        %or3A_260 = arith.ori %gt3A_256, %and3A_259 : vector<16xi1>
        %select_n3A_261 = arith.select %or3A_260, %gather3A_255, %scan3A_181 : vector<16xi1>, vector<16xf32>
        %select_n3A_262 = arith.select %or3A_260, %and3A_254, %scan3A_189 : vector<16xi1>, vector<16xi32>
        %add3A_263 = arith.constant 1 : i32
        %add3A_264 = vector.broadcast %add3A_263 : i32 to vector<16xi32>
        %add3A_265 = arith.addi %scan3A_174, %add3A_264 : vector<16xi32>
        %and3A_266 = arith.constant 127 : i32
        %and3A_267 = vector.broadcast %and3A_266 : i32 to vector<16xi32>
        %and3A_268 = arith.andi %add3A_265, %and3A_267 : vector<16xi32>
        %gather3A_269 = tpu.vector_load_idx %arg6[%add3A_73, %and3A_268] : memref<128x128xf32, #tpu.memory_space<vmem>>[vector<16xi32>, vector<16xi32>], vector<16xf32>,
        %gt3A_270 = arith.cmpf ogt, %gather3A_269, %scan3A_182 : vector<16xf32>
        %eq3A_271 = arith.cmpf oeq, %gather3A_269, %scan3A_182 : vector<16xf32>
        %lt3A_272 = arith.cmpi slt, %and3A_268, %scan3A_190 : vector<16xi32>
        %and3A_273 = arith.andi %eq3A_271, %lt3A_272 : vector<16xi1>
        %or3A_274 = arith.ori %gt3A_270, %and3A_273 : vector<16xi1>
        %select_n3A_275 = arith.select %or3A_274, %gather3A_269, %scan3A_182 : vector<16xi1>, vector<16xf32>
        %select_n3A_276 = arith.select %or3A_274, %and3A_268, %scan3A_190 : vector<16xi1>, vector<16xi32>
        %add3A_277 = arith.constant 1 : i32
        %add3A_278 = vector.broadcast %add3A_277 : i32 to vector<16xi32>
        %add3A_279 = arith.addi %scan3A_175, %add3A_278 : vector<16xi32>
        %and3A_280 = arith.constant 127 : i32
        %and3A_281 = vector.broadcast %and3A_280 : i32 to vector<16xi32>
        %and3A_282 = arith.andi %add3A_279, %and3A_281 : vector<16xi32>
        %gather3A_283 = tpu.vector_load_idx %arg6[%add3A_73, %and3A_282] : memref<128x128xf32, #tpu.memory_space<vmem>>[vector<16xi32>, vector<16xi32>], vector<16xf32>,
        %gt3A_284 = arith.cmpf ogt, %gather3A_283, %scan3A_183 : vector<16xf32>
        %eq3A_285 = arith.cmpf oeq, %gather3A_283, %scan3A_183 : vector<16xf32>
        %lt3A_286 = arith.cmpi slt, %and3A_282, %scan3A_191 : vector<16xi32>
        %and3A_287 = arith.andi %eq3A_285, %lt3A_286 : vector<16xi1>
        %or3A_288 = arith.ori %gt3A_284, %and3A_287 : vector<16xi1>
        %select_n3A_289 = arith.select %or3A_288, %gather3A_283, %scan3A_183 : vector<16xi1>, vector<16xf32>
        %select_n3A_290 = arith.select %or3A_288, %and3A_282, %scan3A_191 : vector<16xi1>, vector<16xi32>
        %add3A_291 = arith.constant 1 : i32
        %add3A_292 = vector.broadcast %add3A_291 : i32 to vector<16xi32>
        %add3A_293 = arith.addi %scan3A_176, %add3A_292 : vector<16xi32>
        %and3A_294 = arith.constant 127 : i32
        %and3A_295 = vector.broadcast %and3A_294 : i32 to vector<16xi32>
        %and3A_296 = arith.andi %add3A_293, %and3A_295 : vector<16xi32>
        %gather3A_297 = tpu.vector_load_idx %arg6[%add3A_73, %and3A_296] : memref<128x128xf32, #tpu.memory_space<vmem>>[vector<16xi32>, vector<16xi32>], vector<16xf32>,
        %gt3A_298 = arith.cmpf ogt, %gather3A_297, %scan3A_184 : vector<16xf32>
        %eq3A_299 = arith.cmpf oeq, %gather3A_297, %scan3A_184 : vector<16xf32>
        %lt3A_300 = arith.cmpi slt, %and3A_296, %scan3A_192 : vector<16xi32>
        %and3A_301 = arith.andi %eq3A_299, %lt3A_300 : vector<16xi1>
        %or3A_302 = arith.ori %gt3A_298, %and3A_301 : vector<16xi1>
        %select_n3A_303 = arith.select %or3A_302, %gather3A_297, %scan3A_184 : vector<16xi1>, vector<16xf32>
        %select_n3A_304 = arith.select %or3A_302, %and3A_296, %scan3A_192 : vector<16xi1>, vector<16xi32>
        %add3A_305 = arith.constant 1 : i32
        %add3A_306 = vector.broadcast %add3A_305 : i32 to vector<16xi32>
        %add3A_307 = arith.addi %and3A_198, %add3A_306 : vector<16xi32>
        %and3A_308 = arith.constant 127 : i32
        %and3A_309 = vector.broadcast %and3A_308 : i32 to vector<16xi32>
        %and3A_310 = arith.andi %add3A_307, %and3A_309 : vector<16xi32>
        %gather3A_311 = tpu.vector_load_idx %arg6[%add3A_73, %and3A_310] : memref<128x128xf32, #tpu.memory_space<vmem>>[vector<16xi32>, vector<16xi32>], vector<16xf32>,
        %gt3A_312 = arith.cmpf ogt, %gather3A_311, %select_n3A_205 : vector<16xf32>
        %eq3A_313 = arith.cmpf oeq, %gather3A_311, %select_n3A_205 : vector<16xf32>
        %lt3A_314 = arith.cmpi slt, %and3A_310, %select_n3A_206 : vector<16xi32>
        %and3A_315 = arith.andi %eq3A_313, %lt3A_314 : vector<16xi1>
        %or3A_316 = arith.ori %gt3A_312, %and3A_315 : vector<16xi1>
        %select_n3A_317 = arith.select %or3A_316, %gather3A_311, %select_n3A_205 : vector<16xi1>, vector<16xf32>
        %select_n3A_318 = arith.select %or3A_316, %and3A_310, %select_n3A_206 : vector<16xi1>, vector<16xi32>
        %add3A_319 = arith.constant 1 : i32
        %add3A_320 = vector.broadcast %add3A_319 : i32 to vector<16xi32>
        %add3A_321 = arith.addi %and3A_212, %add3A_320 : vector<16xi32>
        %and3A_322 = arith.constant 127 : i32
        %and3A_323 = vector.broadcast %and3A_322 : i32 to vector<16xi32>
        %and3A_324 = arith.andi %add3A_321, %and3A_323 : vector<16xi32>
        %gather3A_325 = tpu.vector_load_idx %arg6[%add3A_73, %and3A_324] : memref<128x128xf32, #tpu.memory_space<vmem>>[vector<16xi32>, vector<16xi32>], vector<16xf32>,
        %gt3A_326 = arith.cmpf ogt, %gather3A_325, %select_n3A_219 : vector<16xf32>
        %eq3A_327 = arith.cmpf oeq, %gather3A_325, %select_n3A_219 : vector<16xf32>
        %lt3A_328 = arith.cmpi slt, %and3A_324, %select_n3A_220 : vector<16xi32>
        %and3A_329 = arith.andi %eq3A_327, %lt3A_328 : vector<16xi1>
        %or3A_330 = arith.ori %gt3A_326, %and3A_329 : vector<16xi1>
        %select_n3A_331 = arith.select %or3A_330, %gather3A_325, %select_n3A_219 : vector<16xi1>, vector<16xf32>
        %select_n3A_332 = arith.select %or3A_330, %and3A_324, %select_n3A_220 : vector<16xi1>, vector<16xi32>
        %add3A_333 = arith.constant 1 : i32
        %add3A_334 = vector.broadcast %add3A_333 : i32 to vector<16xi32>
        %add3A_335 = arith.addi %and3A_226, %add3A_334 : vector<16xi32>
        %and3A_336 = arith.constant 127 : i32
        %and3A_337 = vector.broadcast %and3A_336 : i32 to vector<16xi32>
        %and3A_338 = arith.andi %add3A_335, %and3A_337 : vector<16xi32>
        %gather3A_339 = tpu.vector_load_idx %arg6[%add3A_73, %and3A_338] : memref<128x128xf32, #tpu.memory_space<vmem>>[vector<16xi32>, vector<16xi32>], vector<16xf32>,
        %gt3A_340 = arith.cmpf ogt, %gather3A_339, %select_n3A_233 : vector<16xf32>
        %eq3A_341 = arith.cmpf oeq, %gather3A_339, %select_n3A_233 : vector<16xf32>
        %lt3A_342 = arith.cmpi slt, %and3A_338, %select_n3A_234 : vector<16xi32>
        %and3A_343 = arith.andi %eq3A_341, %lt3A_342 : vector<16xi1>
        %or3A_344 = arith.ori %gt3A_340, %and3A_343 : vector<16xi1>
        %select_n3A_345 = arith.select %or3A_344, %gather3A_339, %select_n3A_233 : vector<16xi1>, vector<16xf32>
        %select_n3A_346 = arith.select %or3A_344, %and3A_338, %select_n3A_234 : vector<16xi1>, vector<16xi32>
        %add3A_347 = arith.constant 1 : i32
        %add3A_348 = vector.broadcast %add3A_347 : i32 to vector<16xi32>
        %add3A_349 = arith.addi %and3A_240, %add3A_348 : vector<16xi32>
        %and3A_350 = arith.constant 127 : i32
        %and3A_351 = vector.broadcast %and3A_350 : i32 to vector<16xi32>
        %and3A_352 = arith.andi %add3A_349, %and3A_351 : vector<16xi32>
        %gather3A_353 = tpu.vector_load_idx %arg6[%add3A_73, %and3A_352] : memref<128x128xf32, #tpu.memory_space<vmem>>[vector<16xi32>, vector<16xi32>], vector<16xf32>,
        %gt3A_354 = arith.cmpf ogt, %gather3A_353, %select_n3A_247 : vector<16xf32>
        %eq3A_355 = arith.cmpf oeq, %gather3A_353, %select_n3A_247 : vector<16xf32>
        %lt3A_356 = arith.cmpi slt, %and3A_352, %select_n3A_248 : vector<16xi32>
        %and3A_357 = arith.andi %eq3A_355, %lt3A_356 : vector<16xi1>
        %or3A_358 = arith.ori %gt3A_354, %and3A_357 : vector<16xi1>
        %select_n3A_359 = arith.select %or3A_358, %gather3A_353, %select_n3A_247 : vector<16xi1>, vector<16xf32>
        %select_n3A_360 = arith.select %or3A_358, %and3A_352, %select_n3A_248 : vector<16xi1>, vector<16xi32>
        %add3A_361 = arith.constant 1 : i32
        %add3A_362 = vector.broadcast %add3A_361 : i32 to vector<16xi32>
        %add3A_363 = arith.addi %and3A_254, %add3A_362 : vector<16xi32>
        %and3A_364 = arith.constant 127 : i32
        %and3A_365 = vector.broadcast %and3A_364 : i32 to vector<16xi32>
        %and3A_366 = arith.andi %add3A_363, %and3A_365 : vector<16xi32>
        %gather3A_367 = tpu.vector_load_idx %arg6[%add3A_73, %and3A_366] : memref<128x128xf32, #tpu.memory_space<vmem>>[vector<16xi32>, vector<16xi32>], vector<16xf32>,
        %gt3A_368 = arith.cmpf ogt, %gather3A_367, %select_n3A_261 : vector<16xf32>
        %eq3A_369 = arith.cmpf oeq, %gather3A_367, %select_n3A_261 : vector<16xf32>
        %lt3A_370 = arith.cmpi slt, %and3A_366, %select_n3A_262 : vector<16xi32>
        %and3A_371 = arith.andi %eq3A_369, %lt3A_370 : vector<16xi1>
        %or3A_372 = arith.ori %gt3A_368, %and3A_371 : vector<16xi1>
        %select_n3A_373 = arith.select %or3A_372, %gather3A_367, %select_n3A_261 : vector<16xi1>, vector<16xf32>
        %select_n3A_374 = arith.select %or3A_372, %and3A_366, %select_n3A_262 : vector<16xi1>, vector<16xi32>
        %add3A_375 = arith.constant 1 : i32
        %add3A_376 = vector.broadcast %add3A_375 : i32 to vector<16xi32>
        %add3A_377 = arith.addi %and3A_268, %add3A_376 : vector<16xi32>
        %and3A_378 = arith.constant 127 : i32
        %and3A_379 = vector.broadcast %and3A_378 : i32 to vector<16xi32>
        %and3A_380 = arith.andi %add3A_377, %and3A_379 : vector<16xi32>
        %gather3A_381 = tpu.vector_load_idx %arg6[%add3A_73, %and3A_380] : memref<128x128xf32, #tpu.memory_space<vmem>>[vector<16xi32>, vector<16xi32>], vector<16xf32>,
        %gt3A_382 = arith.cmpf ogt, %gather3A_381, %select_n3A_275 : vector<16xf32>
        %eq3A_383 = arith.cmpf oeq, %gather3A_381, %select_n3A_275 : vector<16xf32>
        %lt3A_384 = arith.cmpi slt, %and3A_380, %select_n3A_276 : vector<16xi32>
        %and3A_385 = arith.andi %eq3A_383, %lt3A_384 : vector<16xi1>
        %or3A_386 = arith.ori %gt3A_382, %and3A_385 : vector<16xi1>
        %select_n3A_387 = arith.select %or3A_386, %gather3A_381, %select_n3A_275 : vector<16xi1>, vector<16xf32>
        %select_n3A_388 = arith.select %or3A_386, %and3A_380, %select_n3A_276 : vector<16xi1>, vector<16xi32>
        %add3A_389 = arith.constant 1 : i32
        %add3A_390 = vector.broadcast %add3A_389 : i32 to vector<16xi32>
        %add3A_391 = arith.addi %and3A_282, %add3A_390 : vector<16xi32>
        %and3A_392 = arith.constant 127 : i32
        %and3A_393 = vector.broadcast %and3A_392 : i32 to vector<16xi32>
        %and3A_394 = arith.andi %add3A_391, %and3A_393 : vector<16xi32>
        %gather3A_395 = tpu.vector_load_idx %arg6[%add3A_73, %and3A_394] : memref<128x128xf32, #tpu.memory_space<vmem>>[vector<16xi32>, vector<16xi32>], vector<16xf32>,
        %gt3A_396 = arith.cmpf ogt, %gather3A_395, %select_n3A_289 : vector<16xf32>
        %eq3A_397 = arith.cmpf oeq, %gather3A_395, %select_n3A_289 : vector<16xf32>
        %lt3A_398 = arith.cmpi slt, %and3A_394, %select_n3A_290 : vector<16xi32>
        %and3A_399 = arith.andi %eq3A_397, %lt3A_398 : vector<16xi1>
        %or3A_400 = arith.ori %gt3A_396, %and3A_399 : vector<16xi1>
        %select_n3A_401 = arith.select %or3A_400, %gather3A_395, %select_n3A_289 : vector<16xi1>, vector<16xf32>
        %select_n3A_402 = arith.select %or3A_400, %and3A_394, %select_n3A_290 : vector<16xi1>, vector<16xi32>
        %add3A_403 = arith.constant 1 : i32
        %add3A_404 = vector.broadcast %add3A_403 : i32 to vector<16xi32>
        %add3A_405 = arith.addi %and3A_296, %add3A_404 : vector<16xi32>
        %and3A_406 = arith.constant 127 : i32
        %and3A_407 = vector.broadcast %and3A_406 : i32 to vector<16xi32>
        %and3A_408 = arith.andi %add3A_405, %and3A_407 : vector<16xi32>
        %gather3A_409 = tpu.vector_load_idx %arg6[%add3A_73, %and3A_408] : memref<128x128xf32, #tpu.memory_space<vmem>>[vector<16xi32>, vector<16xi32>], vector<16xf32>,
        %gt3A_410 = arith.cmpf ogt, %gather3A_409, %select_n3A_303 : vector<16xf32>
        %eq3A_411 = arith.cmpf oeq, %gather3A_409, %select_n3A_303 : vector<16xf32>
        %lt3A_412 = arith.cmpi slt, %and3A_408, %select_n3A_304 : vector<16xi32>
        %and3A_413 = arith.andi %eq3A_411, %lt3A_412 : vector<16xi1>
        %or3A_414 = arith.ori %gt3A_410, %and3A_413 : vector<16xi1>
        %select_n3A_415 = arith.select %or3A_414, %gather3A_409, %select_n3A_303 : vector<16xi1>, vector<16xf32>
        %select_n3A_416 = arith.select %or3A_414, %and3A_408, %select_n3A_304 : vector<16xi1>, vector<16xi32>
        %add3A_417 = arith.constant 1 : i32
        %add3A_418 = vector.broadcast %add3A_417 : i32 to vector<16xi32>
        %add3A_419 = arith.addi %and3A_310, %add3A_418 : vector<16xi32>
        %and3A_420 = arith.constant 127 : i32
        %and3A_421 = vector.broadcast %and3A_420 : i32 to vector<16xi32>
        %and3A_422 = arith.andi %add3A_419, %and3A_421 : vector<16xi32>
        %gather3A_423 = tpu.vector_load_idx %arg6[%add3A_73, %and3A_422] : memref<128x128xf32, #tpu.memory_space<vmem>>[vector<16xi32>, vector<16xi32>], vector<16xf32>,
        %gt3A_424 = arith.cmpf ogt, %gather3A_423, %select_n3A_317 : vector<16xf32>
        %eq3A_425 = arith.cmpf oeq, %gather3A_423, %select_n3A_317 : vector<16xf32>
        %lt3A_426 = arith.cmpi slt, %and3A_422, %select_n3A_318 : vector<16xi32>
        %and3A_427 = arith.andi %eq3A_425, %lt3A_426 : vector<16xi1>
        %or3A_428 = arith.ori %gt3A_424, %and3A_427 : vector<16xi1>
        %select_n3A_429 = arith.select %or3A_428, %gather3A_423, %select_n3A_317 : vector<16xi1>, vector<16xf32>
        %select_n3A_430 = arith.select %or3A_428, %and3A_422, %select_n3A_318 : vector<16xi1>, vector<16xi32>
        %add3A_431 = arith.constant 1 : i32
        %add3A_432 = vector.broadcast %add3A_431 : i32 to vector<16xi32>
        %add3A_433 = arith.addi %and3A_324, %add3A_432 : vector<16xi32>
        %and3A_434 = arith.constant 127 : i32
        %and3A_435 = vector.broadcast %and3A_434 : i32 to vector<16xi32>
        %and3A_436 = arith.andi %add3A_433, %and3A_435 : vector<16xi32>
        %gather3A_437 = tpu.vector_load_idx %arg6[%add3A_73, %and3A_436] : memref<128x128xf32, #tpu.memory_space<vmem>>[vector<16xi32>, vector<16xi32>], vector<16xf32>,
        %gt3A_438 = arith.cmpf ogt, %gather3A_437, %select_n3A_331 : vector<16xf32>
        %eq3A_439 = arith.cmpf oeq, %gather3A_437, %select_n3A_331 : vector<16xf32>
        %lt3A_440 = arith.cmpi slt, %and3A_436, %select_n3A_332 : vector<16xi32>
        %and3A_441 = arith.andi %eq3A_439, %lt3A_440 : vector<16xi1>
        %or3A_442 = arith.ori %gt3A_438, %and3A_441 : vector<16xi1>
        %select_n3A_443 = arith.select %or3A_442, %gather3A_437, %select_n3A_331 : vector<16xi1>, vector<16xf32>
        %select_n3A_444 = arith.select %or3A_442, %and3A_436, %select_n3A_332 : vector<16xi1>, vector<16xi32>
        %add3A_445 = arith.constant 1 : i32
        %add3A_446 = vector.broadcast %add3A_445 : i32 to vector<16xi32>
        %add3A_447 = arith.addi %and3A_338, %add3A_446 : vector<16xi32>
        %and3A_448 = arith.constant 127 : i32
        %and3A_449 = vector.broadcast %and3A_448 : i32 to vector<16xi32>
        %and3A_450 = arith.andi %add3A_447, %and3A_449 : vector<16xi32>
        %gather3A_451 = tpu.vector_load_idx %arg6[%add3A_73, %and3A_450] : memref<128x128xf32, #tpu.memory_space<vmem>>[vector<16xi32>, vector<16xi32>], vector<16xf32>,
        %gt3A_452 = arith.cmpf ogt, %gather3A_451, %select_n3A_345 : vector<16xf32>
        %eq3A_453 = arith.cmpf oeq, %gather3A_451, %select_n3A_345 : vector<16xf32>
        %lt3A_454 = arith.cmpi slt, %and3A_450, %select_n3A_346 : vector<16xi32>
        %and3A_455 = arith.andi %eq3A_453, %lt3A_454 : vector<16xi1>
        %or3A_456 = arith.ori %gt3A_452, %and3A_455 : vector<16xi1>
        %select_n3A_457 = arith.select %or3A_456, %gather3A_451, %select_n3A_345 : vector<16xi1>, vector<16xf32>
        %select_n3A_458 = arith.select %or3A_456, %and3A_450, %select_n3A_346 : vector<16xi1>, vector<16xi32>
        %add3A_459 = arith.constant 1 : i32
        %add3A_460 = vector.broadcast %add3A_459 : i32 to vector<16xi32>
        %add3A_461 = arith.addi %and3A_352, %add3A_460 : vector<16xi32>
        %and3A_462 = arith.constant 127 : i32
        %and3A_463 = vector.broadcast %and3A_462 : i32 to vector<16xi32>
        %and3A_464 = arith.andi %add3A_461, %and3A_463 : vector<16xi32>
        %gather3A_465 = tpu.vector_load_idx %arg6[%add3A_73, %and3A_464] : memref<128x128xf32, #tpu.memory_space<vmem>>[vector<16xi32>, vector<16xi32>], vector<16xf32>,
        %gt3A_466 = arith.cmpf ogt, %gather3A_465, %select_n3A_359 : vector<16xf32>
        %eq3A_467 = arith.cmpf oeq, %gather3A_465, %select_n3A_359 : vector<16xf32>
        %lt3A_468 = arith.cmpi slt, %and3A_464, %select_n3A_360 : vector<16xi32>
        %and3A_469 = arith.andi %eq3A_467, %lt3A_468 : vector<16xi1>
        %or3A_470 = arith.ori %gt3A_466, %and3A_469 : vector<16xi1>
        %select_n3A_471 = arith.select %or3A_470, %gather3A_465, %select_n3A_359 : vector<16xi1>, vector<16xf32>
        %select_n3A_472 = arith.select %or3A_470, %and3A_464, %select_n3A_360 : vector<16xi1>, vector<16xi32>
        %add3A_473 = arith.constant 1 : i32
        %add3A_474 = vector.broadcast %add3A_473 : i32 to vector<16xi32>
        %add3A_475 = arith.addi %and3A_366, %add3A_474 : vector<16xi32>
        %and3A_476 = arith.constant 127 : i32
        %and3A_477 = vector.broadcast %and3A_476 : i32 to vector<16xi32>
        %and3A_478 = arith.andi %add3A_475, %and3A_477 : vector<16xi32>
        %gather3A_479 = tpu.vector_load_idx %arg6[%add3A_73, %and3A_478] : memref<128x128xf32, #tpu.memory_space<vmem>>[vector<16xi32>, vector<16xi32>], vector<16xf32>,
        %gt3A_480 = arith.cmpf ogt, %gather3A_479, %select_n3A_373 : vector<16xf32>
        %eq3A_481 = arith.cmpf oeq, %gather3A_479, %select_n3A_373 : vector<16xf32>
        %lt3A_482 = arith.cmpi slt, %and3A_478, %select_n3A_374 : vector<16xi32>
        %and3A_483 = arith.andi %eq3A_481, %lt3A_482 : vector<16xi1>
        %or3A_484 = arith.ori %gt3A_480, %and3A_483 : vector<16xi1>
        %select_n3A_485 = arith.select %or3A_484, %gather3A_479, %select_n3A_373 : vector<16xi1>, vector<16xf32>
        %select_n3A_486 = arith.select %or3A_484, %and3A_478, %select_n3A_374 : vector<16xi1>, vector<16xi32>
        %add3A_487 = arith.constant 1 : i32
        %add3A_488 = vector.broadcast %add3A_487 : i32 to vector<16xi32>
        %add3A_489 = arith.addi %and3A_380, %add3A_488 : vector<16xi32>
        %and3A_490 = arith.constant 127 : i32
        %and3A_491 = vector.broadcast %and3A_490 : i32 to vector<16xi32>
        %and3A_492 = arith.andi %add3A_489, %and3A_491 : vector<16xi32>
        %gather3A_493 = tpu.vector_load_idx %arg6[%add3A_73, %and3A_492] : memref<128x128xf32, #tpu.memory_space<vmem>>[vector<16xi32>, vector<16xi32>], vector<16xf32>,
        %gt3A_494 = arith.cmpf ogt, %gather3A_493, %select_n3A_387 : vector<16xf32>
        %eq3A_495 = arith.cmpf oeq, %gather3A_493, %select_n3A_387 : vector<16xf32>
        %lt3A_496 = arith.cmpi slt, %and3A_492, %select_n3A_388 : vector<16xi32>
        %and3A_497 = arith.andi %eq3A_495, %lt3A_496 : vector<16xi1>
        %or3A_498 = arith.ori %gt3A_494, %and3A_497 : vector<16xi1>
        %select_n3A_499 = arith.select %or3A_498, %gather3A_493, %select_n3A_387 : vector<16xi1>, vector<16xf32>
        %select_n3A_500 = arith.select %or3A_498, %and3A_492, %select_n3A_388 : vector<16xi1>, vector<16xi32>
        %add3A_501 = arith.constant 1 : i32
        %add3A_502 = vector.broadcast %add3A_501 : i32 to vector<16xi32>
        %add3A_503 = arith.addi %and3A_394, %add3A_502 : vector<16xi32>
        %and3A_504 = arith.constant 127 : i32
        %and3A_505 = vector.broadcast %and3A_504 : i32 to vector<16xi32>
        %and3A_506 = arith.andi %add3A_503, %and3A_505 : vector<16xi32>
        %gather3A_507 = tpu.vector_load_idx %arg6[%add3A_73, %and3A_506] : memref<128x128xf32, #tpu.memory_space<vmem>>[vector<16xi32>, vector<16xi32>], vector<16xf32>,
        %gt3A_508 = arith.cmpf ogt, %gather3A_507, %select_n3A_401 : vector<16xf32>
        %eq3A_509 = arith.cmpf oeq, %gather3A_507, %select_n3A_401 : vector<16xf32>
        %lt3A_510 = arith.cmpi slt, %and3A_506, %select_n3A_402 : vector<16xi32>
        %and3A_511 = arith.andi %eq3A_509, %lt3A_510 : vector<16xi1>
        %or3A_512 = arith.ori %gt3A_508, %and3A_511 : vector<16xi1>
        %select_n3A_513 = arith.select %or3A_512, %gather3A_507, %select_n3A_401 : vector<16xi1>, vector<16xf32>
        %select_n3A_514 = arith.select %or3A_512, %and3A_506, %select_n3A_402 : vector<16xi1>, vector<16xi32>
        %add3A_515 = arith.constant 1 : i32
        %add3A_516 = vector.broadcast %add3A_515 : i32 to vector<16xi32>
        %add3A_517 = arith.addi %and3A_408, %add3A_516 : vector<16xi32>
        %and3A_518 = arith.constant 127 : i32
        %and3A_519 = vector.broadcast %and3A_518 : i32 to vector<16xi32>
        %and3A_520 = arith.andi %add3A_517, %and3A_519 : vector<16xi32>
        %gather3A_521 = tpu.vector_load_idx %arg6[%add3A_73, %and3A_520] : memref<128x128xf32, #tpu.memory_space<vmem>>[vector<16xi32>, vector<16xi32>], vector<16xf32>,
        %gt3A_522 = arith.cmpf ogt, %gather3A_521, %select_n3A_415 : vector<16xf32>
        %eq3A_523 = arith.cmpf oeq, %gather3A_521, %select_n3A_415 : vector<16xf32>
        %lt3A_524 = arith.cmpi slt, %and3A_520, %select_n3A_416 : vector<16xi32>
        %and3A_525 = arith.andi %eq3A_523, %lt3A_524 : vector<16xi1>
        %or3A_526 = arith.ori %gt3A_522, %and3A_525 : vector<16xi1>
        %select_n3A_527 = arith.select %or3A_526, %gather3A_521, %select_n3A_415 : vector<16xi1>, vector<16xf32>
        %select_n3A_528 = arith.select %or3A_526, %and3A_520, %select_n3A_416 : vector<16xi1>, vector<16xi32>
        scf.yield %and3A_422, %and3A_436, %and3A_450, %and3A_464, %and3A_478, %and3A_492, %and3A_506, %and3A_520, %select_n3A_429, %select_n3A_443, %select_n3A_457, %select_n3A_471, %select_n3A_485, %select_n3A_499, %select_n3A_513, %select_n3A_527, %select_n3A_430, %select_n3A_444, %select_n3A_458, %select_n3A_472, %select_n3A_486, %select_n3A_500, %select_n3A_514, %select_n3A_528 : vector<16xi32>, vector<16xi32>, vector<16xi32>, vector<16xi32>, vector<16xi32>, vector<16xi32>, vector<16xi32>, vector<16xi32>, vector<16xf32>, vector<16xf32>, vector<16xf32>, vector<16xf32>, vector<16xf32>, vector<16xf32>, vector<16xf32>, vector<16xf32>, vector<16xi32>, vector<16xi32>, vector<16xi32>, vector<16xi32>, vector<16xi32>, vector<16xi32>, vector<16xi32>, vector<16xi32>
      }
      %scan3A_118 = arith.constant 5 : i32
      %gt3A = arith.cmpf ogt, %scan3A_117#9, %scan3A_117#8 : vector<16xf32>
      %eq3A = arith.cmpf oeq, %scan3A_117#9, %scan3A_117#8 : vector<16xf32>
      %lt3A = arith.cmpi slt, %scan3A_117#17, %scan3A_117#16 : vector<16xi32>
      %and3A = arith.andi %eq3A, %lt3A : vector<16xi1>
      %or3A = arith.ori %gt3A, %and3A : vector<16xi1>
      %select_n3A = arith.select %or3A, %scan3A_117#9, %scan3A_117#8 : vector<16xi1>, vector<16xf32>
      %select_n3A_119 = arith.select %or3A, %scan3A_117#17, %scan3A_117#16 : vector<16xi1>, vector<16xi32>
      %gt3A_120 = arith.cmpf ogt, %scan3A_117#11, %scan3A_117#10 : vector<16xf32>
      %eq3A_121 = arith.cmpf oeq, %scan3A_117#11, %scan3A_117#10 : vector<16xf32>
      %lt3A_122 = arith.cmpi slt, %scan3A_117#19, %scan3A_117#18 : vector<16xi32>
      %and3A_123 = arith.andi %eq3A_121, %lt3A_122 : vector<16xi1>
      %or3A_124 = arith.ori %gt3A_120, %and3A_123 : vector<16xi1>
      %select_n3A_125 = arith.select %or3A_124, %scan3A_117#11, %scan3A_117#10 : vector<16xi1>, vector<16xf32>
      %select_n3A_126 = arith.select %or3A_124, %scan3A_117#19, %scan3A_117#18 : vector<16xi1>, vector<16xi32>
      %gt3A_127 = arith.cmpf ogt, %scan3A_117#13, %scan3A_117#12 : vector<16xf32>
      %eq3A_128 = arith.cmpf oeq, %scan3A_117#13, %scan3A_117#12 : vector<16xf32>
      %lt3A_129 = arith.cmpi slt, %scan3A_117#21, %scan3A_117#20 : vector<16xi32>
      %and3A_130 = arith.andi %eq3A_128, %lt3A_129 : vector<16xi1>
      %or3A_131 = arith.ori %gt3A_127, %and3A_130 : vector<16xi1>
      %select_n3A_132 = arith.select %or3A_131, %scan3A_117#13, %scan3A_117#12 : vector<16xi1>, vector<16xf32>
      %select_n3A_133 = arith.select %or3A_131, %scan3A_117#21, %scan3A_117#20 : vector<16xi1>, vector<16xi32>
      %gt3A_134 = arith.cmpf ogt, %scan3A_117#15, %scan3A_117#14 : vector<16xf32>
      %eq3A_135 = arith.cmpf oeq, %scan3A_117#15, %scan3A_117#14 : vector<16xf32>
      %lt3A_136 = arith.cmpi slt, %scan3A_117#23, %scan3A_117#22 : vector<16xi32>
      %and3A_137 = arith.andi %eq3A_135, %lt3A_136 : vector<16xi1>
      %or3A_138 = arith.ori %gt3A_134, %and3A_137 : vector<16xi1>
      %select_n3A_139 = arith.select %or3A_138, %scan3A_117#15, %scan3A_117#14 : vector<16xi1>, vector<16xf32>
      %select_n3A_140 = arith.select %or3A_138, %scan3A_117#23, %scan3A_117#22 : vector<16xi1>, vector<16xi32>
      %gt3A_141 = arith.cmpf ogt, %select_n3A_125, %select_n3A : vector<16xf32>
      %eq3A_142 = arith.cmpf oeq, %select_n3A_125, %select_n3A : vector<16xf32>
      %lt3A_143 = arith.cmpi slt, %select_n3A_126, %select_n3A_119 : vector<16xi32>
      %and3A_144 = arith.andi %eq3A_142, %lt3A_143 : vector<16xi1>
      %or3A_145 = arith.ori %gt3A_141, %and3A_144 : vector<16xi1>
      %select_n3A_146 = arith.select %or3A_145, %select_n3A_125, %select_n3A : vector<16xi1>, vector<16xf32>
      %select_n3A_147 = arith.select %or3A_145, %select_n3A_126, %select_n3A_119 : vector<16xi1>, vector<16xi32>
      %gt3A_148 = arith.cmpf ogt, %select_n3A_139, %select_n3A_132 : vector<16xf32>
      %eq3A_149 = arith.cmpf oeq, %select_n3A_139, %select_n3A_132 : vector<16xf32>
      %lt3A_150 = arith.cmpi slt, %select_n3A_140, %select_n3A_133 : vector<16xi32>
      %and3A_151 = arith.andi %eq3A_149, %lt3A_150 : vector<16xi1>
      %or3A_152 = arith.ori %gt3A_148, %and3A_151 : vector<16xi1>
      %select_n3A_153 = arith.select %or3A_152, %select_n3A_139, %select_n3A_132 : vector<16xi1>, vector<16xf32>
      %select_n3A_154 = arith.select %or3A_152, %select_n3A_140, %select_n3A_133 : vector<16xi1>, vector<16xi32>
      %gt3A_155 = arith.cmpf ogt, %select_n3A_153, %select_n3A_146 : vector<16xf32>
      %eq3A_156 = arith.cmpf oeq, %select_n3A_153, %select_n3A_146 : vector<16xf32>
      %lt3A_157 = arith.cmpi slt, %select_n3A_154, %select_n3A_147 : vector<16xi32>
      %and3A_158 = arith.andi %eq3A_156, %lt3A_157 : vector<16xi1>
      %or3A_159 = arith.ori %gt3A_155, %and3A_158 : vector<16xi1>
      %select_n3A_160 = arith.select %or3A_159, %select_n3A_153, %select_n3A_146 : vector<16xi1>, vector<16xf32>
      %select_n3A_161 = arith.select %or3A_159, %select_n3A_154, %select_n3A_147 : vector<16xi1>, vector<16xi32>
      %mul3A_162 = arith.constant 16 : i32
      %mul3A_163 = arith.muli %scan3A_68, %mul3A_162 : i32
      %add3A_164 = arith.constant 0 : i32
      %add3A_165 = arith.addi %add3A_164, %mul3A_163 : i32
      %swap3A = arith.index_cast %add3A_165 : i32 to index
      %swap3A_166 = tpu.vector_load %arg8[%swap3A] {strides = array<i32>} : memref<512xi32, #tpu.memory_space<vmem>>, vector<16xi32>,
      tpu.vector_store %arg8[%swap3A], %select_n3A_161 {strides = array<i32>} : memref<512xi32, #tpu.memory_space<vmem>>, vector<16xi32>,
      %scan3A_167 = arith.constant 0 : i32
      scf.yield %scan3A_167 : i32
    }
    %scan3A_21 = arith.constant 8 : i32
    %dma_start3A_22 = arith.constant 256 : i32
    %dma_start3A_23 = tpu.memref_slice %arg5[%dma_start3A_22] : memref<512xi32, #tpu.memory_space<vmem>> -> memref<128xi32, #tpu.memory_space<vmem>>
    %dma_start3A_24 = arith.constant 0 : i32
    %dma_start3A_25 = arith.constant 0 : i32
    %dma_start3A_26 = tpu.memref_slice %arg3[%dma_start3A_24, %dma_start3A_25] : memref<1000000x128xf32, #tpu.memory_space<hbm>> -> memref<1000000x128xf32, #tpu.memory_space<hbm>>
    tpu.enqueue_indirect_dma source(%dma_start3A_26 : memref<1000000x128xf32, #tpu.memory_space<hbm>>) target(%arg6 : memref<128x128xf32, #tpu.memory_space<vmem>>) offsets(%dma_start3A_23 : memref<128xi32, #tpu.memory_space<vmem>>) semaphore(%arg9 : memref<!tpu.dma_semaphore, #tpu.memory_space<semaphore_mem>>)
    %dma_wait3A_27 = arith.constant 128 : i32
    %dma_wait3A_28 = tpu.memref_slice %arg5[%dma_wait3A_27] : memref<512xi32, #tpu.memory_space<vmem>> -> memref<128xi32, #tpu.memory_space<vmem>>
    %dma_wait3A_29 = arith.constant 0 : i32
    %dma_wait3A_30 = arith.constant 0 : i32
    %dma_wait3A_31 = tpu.memref_slice %arg3[%dma_wait3A_29, %dma_wait3A_30] : memref<1000000x128xf32, #tpu.memory_space<hbm>> -> memref<1000000x128xf32, #tpu.memory_space<hbm>>
    tpu.wait_indirect_dma semaphore(%arg10 : memref<!tpu.dma_semaphore, #tpu.memory_space<semaphore_mem>>) src(%dma_wait3A_31 : memref<1000000x128xf32, #tpu.memory_space<hbm>>) dst(%arg7 : memref<128x128xf32, #tpu.memory_space<vmem>>)
    %scan3A_32 = arith.constant 0 : i32
    %scan3A_33 = arith.constant 0 : i32
    %scan3A_34 = arith.constant 8 : i32
    %scan3A_35 = arith.addi %scan3A_33, %scan3A_34 : i32
    %scan3A_36 = arith.constant 1 : i32
    %scan3A_37 = scf.for %scan3A_68 = %scan3A_33 to %scan3A_35 step %scan3A_36 iter_args(%scan3A_69 = %scan3A_32) -> (i32)  : i32 {
      %iota3A = tpu.iota {dimensions = array<i32: 0>} : vector<16xi32>
      %mul3A_70 = arith.constant 16 : i32
      %mul3A_71 = arith.muli %scan3A_68, %mul3A_70 : i32
      %add3A_72 = vector.broadcast %mul3A_71 : i32 to vector<16xi32>
      %add3A_73 = arith.addi %iota3A, %add3A_72 : vector<16xi32>
      %iota3A_74 = tpu.iota {dimensions = array<i32: 0>} : vector<16xi32>
      %add3A_75 = arith.constant 0 : i32
      %add3A_76 = vector.broadcast %add3A_75 : i32 to vector<16xi32>
      %add3A_77 = arith.addi %iota3A_74, %add3A_76 : vector<16xi32>
      %iota3A_78 = tpu.iota {dimensions = array<i32: 0>} : vector<16xi32>
      %add3A_79 = arith.constant 16 : i32
      %add3A_80 = vector.broadcast %add3A_79 : i32 to vector<16xi32>
      %add3A_81 = arith.addi %iota3A_78, %add3A_80 : vector<16xi32>
      %iota3A_82 = tpu.iota {dimensions = array<i32: 0>} : vector<16xi32>
      %add3A_83 = arith.constant 32 : i32
      %add3A_84 = vector.broadcast %add3A_83 : i32 to vector<16xi32>
      %add3A_85 = arith.addi %iota3A_82, %add3A_84 : vector<16xi32>
      %iota3A_86 = tpu.iota {dimensions = array<i32: 0>} : vector<16xi32>
      %add3A_87 = arith.constant 48 : i32
      %add3A_88 = vector.broadcast %add3A_87 : i32 to vector<16xi32>
      %add3A_89 = arith.addi %iota3A_86, %add3A_88 : vector<16xi32>
      %iota3A_90 = tpu.iota {dimensions = array<i32: 0>} : vector<16xi32>
      %add3A_91 = arith.constant 64 : i32
      %add3A_92 = vector.broadcast %add3A_91 : i32 to vector<16xi32>
      %add3A_93 = arith.addi %iota3A_90, %add3A_92 : vector<16xi32>
      %iota3A_94 = tpu.iota {dimensions = array<i32: 0>} : vector<16xi32>
      %add3A_95 = arith.constant 80 : i32
      %add3A_96 = vector.broadcast %add3A_95 : i32 to vector<16xi32>
      %add3A_97 = arith.addi %iota3A_94, %add3A_96 : vector<16xi32>
      %iota3A_98 = tpu.iota {dimensions = array<i32: 0>} : vector<16xi32>
      %add3A_99 = arith.constant 96 : i32
      %add3A_100 = vector.broadcast %add3A_99 : i32 to vector<16xi32>
      %add3A_101 = arith.addi %iota3A_98, %add3A_100 : vector<16xi32>
      %iota3A_102 = tpu.iota {dimensions = array<i32: 0>} : vector<16xi32>
      %add3A_103 = arith.constant 112 : i32
      %add3A_104 = vector.broadcast %add3A_103 : i32 to vector<16xi32>
      %add3A_105 = arith.addi %iota3A_102, %add3A_104 : vector<16xi32>
      %gather3A = tpu.vector_load_idx %arg7[%add3A_73, %add3A_77] : memref<128x128xf32, #tpu.memory_space<vmem>>[vector<16xi32>, vector<16xi32>], vector<16xf32>,
      %gather3A_106 = tpu.vector_load_idx %arg7[%add3A_73, %add3A_81] : memref<128x128xf32, #tpu.memory_space<vmem>>[vector<16xi32>, vector<16xi32>], vector<16xf32>,
      %gather3A_107 = tpu.vector_load_idx %arg7[%add3A_73, %add3A_85] : memref<128x128xf32, #tpu.memory_space<vmem>>[vector<16xi32>, vector<16xi32>], vector<16xf32>,
      %gather3A_108 = tpu.vector_load_idx %arg7[%add3A_73, %add3A_89] : memref<128x128xf32, #tpu.memory_space<vmem>>[vector<16xi32>, vector<16xi32>], vector<16xf32>,
      %gather3A_109 = tpu.vector_load_idx %arg7[%add3A_73, %add3A_93] : memref<128x128xf32, #tpu.memory_space<vmem>>[vector<16xi32>, vector<16xi32>], vector<16xf32>,
      %gather3A_110 = tpu.vector_load_idx %arg7[%add3A_73, %add3A_97] : memref<128x128xf32, #tpu.memory_space<vmem>>[vector<16xi32>, vector<16xi32>], vector<16xf32>,
      %gather3A_111 = tpu.vector_load_idx %arg7[%add3A_73, %add3A_101] : memref<128x128xf32, #tpu.memory_space<vmem>>[vector<16xi32>, vector<16xi32>], vector<16xf32>,
      %gather3A_112 = tpu.vector_load_idx %arg7[%add3A_73, %add3A_105] : memref<128x128xf32, #tpu.memory_space<vmem>>[vector<16xi32>, vector<16xi32>], vector<16xf32>,
      %scan3A_113 = arith.constant 0 : i32
      %scan3A_114 = arith.constant 5 : i32
      %scan3A_115 = arith.addi %scan3A_113, %scan3A_114 : i32
      %scan3A_116 = arith.constant 1 : i32
      %scan3A_117:24 = scf.for %scan3A_168 = %scan3A_113 to %scan3A_115 step %scan3A_116 iter_args(%scan3A_169 = %add3A_77, %scan3A_170 = %add3A_81, %scan3A_171 = %add3A_85, %scan3A_172 = %add3A_89, %scan3A_173 = %add3A_93, %scan3A_174 = %add3A_97, %scan3A_175 = %add3A_101, %scan3A_176 = %add3A_105, %scan3A_177 = %gather3A, %scan3A_178 = %gather3A_106, %scan3A_179 = %gather3A_107, %scan3A_180 = %gather3A_108, %scan3A_181 = %gather3A_109, %scan3A_182 = %gather3A_110, %scan3A_183 = %gather3A_111, %scan3A_184 = %gather3A_112, %scan3A_185 = %add3A_77, %scan3A_186 = %add3A_81, %scan3A_187 = %add3A_85, %scan3A_188 = %add3A_89, %scan3A_189 = %add3A_93, %scan3A_190 = %add3A_97, %scan3A_191 = %add3A_101, %scan3A_192 = %add3A_105) -> (vector<16xi32>, vector<16xi32>, vector<16xi32>, vector<16xi32>, vector<16xi32>, vector<16xi32>, vector<16xi32>, vector<16xi32>, vector<16xf32>, vector<16xf32>, vector<16xf32>, vector<16xf32>, vector<16xf32>, vector<16xf32>, vector<16xf32>, vector<16xf32>, vector<16xi32>, vector<16xi32>, vector<16xi32>, vector<16xi32>, vector<16xi32>, vector<16xi32>, vector<16xi32>, vector<16xi32>)  : i32 {
        %add3A_193 = arith.constant 1 : i32
        %add3A_194 = vector.broadcast %add3A_193 : i32 to vector<16xi32>
        %add3A_195 = arith.addi %scan3A_169, %add3A_194 : vector<16xi32>
        %and3A_196 = arith.constant 127 : i32
        %and3A_197 = vector.broadcast %and3A_196 : i32 to vector<16xi32>
        %and3A_198 = arith.andi %add3A_195, %and3A_197 : vector<16xi32>
        %gather3A_199 = tpu.vector_load_idx %arg7[%add3A_73, %and3A_198] : memref<128x128xf32, #tpu.memory_space<vmem>>[vector<16xi32>, vector<16xi32>], vector<16xf32>,
        %gt3A_200 = arith.cmpf ogt, %gather3A_199, %scan3A_177 : vector<16xf32>
        %eq3A_201 = arith.cmpf oeq, %gather3A_199, %scan3A_177 : vector<16xf32>
        %lt3A_202 = arith.cmpi slt, %and3A_198, %scan3A_185 : vector<16xi32>
        %and3A_203 = arith.andi %eq3A_201, %lt3A_202 : vector<16xi1>
        %or3A_204 = arith.ori %gt3A_200, %and3A_203 : vector<16xi1>
        %select_n3A_205 = arith.select %or3A_204, %gather3A_199, %scan3A_177 : vector<16xi1>, vector<16xf32>
        %select_n3A_206 = arith.select %or3A_204, %and3A_198, %scan3A_185 : vector<16xi1>, vector<16xi32>
        %add3A_207 = arith.constant 1 : i32
        %add3A_208 = vector.broadcast %add3A_207 : i32 to vector<16xi32>
        %add3A_209 = arith.addi %scan3A_170, %add3A_208 : vector<16xi32>
        %and3A_210 = arith.constant 127 : i32
        %and3A_211 = vector.broadcast %and3A_210 : i32 to vector<16xi32>
        %and3A_212 = arith.andi %add3A_209, %and3A_211 : vector<16xi32>
        %gather3A_213 = tpu.vector_load_idx %arg7[%add3A_73, %and3A_212] : memref<128x128xf32, #tpu.memory_space<vmem>>[vector<16xi32>, vector<16xi32>], vector<16xf32>,
        %gt3A_214 = arith.cmpf ogt, %gather3A_213, %scan3A_178 : vector<16xf32>
        %eq3A_215 = arith.cmpf oeq, %gather3A_213, %scan3A_178 : vector<16xf32>
        %lt3A_216 = arith.cmpi slt, %and3A_212, %scan3A_186 : vector<16xi32>
        %and3A_217 = arith.andi %eq3A_215, %lt3A_216 : vector<16xi1>
        %or3A_218 = arith.ori %gt3A_214, %and3A_217 : vector<16xi1>
        %select_n3A_219 = arith.select %or3A_218, %gather3A_213, %scan3A_178 : vector<16xi1>, vector<16xf32>
        %select_n3A_220 = arith.select %or3A_218, %and3A_212, %scan3A_186 : vector<16xi1>, vector<16xi32>
        %add3A_221 = arith.constant 1 : i32
        %add3A_222 = vector.broadcast %add3A_221 : i32 to vector<16xi32>
        %add3A_223 = arith.addi %scan3A_171, %add3A_222 : vector<16xi32>
        %and3A_224 = arith.constant 127 : i32
        %and3A_225 = vector.broadcast %and3A_224 : i32 to vector<16xi32>
        %and3A_226 = arith.andi %add3A_223, %and3A_225 : vector<16xi32>
        %gather3A_227 = tpu.vector_load_idx %arg7[%add3A_73, %and3A_226] : memref<128x128xf32, #tpu.memory_space<vmem>>[vector<16xi32>, vector<16xi32>], vector<16xf32>,
        %gt3A_228 = arith.cmpf ogt, %gather3A_227, %scan3A_179 : vector<16xf32>
        %eq3A_229 = arith.cmpf oeq, %gather3A_227, %scan3A_179 : vector<16xf32>
        %lt3A_230 = arith.cmpi slt, %and3A_226, %scan3A_187 : vector<16xi32>
        %and3A_231 = arith.andi %eq3A_229, %lt3A_230 : vector<16xi1>
        %or3A_232 = arith.ori %gt3A_228, %and3A_231 : vector<16xi1>
        %select_n3A_233 = arith.select %or3A_232, %gather3A_227, %scan3A_179 : vector<16xi1>, vector<16xf32>
        %select_n3A_234 = arith.select %or3A_232, %and3A_226, %scan3A_187 : vector<16xi1>, vector<16xi32>
        %add3A_235 = arith.constant 1 : i32
        %add3A_236 = vector.broadcast %add3A_235 : i32 to vector<16xi32>
        %add3A_237 = arith.addi %scan3A_172, %add3A_236 : vector<16xi32>
        %and3A_238 = arith.constant 127 : i32
        %and3A_239 = vector.broadcast %and3A_238 : i32 to vector<16xi32>
        %and3A_240 = arith.andi %add3A_237, %and3A_239 : vector<16xi32>
        %gather3A_241 = tpu.vector_load_idx %arg7[%add3A_73, %and3A_240] : memref<128x128xf32, #tpu.memory_space<vmem>>[vector<16xi32>, vector<16xi32>], vector<16xf32>,
        %gt3A_242 = arith.cmpf ogt, %gather3A_241, %scan3A_180 : vector<16xf32>
        %eq3A_243 = arith.cmpf oeq, %gather3A_241, %scan3A_180 : vector<16xf32>
        %lt3A_244 = arith.cmpi slt, %and3A_240, %scan3A_188 : vector<16xi32>
        %and3A_245 = arith.andi %eq3A_243, %lt3A_244 : vector<16xi1>
        %or3A_246 = arith.ori %gt3A_242, %and3A_245 : vector<16xi1>
        %select_n3A_247 = arith.select %or3A_246, %gather3A_241, %scan3A_180 : vector<16xi1>, vector<16xf32>
        %select_n3A_248 = arith.select %or3A_246, %and3A_240, %scan3A_188 : vector<16xi1>, vector<16xi32>
        %add3A_249 = arith.constant 1 : i32
        %add3A_250 = vector.broadcast %add3A_249 : i32 to vector<16xi32>
        %add3A_251 = arith.addi %scan3A_173, %add3A_250 : vector<16xi32>
        %and3A_252 = arith.constant 127 : i32
        %and3A_253 = vector.broadcast %and3A_252 : i32 to vector<16xi32>
        %and3A_254 = arith.andi %add3A_251, %and3A_253 : vector<16xi32>
        %gather3A_255 = tpu.vector_load_idx %arg7[%add3A_73, %and3A_254] : memref<128x128xf32, #tpu.memory_space<vmem>>[vector<16xi32>, vector<16xi32>], vector<16xf32>,
        %gt3A_256 = arith.cmpf ogt, %gather3A_255, %scan3A_181 : vector<16xf32>
        %eq3A_257 = arith.cmpf oeq, %gather3A_255, %scan3A_181 : vector<16xf32>
        %lt3A_258 = arith.cmpi slt, %and3A_254, %scan3A_189 : vector<16xi32>
        %and3A_259 = arith.andi %eq3A_257, %lt3A_258 : vector<16xi1>
        %or3A_260 = arith.ori %gt3A_256, %and3A_259 : vector<16xi1>
        %select_n3A_261 = arith.select %or3A_260, %gather3A_255, %scan3A_181 : vector<16xi1>, vector<16xf32>
        %select_n3A_262 = arith.select %or3A_260, %and3A_254, %scan3A_189 : vector<16xi1>, vector<16xi32>
        %add3A_263 = arith.constant 1 : i32
        %add3A_264 = vector.broadcast %add3A_263 : i32 to vector<16xi32>
        %add3A_265 = arith.addi %scan3A_174, %add3A_264 : vector<16xi32>
        %and3A_266 = arith.constant 127 : i32
        %and3A_267 = vector.broadcast %and3A_266 : i32 to vector<16xi32>
        %and3A_268 = arith.andi %add3A_265, %and3A_267 : vector<16xi32>
        %gather3A_269 = tpu.vector_load_idx %arg7[%add3A_73, %and3A_268] : memref<128x128xf32, #tpu.memory_space<vmem>>[vector<16xi32>, vector<16xi32>], vector<16xf32>,
        %gt3A_270 = arith.cmpf ogt, %gather3A_269, %scan3A_182 : vector<16xf32>
        %eq3A_271 = arith.cmpf oeq, %gather3A_269, %scan3A_182 : vector<16xf32>
        %lt3A_272 = arith.cmpi slt, %and3A_268, %scan3A_190 : vector<16xi32>
        %and3A_273 = arith.andi %eq3A_271, %lt3A_272 : vector<16xi1>
        %or3A_274 = arith.ori %gt3A_270, %and3A_273 : vector<16xi1>
        %select_n3A_275 = arith.select %or3A_274, %gather3A_269, %scan3A_182 : vector<16xi1>, vector<16xf32>
        %select_n3A_276 = arith.select %or3A_274, %and3A_268, %scan3A_190 : vector<16xi1>, vector<16xi32>
        %add3A_277 = arith.constant 1 : i32
        %add3A_278 = vector.broadcast %add3A_277 : i32 to vector<16xi32>
        %add3A_279 = arith.addi %scan3A_175, %add3A_278 : vector<16xi32>
        %and3A_280 = arith.constant 127 : i32
        %and3A_281 = vector.broadcast %and3A_280 : i32 to vector<16xi32>
        %and3A_282 = arith.andi %add3A_279, %and3A_281 : vector<16xi32>
        %gather3A_283 = tpu.vector_load_idx %arg7[%add3A_73, %and3A_282] : memref<128x128xf32, #tpu.memory_space<vmem>>[vector<16xi32>, vector<16xi32>], vector<16xf32>,
        %gt3A_284 = arith.cmpf ogt, %gather3A_283, %scan3A_183 : vector<16xf32>
        %eq3A_285 = arith.cmpf oeq, %gather3A_283, %scan3A_183 : vector<16xf32>
        %lt3A_286 = arith.cmpi slt, %and3A_282, %scan3A_191 : vector<16xi32>
        %and3A_287 = arith.andi %eq3A_285, %lt3A_286 : vector<16xi1>
        %or3A_288 = arith.ori %gt3A_284, %and3A_287 : vector<16xi1>
        %select_n3A_289 = arith.select %or3A_288, %gather3A_283, %scan3A_183 : vector<16xi1>, vector<16xf32>
        %select_n3A_290 = arith.select %or3A_288, %and3A_282, %scan3A_191 : vector<16xi1>, vector<16xi32>
        %add3A_291 = arith.constant 1 : i32
        %add3A_292 = vector.broadcast %add3A_291 : i32 to vector<16xi32>
        %add3A_293 = arith.addi %scan3A_176, %add3A_292 : vector<16xi32>
        %and3A_294 = arith.constant 127 : i32
        %and3A_295 = vector.broadcast %and3A_294 : i32 to vector<16xi32>
        %and3A_296 = arith.andi %add3A_293, %and3A_295 : vector<16xi32>
        %gather3A_297 = tpu.vector_load_idx %arg7[%add3A_73, %and3A_296] : memref<128x128xf32, #tpu.memory_space<vmem>>[vector<16xi32>, vector<16xi32>], vector<16xf32>,
        %gt3A_298 = arith.cmpf ogt, %gather3A_297, %scan3A_184 : vector<16xf32>
        %eq3A_299 = arith.cmpf oeq, %gather3A_297, %scan3A_184 : vector<16xf32>
        %lt3A_300 = arith.cmpi slt, %and3A_296, %scan3A_192 : vector<16xi32>
        %and3A_301 = arith.andi %eq3A_299, %lt3A_300 : vector<16xi1>
        %or3A_302 = arith.ori %gt3A_298, %and3A_301 : vector<16xi1>
        %select_n3A_303 = arith.select %or3A_302, %gather3A_297, %scan3A_184 : vector<16xi1>, vector<16xf32>
        %select_n3A_304 = arith.select %or3A_302, %and3A_296, %scan3A_192 : vector<16xi1>, vector<16xi32>
        %add3A_305 = arith.constant 1 : i32
        %add3A_306 = vector.broadcast %add3A_305 : i32 to vector<16xi32>
        %add3A_307 = arith.addi %and3A_198, %add3A_306 : vector<16xi32>
        %and3A_308 = arith.constant 127 : i32
        %and3A_309 = vector.broadcast %and3A_308 : i32 to vector<16xi32>
        %and3A_310 = arith.andi %add3A_307, %and3A_309 : vector<16xi32>
        %gather3A_311 = tpu.vector_load_idx %arg7[%add3A_73, %and3A_310] : memref<128x128xf32, #tpu.memory_space<vmem>>[vector<16xi32>, vector<16xi32>], vector<16xf32>,
        %gt3A_312 = arith.cmpf ogt, %gather3A_311, %select_n3A_205 : vector<16xf32>
        %eq3A_313 = arith.cmpf oeq, %gather3A_311, %select_n3A_205 : vector<16xf32>
        %lt3A_314 = arith.cmpi slt, %and3A_310, %select_n3A_206 : vector<16xi32>
        %and3A_315 = arith.andi %eq3A_313, %lt3A_314 : vector<16xi1>
        %or3A_316 = arith.ori %gt3A_312, %and3A_315 : vector<16xi1>
        %select_n3A_317 = arith.select %or3A_316, %gather3A_311, %select_n3A_205 : vector<16xi1>, vector<16xf32>
        %select_n3A_318 = arith.select %or3A_316, %and3A_310, %select_n3A_206 : vector<16xi1>, vector<16xi32>
        %add3A_319 = arith.constant 1 : i32
        %add3A_320 = vector.broadcast %add3A_319 : i32 to vector<16xi32>
        %add3A_321 = arith.addi %and3A_212, %add3A_320 : vector<16xi32>
        %and3A_322 = arith.constant 127 : i32
        %and3A_323 = vector.broadcast %and3A_322 : i32 to vector<16xi32>
        %and3A_324 = arith.andi %add3A_321, %and3A_323 : vector<16xi32>
        %gather3A_325 = tpu.vector_load_idx %arg7[%add3A_73, %and3A_324] : memref<128x128xf32, #tpu.memory_space<vmem>>[vector<16xi32>, vector<16xi32>], vector<16xf32>,
        %gt3A_326 = arith.cmpf ogt, %gather3A_325, %select_n3A_219 : vector<16xf32>
        %eq3A_327 = arith.cmpf oeq, %gather3A_325, %select_n3A_219 : vector<16xf32>
        %lt3A_328 = arith.cmpi slt, %and3A_324, %select_n3A_220 : vector<16xi32>
        %and3A_329 = arith.andi %eq3A_327, %lt3A_328 : vector<16xi1>
        %or3A_330 = arith.ori %gt3A_326, %and3A_329 : vector<16xi1>
        %select_n3A_331 = arith.select %or3A_330, %gather3A_325, %select_n3A_219 : vector<16xi1>, vector<16xf32>
        %select_n3A_332 = arith.select %or3A_330, %and3A_324, %select_n3A_220 : vector<16xi1>, vector<16xi32>
        %add3A_333 = arith.constant 1 : i32
        %add3A_334 = vector.broadcast %add3A_333 : i32 to vector<16xi32>
        %add3A_335 = arith.addi %and3A_226, %add3A_334 : vector<16xi32>
        %and3A_336 = arith.constant 127 : i32
        %and3A_337 = vector.broadcast %and3A_336 : i32 to vector<16xi32>
        %and3A_338 = arith.andi %add3A_335, %and3A_337 : vector<16xi32>
        %gather3A_339 = tpu.vector_load_idx %arg7[%add3A_73, %and3A_338] : memref<128x128xf32, #tpu.memory_space<vmem>>[vector<16xi32>, vector<16xi32>], vector<16xf32>,
        %gt3A_340 = arith.cmpf ogt, %gather3A_339, %select_n3A_233 : vector<16xf32>
        %eq3A_341 = arith.cmpf oeq, %gather3A_339, %select_n3A_233 : vector<16xf32>
        %lt3A_342 = arith.cmpi slt, %and3A_338, %select_n3A_234 : vector<16xi32>
        %and3A_343 = arith.andi %eq3A_341, %lt3A_342 : vector<16xi1>
        %or3A_344 = arith.ori %gt3A_340, %and3A_343 : vector<16xi1>
        %select_n3A_345 = arith.select %or3A_344, %gather3A_339, %select_n3A_233 : vector<16xi1>, vector<16xf32>
        %select_n3A_346 = arith.select %or3A_344, %and3A_338, %select_n3A_234 : vector<16xi1>, vector<16xi32>
        %add3A_347 = arith.constant 1 : i32
        %add3A_348 = vector.broadcast %add3A_347 : i32 to vector<16xi32>
        %add3A_349 = arith.addi %and3A_240, %add3A_348 : vector<16xi32>
        %and3A_350 = arith.constant 127 : i32
        %and3A_351 = vector.broadcast %and3A_350 : i32 to vector<16xi32>
        %and3A_352 = arith.andi %add3A_349, %and3A_351 : vector<16xi32>
        %gather3A_353 = tpu.vector_load_idx %arg7[%add3A_73, %and3A_352] : memref<128x128xf32, #tpu.memory_space<vmem>>[vector<16xi32>, vector<16xi32>], vector<16xf32>,
        %gt3A_354 = arith.cmpf ogt, %gather3A_353, %select_n3A_247 : vector<16xf32>
        %eq3A_355 = arith.cmpf oeq, %gather3A_353, %select_n3A_247 : vector<16xf32>
        %lt3A_356 = arith.cmpi slt, %and3A_352, %select_n3A_248 : vector<16xi32>
        %and3A_357 = arith.andi %eq3A_355, %lt3A_356 : vector<16xi1>
        %or3A_358 = arith.ori %gt3A_354, %and3A_357 : vector<16xi1>
        %select_n3A_359 = arith.select %or3A_358, %gather3A_353, %select_n3A_247 : vector<16xi1>, vector<16xf32>
        %select_n3A_360 = arith.select %or3A_358, %and3A_352, %select_n3A_248 : vector<16xi1>, vector<16xi32>
        %add3A_361 = arith.constant 1 : i32
        %add3A_362 = vector.broadcast %add3A_361 : i32 to vector<16xi32>
        %add3A_363 = arith.addi %and3A_254, %add3A_362 : vector<16xi32>
        %and3A_364 = arith.constant 127 : i32
        %and3A_365 = vector.broadcast %and3A_364 : i32 to vector<16xi32>
        %and3A_366 = arith.andi %add3A_363, %and3A_365 : vector<16xi32>
        %gather3A_367 = tpu.vector_load_idx %arg7[%add3A_73, %and3A_366] : memref<128x128xf32, #tpu.memory_space<vmem>>[vector<16xi32>, vector<16xi32>], vector<16xf32>,
        %gt3A_368 = arith.cmpf ogt, %gather3A_367, %select_n3A_261 : vector<16xf32>
        %eq3A_369 = arith.cmpf oeq, %gather3A_367, %select_n3A_261 : vector<16xf32>
        %lt3A_370 = arith.cmpi slt, %and3A_366, %select_n3A_262 : vector<16xi32>
        %and3A_371 = arith.andi %eq3A_369, %lt3A_370 : vector<16xi1>
        %or3A_372 = arith.ori %gt3A_368, %and3A_371 : vector<16xi1>
        %select_n3A_373 = arith.select %or3A_372, %gather3A_367, %select_n3A_261 : vector<16xi1>, vector<16xf32>
        %select_n3A_374 = arith.select %or3A_372, %and3A_366, %select_n3A_262 : vector<16xi1>, vector<16xi32>
        %add3A_375 = arith.constant 1 : i32
        %add3A_376 = vector.broadcast %add3A_375 : i32 to vector<16xi32>
        %add3A_377 = arith.addi %and3A_268, %add3A_376 : vector<16xi32>
        %and3A_378 = arith.constant 127 : i32
        %and3A_379 = vector.broadcast %and3A_378 : i32 to vector<16xi32>
        %and3A_380 = arith.andi %add3A_377, %and3A_379 : vector<16xi32>
        %gather3A_381 = tpu.vector_load_idx %arg7[%add3A_73, %and3A_380] : memref<128x128xf32, #tpu.memory_space<vmem>>[vector<16xi32>, vector<16xi32>], vector<16xf32>,
        %gt3A_382 = arith.cmpf ogt, %gather3A_381, %select_n3A_275 : vector<16xf32>
        %eq3A_383 = arith.cmpf oeq, %gather3A_381, %select_n3A_275 : vector<16xf32>
        %lt3A_384 = arith.cmpi slt, %and3A_380, %select_n3A_276 : vector<16xi32>
        %and3A_385 = arith.andi %eq3A_383, %lt3A_384 : vector<16xi1>
        %or3A_386 = arith.ori %gt3A_382, %and3A_385 : vector<16xi1>
        %select_n3A_387 = arith.select %or3A_386, %gather3A_381, %select_n3A_275 : vector<16xi1>, vector<16xf32>
        %select_n3A_388 = arith.select %or3A_386, %and3A_380, %select_n3A_276 : vector<16xi1>, vector<16xi32>
        %add3A_389 = arith.constant 1 : i32
        %add3A_390 = vector.broadcast %add3A_389 : i32 to vector<16xi32>
        %add3A_391 = arith.addi %and3A_282, %add3A_390 : vector<16xi32>
        %and3A_392 = arith.constant 127 : i32
        %and3A_393 = vector.broadcast %and3A_392 : i32 to vector<16xi32>
        %and3A_394 = arith.andi %add3A_391, %and3A_393 : vector<16xi32>
        %gather3A_395 = tpu.vector_load_idx %arg7[%add3A_73, %and3A_394] : memref<128x128xf32, #tpu.memory_space<vmem>>[vector<16xi32>, vector<16xi32>], vector<16xf32>,
        %gt3A_396 = arith.cmpf ogt, %gather3A_395, %select_n3A_289 : vector<16xf32>
        %eq3A_397 = arith.cmpf oeq, %gather3A_395, %select_n3A_289 : vector<16xf32>
        %lt3A_398 = arith.cmpi slt, %and3A_394, %select_n3A_290 : vector<16xi32>
        %and3A_399 = arith.andi %eq3A_397, %lt3A_398 : vector<16xi1>
        %or3A_400 = arith.ori %gt3A_396, %and3A_399 : vector<16xi1>
        %select_n3A_401 = arith.select %or3A_400, %gather3A_395, %select_n3A_289 : vector<16xi1>, vector<16xf32>
        %select_n3A_402 = arith.select %or3A_400, %and3A_394, %select_n3A_290 : vector<16xi1>, vector<16xi32>
        %add3A_403 = arith.constant 1 : i32
        %add3A_404 = vector.broadcast %add3A_403 : i32 to vector<16xi32>
        %add3A_405 = arith.addi %and3A_296, %add3A_404 : vector<16xi32>
        %and3A_406 = arith.constant 127 : i32
        %and3A_407 = vector.broadcast %and3A_406 : i32 to vector<16xi32>
        %and3A_408 = arith.andi %add3A_405, %and3A_407 : vector<16xi32>
        %gather3A_409 = tpu.vector_load_idx %arg7[%add3A_73, %and3A_408] : memref<128x128xf32, #tpu.memory_space<vmem>>[vector<16xi32>, vector<16xi32>], vector<16xf32>,
        %gt3A_410 = arith.cmpf ogt, %gather3A_409, %select_n3A_303 : vector<16xf32>
        %eq3A_411 = arith.cmpf oeq, %gather3A_409, %select_n3A_303 : vector<16xf32>
        %lt3A_412 = arith.cmpi slt, %and3A_408, %select_n3A_304 : vector<16xi32>
        %and3A_413 = arith.andi %eq3A_411, %lt3A_412 : vector<16xi1>
        %or3A_414 = arith.ori %gt3A_410, %and3A_413 : vector<16xi1>
        %select_n3A_415 = arith.select %or3A_414, %gather3A_409, %select_n3A_303 : vector<16xi1>, vector<16xf32>
        %select_n3A_416 = arith.select %or3A_414, %and3A_408, %select_n3A_304 : vector<16xi1>, vector<16xi32>
        %add3A_417 = arith.constant 1 : i32
        %add3A_418 = vector.broadcast %add3A_417 : i32 to vector<16xi32>
        %add3A_419 = arith.addi %and3A_310, %add3A_418 : vector<16xi32>
        %and3A_420 = arith.constant 127 : i32
        %and3A_421 = vector.broadcast %and3A_420 : i32 to vector<16xi32>
        %and3A_422 = arith.andi %add3A_419, %and3A_421 : vector<16xi32>
        %gather3A_423 = tpu.vector_load_idx %arg7[%add3A_73, %and3A_422] : memref<128x128xf32, #tpu.memory_space<vmem>>[vector<16xi32>, vector<16xi32>], vector<16xf32>,
        %gt3A_424 = arith.cmpf ogt, %gather3A_423, %select_n3A_317 : vector<16xf32>
        %eq3A_425 = arith.cmpf oeq, %gather3A_423, %select_n3A_317 : vector<16xf32>
        %lt3A_426 = arith.cmpi slt, %and3A_422, %select_n3A_318 : vector<16xi32>
        %and3A_427 = arith.andi %eq3A_425, %lt3A_426 : vector<16xi1>
        %or3A_428 = arith.ori %gt3A_424, %and3A_427 : vector<16xi1>
        %select_n3A_429 = arith.select %or3A_428, %gather3A_423, %select_n3A_317 : vector<16xi1>, vector<16xf32>
        %select_n3A_430 = arith.select %or3A_428, %and3A_422, %select_n3A_318 : vector<16xi1>, vector<16xi32>
        %add3A_431 = arith.constant 1 : i32
        %add3A_432 = vector.broadcast %add3A_431 : i32 to vector<16xi32>
        %add3A_433 = arith.addi %and3A_324, %add3A_432 : vector<16xi32>
        %and3A_434 = arith.constant 127 : i32
        %and3A_435 = vector.broadcast %and3A_434 : i32 to vector<16xi32>
        %and3A_436 = arith.andi %add3A_433, %and3A_435 : vector<16xi32>
        %gather3A_437 = tpu.vector_load_idx %arg7[%add3A_73, %and3A_436] : memref<128x128xf32, #tpu.memory_space<vmem>>[vector<16xi32>, vector<16xi32>], vector<16xf32>,
        %gt3A_438 = arith.cmpf ogt, %gather3A_437, %select_n3A_331 : vector<16xf32>
        %eq3A_439 = arith.cmpf oeq, %gather3A_437, %select_n3A_331 : vector<16xf32>
        %lt3A_440 = arith.cmpi slt, %and3A_436, %select_n3A_332 : vector<16xi32>
        %and3A_441 = arith.andi %eq3A_439, %lt3A_440 : vector<16xi1>
        %or3A_442 = arith.ori %gt3A_438, %and3A_441 : vector<16xi1>
        %select_n3A_443 = arith.select %or3A_442, %gather3A_437, %select_n3A_331 : vector<16xi1>, vector<16xf32>
        %select_n3A_444 = arith.select %or3A_442, %and3A_436, %select_n3A_332 : vector<16xi1>, vector<16xi32>
        %add3A_445 = arith.constant 1 : i32
        %add3A_446 = vector.broadcast %add3A_445 : i32 to vector<16xi32>
        %add3A_447 = arith.addi %and3A_338, %add3A_446 : vector<16xi32>
        %and3A_448 = arith.constant 127 : i32
        %and3A_449 = vector.broadcast %and3A_448 : i32 to vector<16xi32>
        %and3A_450 = arith.andi %add3A_447, %and3A_449 : vector<16xi32>
        %gather3A_451 = tpu.vector_load_idx %arg7[%add3A_73, %and3A_450] : memref<128x128xf32, #tpu.memory_space<vmem>>[vector<16xi32>, vector<16xi32>], vector<16xf32>,
        %gt3A_452 = arith.cmpf ogt, %gather3A_451, %select_n3A_345 : vector<16xf32>
        %eq3A_453 = arith.cmpf oeq, %gather3A_451, %select_n3A_345 : vector<16xf32>
        %lt3A_454 = arith.cmpi slt, %and3A_450, %select_n3A_346 : vector<16xi32>
        %and3A_455 = arith.andi %eq3A_453, %lt3A_454 : vector<16xi1>
        %or3A_456 = arith.ori %gt3A_452, %and3A_455 : vector<16xi1>
        %select_n3A_457 = arith.select %or3A_456, %gather3A_451, %select_n3A_345 : vector<16xi1>, vector<16xf32>
        %select_n3A_458 = arith.select %or3A_456, %and3A_450, %select_n3A_346 : vector<16xi1>, vector<16xi32>
        %add3A_459 = arith.constant 1 : i32
        %add3A_460 = vector.broadcast %add3A_459 : i32 to vector<16xi32>
        %add3A_461 = arith.addi %and3A_352, %add3A_460 : vector<16xi32>
        %and3A_462 = arith.constant 127 : i32
        %and3A_463 = vector.broadcast %and3A_462 : i32 to vector<16xi32>
        %and3A_464 = arith.andi %add3A_461, %and3A_463 : vector<16xi32>
        %gather3A_465 = tpu.vector_load_idx %arg7[%add3A_73, %and3A_464] : memref<128x128xf32, #tpu.memory_space<vmem>>[vector<16xi32>, vector<16xi32>], vector<16xf32>,
        %gt3A_466 = arith.cmpf ogt, %gather3A_465, %select_n3A_359 : vector<16xf32>
        %eq3A_467 = arith.cmpf oeq, %gather3A_465, %select_n3A_359 : vector<16xf32>
        %lt3A_468 = arith.cmpi slt, %and3A_464, %select_n3A_360 : vector<16xi32>
        %and3A_469 = arith.andi %eq3A_467, %lt3A_468 : vector<16xi1>
        %or3A_470 = arith.ori %gt3A_466, %and3A_469 : vector<16xi1>
        %select_n3A_471 = arith.select %or3A_470, %gather3A_465, %select_n3A_359 : vector<16xi1>, vector<16xf32>
        %select_n3A_472 = arith.select %or3A_470, %and3A_464, %select_n3A_360 : vector<16xi1>, vector<16xi32>
        %add3A_473 = arith.constant 1 : i32
        %add3A_474 = vector.broadcast %add3A_473 : i32 to vector<16xi32>
        %add3A_475 = arith.addi %and3A_366, %add3A_474 : vector<16xi32>
        %and3A_476 = arith.constant 127 : i32
        %and3A_477 = vector.broadcast %and3A_476 : i32 to vector<16xi32>
        %and3A_478 = arith.andi %add3A_475, %and3A_477 : vector<16xi32>
        %gather3A_479 = tpu.vector_load_idx %arg7[%add3A_73, %and3A_478] : memref<128x128xf32, #tpu.memory_space<vmem>>[vector<16xi32>, vector<16xi32>], vector<16xf32>,
        %gt3A_480 = arith.cmpf ogt, %gather3A_479, %select_n3A_373 : vector<16xf32>
        %eq3A_481 = arith.cmpf oeq, %gather3A_479, %select_n3A_373 : vector<16xf32>
        %lt3A_482 = arith.cmpi slt, %and3A_478, %select_n3A_374 : vector<16xi32>
        %and3A_483 = arith.andi %eq3A_481, %lt3A_482 : vector<16xi1>
        %or3A_484 = arith.ori %gt3A_480, %and3A_483 : vector<16xi1>
        %select_n3A_485 = arith.select %or3A_484, %gather3A_479, %select_n3A_373 : vector<16xi1>, vector<16xf32>
        %select_n3A_486 = arith.select %or3A_484, %and3A_478, %select_n3A_374 : vector<16xi1>, vector<16xi32>
        %add3A_487 = arith.constant 1 : i32
        %add3A_488 = vector.broadcast %add3A_487 : i32 to vector<16xi32>
        %add3A_489 = arith.addi %and3A_380, %add3A_488 : vector<16xi32>
        %and3A_490 = arith.constant 127 : i32
        %and3A_491 = vector.broadcast %and3A_490 : i32 to vector<16xi32>
        %and3A_492 = arith.andi %add3A_489, %and3A_491 : vector<16xi32>
        %gather3A_493 = tpu.vector_load_idx %arg7[%add3A_73, %and3A_492] : memref<128x128xf32, #tpu.memory_space<vmem>>[vector<16xi32>, vector<16xi32>], vector<16xf32>,
        %gt3A_494 = arith.cmpf ogt, %gather3A_493, %select_n3A_387 : vector<16xf32>
        %eq3A_495 = arith.cmpf oeq, %gather3A_493, %select_n3A_387 : vector<16xf32>
        %lt3A_496 = arith.cmpi slt, %and3A_492, %select_n3A_388 : vector<16xi32>
        %and3A_497 = arith.andi %eq3A_495, %lt3A_496 : vector<16xi1>
        %or3A_498 = arith.ori %gt3A_494, %and3A_497 : vector<16xi1>
        %select_n3A_499 = arith.select %or3A_498, %gather3A_493, %select_n3A_387 : vector<16xi1>, vector<16xf32>
        %select_n3A_500 = arith.select %or3A_498, %and3A_492, %select_n3A_388 : vector<16xi1>, vector<16xi32>
        %add3A_501 = arith.constant 1 : i32
        %add3A_502 = vector.broadcast %add3A_501 : i32 to vector<16xi32>
        %add3A_503 = arith.addi %and3A_394, %add3A_502 : vector<16xi32>
        %and3A_504 = arith.constant 127 : i32
        %and3A_505 = vector.broadcast %and3A_504 : i32 to vector<16xi32>
        %and3A_506 = arith.andi %add3A_503, %and3A_505 : vector<16xi32>
        %gather3A_507 = tpu.vector_load_idx %arg7[%add3A_73, %and3A_506] : memref<128x128xf32, #tpu.memory_space<vmem>>[vector<16xi32>, vector<16xi32>], vector<16xf32>,
        %gt3A_508 = arith.cmpf ogt, %gather3A_507, %select_n3A_401 : vector<16xf32>
        %eq3A_509 = arith.cmpf oeq, %gather3A_507, %select_n3A_401 : vector<16xf32>
        %lt3A_510 = arith.cmpi slt, %and3A_506, %select_n3A_402 : vector<16xi32>
        %and3A_511 = arith.andi %eq3A_509, %lt3A_510 : vector<16xi1>
        %or3A_512 = arith.ori %gt3A_508, %and3A_511 : vector<16xi1>
        %select_n3A_513 = arith.select %or3A_512, %gather3A_507, %select_n3A_401 : vector<16xi1>, vector<16xf32>
        %select_n3A_514 = arith.select %or3A_512, %and3A_506, %select_n3A_402 : vector<16xi1>, vector<16xi32>
        %add3A_515 = arith.constant 1 : i32
        %add3A_516 = vector.broadcast %add3A_515 : i32 to vector<16xi32>
        %add3A_517 = arith.addi %and3A_408, %add3A_516 : vector<16xi32>
        %and3A_518 = arith.constant 127 : i32
        %and3A_519 = vector.broadcast %and3A_518 : i32 to vector<16xi32>
        %and3A_520 = arith.andi %add3A_517, %and3A_519 : vector<16xi32>
        %gather3A_521 = tpu.vector_load_idx %arg7[%add3A_73, %and3A_520] : memref<128x128xf32, #tpu.memory_space<vmem>>[vector<16xi32>, vector<16xi32>], vector<16xf32>,
        %gt3A_522 = arith.cmpf ogt, %gather3A_521, %select_n3A_415 : vector<16xf32>
        %eq3A_523 = arith.cmpf oeq, %gather3A_521, %select_n3A_415 : vector<16xf32>
        %lt3A_524 = arith.cmpi slt, %and3A_520, %select_n3A_416 : vector<16xi32>
        %and3A_525 = arith.andi %eq3A_523, %lt3A_524 : vector<16xi1>
        %or3A_526 = arith.ori %gt3A_522, %and3A_525 : vector<16xi1>
        %select_n3A_527 = arith.select %or3A_526, %gather3A_521, %select_n3A_415 : vector<16xi1>, vector<16xf32>
        %select_n3A_528 = arith.select %or3A_526, %and3A_520, %select_n3A_416 : vector<16xi1>, vector<16xi32>
        scf.yield %and3A_422, %and3A_436, %and3A_450, %and3A_464, %and3A_478, %and3A_492, %and3A_506, %and3A_520, %select_n3A_429, %select_n3A_443, %select_n3A_457, %select_n3A_471, %select_n3A_485, %select_n3A_499, %select_n3A_513, %select_n3A_527, %select_n3A_430, %select_n3A_444, %select_n3A_458, %select_n3A_472, %select_n3A_486, %select_n3A_500, %select_n3A_514, %select_n3A_528 : vector<16xi32>, vector<16xi32>, vector<16xi32>, vector<16xi32>, vector<16xi32>, vector<16xi32>, vector<16xi32>, vector<16xi32>, vector<16xf32>, vector<16xf32>, vector<16xf32>, vector<16xf32>, vector<16xf32>, vector<16xf32>, vector<16xf32>, vector<16xf32>, vector<16xi32>, vector<16xi32>, vector<16xi32>, vector<16xi32>, vector<16xi32>, vector<16xi32>, vector<16xi32>, vector<16xi32>
      }
      %scan3A_118 = arith.constant 5 : i32
      %gt3A = arith.cmpf ogt, %scan3A_117#9, %scan3A_117#8 : vector<16xf32>
      %eq3A = arith.cmpf oeq, %scan3A_117#9, %scan3A_117#8 : vector<16xf32>
      %lt3A = arith.cmpi slt, %scan3A_117#17, %scan3A_117#16 : vector<16xi32>
      %and3A = arith.andi %eq3A, %lt3A : vector<16xi1>
      %or3A = arith.ori %gt3A, %and3A : vector<16xi1>
      %select_n3A = arith.select %or3A, %scan3A_117#9, %scan3A_117#8 : vector<16xi1>, vector<16xf32>
      %select_n3A_119 = arith.select %or3A, %scan3A_117#17, %scan3A_117#16 : vector<16xi1>, vector<16xi32>
      %gt3A_120 = arith.cmpf ogt, %scan3A_117#11, %scan3A_117#10 : vector<16xf32>
      %eq3A_121 = arith.cmpf oeq, %scan3A_117#11, %scan3A_117#10 : vector<16xf32>
      %lt3A_122 = arith.cmpi slt, %scan3A_117#19, %scan3A_117#18 : vector<16xi32>
      %and3A_123 = arith.andi %eq3A_121, %lt3A_122 : vector<16xi1>
      %or3A_124 = arith.ori %gt3A_120, %and3A_123 : vector<16xi1>
      %select_n3A_125 = arith.select %or3A_124, %scan3A_117#11, %scan3A_117#10 : vector<16xi1>, vector<16xf32>
      %select_n3A_126 = arith.select %or3A_124, %scan3A_117#19, %scan3A_117#18 : vector<16xi1>, vector<16xi32>
      %gt3A_127 = arith.cmpf ogt, %scan3A_117#13, %scan3A_117#12 : vector<16xf32>
      %eq3A_128 = arith.cmpf oeq, %scan3A_117#13, %scan3A_117#12 : vector<16xf32>
      %lt3A_129 = arith.cmpi slt, %scan3A_117#21, %scan3A_117#20 : vector<16xi32>
      %and3A_130 = arith.andi %eq3A_128, %lt3A_129 : vector<16xi1>
      %or3A_131 = arith.ori %gt3A_127, %and3A_130 : vector<16xi1>
      %select_n3A_132 = arith.select %or3A_131, %scan3A_117#13, %scan3A_117#12 : vector<16xi1>, vector<16xf32>
      %select_n3A_133 = arith.select %or3A_131, %scan3A_117#21, %scan3A_117#20 : vector<16xi1>, vector<16xi32>
      %gt3A_134 = arith.cmpf ogt, %scan3A_117#15, %scan3A_117#14 : vector<16xf32>
      %eq3A_135 = arith.cmpf oeq, %scan3A_117#15, %scan3A_117#14 : vector<16xf32>
      %lt3A_136 = arith.cmpi slt, %scan3A_117#23, %scan3A_117#22 : vector<16xi32>
      %and3A_137 = arith.andi %eq3A_135, %lt3A_136 : vector<16xi1>
      %or3A_138 = arith.ori %gt3A_134, %and3A_137 : vector<16xi1>
      %select_n3A_139 = arith.select %or3A_138, %scan3A_117#15, %scan3A_117#14 : vector<16xi1>, vector<16xf32>
      %select_n3A_140 = arith.select %or3A_138, %scan3A_117#23, %scan3A_117#22 : vector<16xi1>, vector<16xi32>
      %gt3A_141 = arith.cmpf ogt, %select_n3A_125, %select_n3A : vector<16xf32>
      %eq3A_142 = arith.cmpf oeq, %select_n3A_125, %select_n3A : vector<16xf32>
      %lt3A_143 = arith.cmpi slt, %select_n3A_126, %select_n3A_119 : vector<16xi32>
      %and3A_144 = arith.andi %eq3A_142, %lt3A_143 : vector<16xi1>
      %or3A_145 = arith.ori %gt3A_141, %and3A_144 : vector<16xi1>
      %select_n3A_146 = arith.select %or3A_145, %select_n3A_125, %select_n3A : vector<16xi1>, vector<16xf32>
      %select_n3A_147 = arith.select %or3A_145, %select_n3A_126, %select_n3A_119 : vector<16xi1>, vector<16xi32>
      %gt3A_148 = arith.cmpf ogt, %select_n3A_139, %select_n3A_132 : vector<16xf32>
      %eq3A_149 = arith.cmpf oeq, %select_n3A_139, %select_n3A_132 : vector<16xf32>
      %lt3A_150 = arith.cmpi slt, %select_n3A_140, %select_n3A_133 : vector<16xi32>
      %and3A_151 = arith.andi %eq3A_149, %lt3A_150 : vector<16xi1>
      %or3A_152 = arith.ori %gt3A_148, %and3A_151 : vector<16xi1>
      %select_n3A_153 = arith.select %or3A_152, %select_n3A_139, %select_n3A_132 : vector<16xi1>, vector<16xf32>
      %select_n3A_154 = arith.select %or3A_152, %select_n3A_140, %select_n3A_133 : vector<16xi1>, vector<16xi32>
      %gt3A_155 = arith.cmpf ogt, %select_n3A_153, %select_n3A_146 : vector<16xf32>
      %eq3A_156 = arith.cmpf oeq, %select_n3A_153, %select_n3A_146 : vector<16xf32>
      %lt3A_157 = arith.cmpi slt, %select_n3A_154, %select_n3A_147 : vector<16xi32>
      %and3A_158 = arith.andi %eq3A_156, %lt3A_157 : vector<16xi1>
      %or3A_159 = arith.ori %gt3A_155, %and3A_158 : vector<16xi1>
      %select_n3A_160 = arith.select %or3A_159, %select_n3A_153, %select_n3A_146 : vector<16xi1>, vector<16xf32>
      %select_n3A_161 = arith.select %or3A_159, %select_n3A_154, %select_n3A_147 : vector<16xi1>, vector<16xi32>
      %mul3A_162 = arith.constant 16 : i32
      %mul3A_163 = arith.muli %scan3A_68, %mul3A_162 : i32
      %add3A_164 = arith.constant 128 : i32
      %add3A_165 = arith.addi %add3A_164, %mul3A_163 : i32
      %swap3A = arith.index_cast %add3A_165 : i32 to index
      %swap3A_166 = tpu.vector_load %arg8[%swap3A] {strides = array<i32>} : memref<512xi32, #tpu.memory_space<vmem>>, vector<16xi32>,
      tpu.vector_store %arg8[%swap3A], %select_n3A_161 {strides = array<i32>} : memref<512xi32, #tpu.memory_space<vmem>>, vector<16xi32>,
      %scan3A_167 = arith.constant 0 : i32
      scf.yield %scan3A_167 : i32
    }
    %scan3A_38 = arith.constant 8 : i32
    %dma_start3A_39 = arith.constant 384 : i32
    %dma_start3A_40 = tpu.memref_slice %arg5[%dma_start3A_39] : memref<512xi32, #tpu.memory_space<vmem>> -> memref<128xi32, #tpu.memory_space<vmem>>
    %dma_start3A_41 = arith.constant 0 : i32
    %dma_start3A_42 = arith.constant 0 : i32
    %dma_start3A_43 = tpu.memref_slice %arg3[%dma_start3A_41, %dma_start3A_42] : memref<1000000x128xf32, #tpu.memory_space<hbm>> -> memref<1000000x128xf32, #tpu.memory_space<hbm>>
    tpu.enqueue_indirect_dma source(%dma_start3A_43 : memref<1000000x128xf32, #tpu.memory_space<hbm>>) target(%arg7 : memref<128x128xf32, #tpu.memory_space<vmem>>) offsets(%dma_start3A_40 : memref<128xi32, #tpu.memory_space<vmem>>) semaphore(%arg10 : memref<!tpu.dma_semaphore, #tpu.memory_space<semaphore_mem>>)
    %dma_wait3A_44 = arith.constant 256 : i32
    %dma_wait3A_45 = tpu.memref_slice %arg5[%dma_wait3A_44] : memref<512xi32, #tpu.memory_space<vmem>> -> memref<128xi32, #tpu.memory_space<vmem>>
    %dma_wait3A_46 = arith.constant 0 : i32
    %dma_wait3A_47 = arith.constant 0 : i32
    %dma_wait3A_48 = tpu.memref_slice %arg3[%dma_wait3A_46, %dma_wait3A_47] : memref<1000000x128xf32, #tpu.memory_space<hbm>> -> memref<1000000x128xf32, #tpu.memory_space<hbm>>
    tpu.wait_indirect_dma semaphore(%arg9 : memref<!tpu.dma_semaphore, #tpu.memory_space<semaphore_mem>>) src(%dma_wait3A_48 : memref<1000000x128xf32, #tpu.memory_space<hbm>>) dst(%arg6 : memref<128x128xf32, #tpu.memory_space<vmem>>)
    %scan3A_49 = arith.constant 0 : i32
    %scan3A_50 = arith.constant 0 : i32
    %scan3A_51 = arith.constant 8 : i32
    %scan3A_52 = arith.addi %scan3A_50, %scan3A_51 : i32
    %scan3A_53 = arith.constant 1 : i32
    %scan3A_54 = scf.for %scan3A_68 = %scan3A_50 to %scan3A_52 step %scan3A_53 iter_args(%scan3A_69 = %scan3A_49) -> (i32)  : i32 {
      %iota3A = tpu.iota {dimensions = array<i32: 0>} : vector<16xi32>
      %mul3A_70 = arith.constant 16 : i32
      %mul3A_71 = arith.muli %scan3A_68, %mul3A_70 : i32
      %add3A_72 = vector.broadcast %mul3A_71 : i32 to vector<16xi32>
      %add3A_73 = arith.addi %iota3A, %add3A_72 : vector<16xi32>
      %iota3A_74 = tpu.iota {dimensions = array<i32: 0>} : vector<16xi32>
      %add3A_75 = arith.constant 0 : i32
      %add3A_76 = vector.broadcast %add3A_75 : i32 to vector<16xi32>
      %add3A_77 = arith.addi %iota3A_74, %add3A_76 : vector<16xi32>
      %iota3A_78 = tpu.iota {dimensions = array<i32: 0>} : vector<16xi32>
      %add3A_79 = arith.constant 16 : i32
      %add3A_80 = vector.broadcast %add3A_79 : i32 to vector<16xi32>
      %add3A_81 = arith.addi %iota3A_78, %add3A_80 : vector<16xi32>
      %iota3A_82 = tpu.iota {dimensions = array<i32: 0>} : vector<16xi32>
      %add3A_83 = arith.constant 32 : i32
      %add3A_84 = vector.broadcast %add3A_83 : i32 to vector<16xi32>
      %add3A_85 = arith.addi %iota3A_82, %add3A_84 : vector<16xi32>
      %iota3A_86 = tpu.iota {dimensions = array<i32: 0>} : vector<16xi32>
      %add3A_87 = arith.constant 48 : i32
      %add3A_88 = vector.broadcast %add3A_87 : i32 to vector<16xi32>
      %add3A_89 = arith.addi %iota3A_86, %add3A_88 : vector<16xi32>
      %iota3A_90 = tpu.iota {dimensions = array<i32: 0>} : vector<16xi32>
      %add3A_91 = arith.constant 64 : i32
      %add3A_92 = vector.broadcast %add3A_91 : i32 to vector<16xi32>
      %add3A_93 = arith.addi %iota3A_90, %add3A_92 : vector<16xi32>
      %iota3A_94 = tpu.iota {dimensions = array<i32: 0>} : vector<16xi32>
      %add3A_95 = arith.constant 80 : i32
      %add3A_96 = vector.broadcast %add3A_95 : i32 to vector<16xi32>
      %add3A_97 = arith.addi %iota3A_94, %add3A_96 : vector<16xi32>
      %iota3A_98 = tpu.iota {dimensions = array<i32: 0>} : vector<16xi32>
      %add3A_99 = arith.constant 96 : i32
      %add3A_100 = vector.broadcast %add3A_99 : i32 to vector<16xi32>
      %add3A_101 = arith.addi %iota3A_98, %add3A_100 : vector<16xi32>
      %iota3A_102 = tpu.iota {dimensions = array<i32: 0>} : vector<16xi32>
      %add3A_103 = arith.constant 112 : i32
      %add3A_104 = vector.broadcast %add3A_103 : i32 to vector<16xi32>
      %add3A_105 = arith.addi %iota3A_102, %add3A_104 : vector<16xi32>
      %gather3A = tpu.vector_load_idx %arg6[%add3A_73, %add3A_77] : memref<128x128xf32, #tpu.memory_space<vmem>>[vector<16xi32>, vector<16xi32>], vector<16xf32>,
      %gather3A_106 = tpu.vector_load_idx %arg6[%add3A_73, %add3A_81] : memref<128x128xf32, #tpu.memory_space<vmem>>[vector<16xi32>, vector<16xi32>], vector<16xf32>,
      %gather3A_107 = tpu.vector_load_idx %arg6[%add3A_73, %add3A_85] : memref<128x128xf32, #tpu.memory_space<vmem>>[vector<16xi32>, vector<16xi32>], vector<16xf32>,
      %gather3A_108 = tpu.vector_load_idx %arg6[%add3A_73, %add3A_89] : memref<128x128xf32, #tpu.memory_space<vmem>>[vector<16xi32>, vector<16xi32>], vector<16xf32>,
      %gather3A_109 = tpu.vector_load_idx %arg6[%add3A_73, %add3A_93] : memref<128x128xf32, #tpu.memory_space<vmem>>[vector<16xi32>, vector<16xi32>], vector<16xf32>,
      %gather3A_110 = tpu.vector_load_idx %arg6[%add3A_73, %add3A_97] : memref<128x128xf32, #tpu.memory_space<vmem>>[vector<16xi32>, vector<16xi32>], vector<16xf32>,
      %gather3A_111 = tpu.vector_load_idx %arg6[%add3A_73, %add3A_101] : memref<128x128xf32, #tpu.memory_space<vmem>>[vector<16xi32>, vector<16xi32>], vector<16xf32>,
      %gather3A_112 = tpu.vector_load_idx %arg6[%add3A_73, %add3A_105] : memref<128x128xf32, #tpu.memory_space<vmem>>[vector<16xi32>, vector<16xi32>], vector<16xf32>,
      %scan3A_113 = arith.constant 0 : i32
      %scan3A_114 = arith.constant 5 : i32
      %scan3A_115 = arith.addi %scan3A_113, %scan3A_114 : i32
      %scan3A_116 = arith.constant 1 : i32
      %scan3A_117:24 = scf.for %scan3A_168 = %scan3A_113 to %scan3A_115 step %scan3A_116 iter_args(%scan3A_169 = %add3A_77, %scan3A_170 = %add3A_81, %scan3A_171 = %add3A_85, %scan3A_172 = %add3A_89, %scan3A_173 = %add3A_93, %scan3A_174 = %add3A_97, %scan3A_175 = %add3A_101, %scan3A_176 = %add3A_105, %scan3A_177 = %gather3A, %scan3A_178 = %gather3A_106, %scan3A_179 = %gather3A_107, %scan3A_180 = %gather3A_108, %scan3A_181 = %gather3A_109, %scan3A_182 = %gather3A_110, %scan3A_183 = %gather3A_111, %scan3A_184 = %gather3A_112, %scan3A_185 = %add3A_77, %scan3A_186 = %add3A_81, %scan3A_187 = %add3A_85, %scan3A_188 = %add3A_89, %scan3A_189 = %add3A_93, %scan3A_190 = %add3A_97, %scan3A_191 = %add3A_101, %scan3A_192 = %add3A_105) -> (vector<16xi32>, vector<16xi32>, vector<16xi32>, vector<16xi32>, vector<16xi32>, vector<16xi32>, vector<16xi32>, vector<16xi32>, vector<16xf32>, vector<16xf32>, vector<16xf32>, vector<16xf32>, vector<16xf32>, vector<16xf32>, vector<16xf32>, vector<16xf32>, vector<16xi32>, vector<16xi32>, vector<16xi32>, vector<16xi32>, vector<16xi32>, vector<16xi32>, vector<16xi32>, vector<16xi32>)  : i32 {
        %add3A_193 = arith.constant 1 : i32
        %add3A_194 = vector.broadcast %add3A_193 : i32 to vector<16xi32>
        %add3A_195 = arith.addi %scan3A_169, %add3A_194 : vector<16xi32>
        %and3A_196 = arith.constant 127 : i32
        %and3A_197 = vector.broadcast %and3A_196 : i32 to vector<16xi32>
        %and3A_198 = arith.andi %add3A_195, %and3A_197 : vector<16xi32>
        %gather3A_199 = tpu.vector_load_idx %arg6[%add3A_73, %and3A_198] : memref<128x128xf32, #tpu.memory_space<vmem>>[vector<16xi32>, vector<16xi32>], vector<16xf32>,
        %gt3A_200 = arith.cmpf ogt, %gather3A_199, %scan3A_177 : vector<16xf32>
        %eq3A_201 = arith.cmpf oeq, %gather3A_199, %scan3A_177 : vector<16xf32>
        %lt3A_202 = arith.cmpi slt, %and3A_198, %scan3A_185 : vector<16xi32>
        %and3A_203 = arith.andi %eq3A_201, %lt3A_202 : vector<16xi1>
        %or3A_204 = arith.ori %gt3A_200, %and3A_203 : vector<16xi1>
        %select_n3A_205 = arith.select %or3A_204, %gather3A_199, %scan3A_177 : vector<16xi1>, vector<16xf32>
        %select_n3A_206 = arith.select %or3A_204, %and3A_198, %scan3A_185 : vector<16xi1>, vector<16xi32>
        %add3A_207 = arith.constant 1 : i32
        %add3A_208 = vector.broadcast %add3A_207 : i32 to vector<16xi32>
        %add3A_209 = arith.addi %scan3A_170, %add3A_208 : vector<16xi32>
        %and3A_210 = arith.constant 127 : i32
        %and3A_211 = vector.broadcast %and3A_210 : i32 to vector<16xi32>
        %and3A_212 = arith.andi %add3A_209, %and3A_211 : vector<16xi32>
        %gather3A_213 = tpu.vector_load_idx %arg6[%add3A_73, %and3A_212] : memref<128x128xf32, #tpu.memory_space<vmem>>[vector<16xi32>, vector<16xi32>], vector<16xf32>,
        %gt3A_214 = arith.cmpf ogt, %gather3A_213, %scan3A_178 : vector<16xf32>
        %eq3A_215 = arith.cmpf oeq, %gather3A_213, %scan3A_178 : vector<16xf32>
        %lt3A_216 = arith.cmpi slt, %and3A_212, %scan3A_186 : vector<16xi32>
        %and3A_217 = arith.andi %eq3A_215, %lt3A_216 : vector<16xi1>
        %or3A_218 = arith.ori %gt3A_214, %and3A_217 : vector<16xi1>
        %select_n3A_219 = arith.select %or3A_218, %gather3A_213, %scan3A_178 : vector<16xi1>, vector<16xf32>
        %select_n3A_220 = arith.select %or3A_218, %and3A_212, %scan3A_186 : vector<16xi1>, vector<16xi32>
        %add3A_221 = arith.constant 1 : i32
        %add3A_222 = vector.broadcast %add3A_221 : i32 to vector<16xi32>
        %add3A_223 = arith.addi %scan3A_171, %add3A_222 : vector<16xi32>
        %and3A_224 = arith.constant 127 : i32
        %and3A_225 = vector.broadcast %and3A_224 : i32 to vector<16xi32>
        %and3A_226 = arith.andi %add3A_223, %and3A_225 : vector<16xi32>
        %gather3A_227 = tpu.vector_load_idx %arg6[%add3A_73, %and3A_226] : memref<128x128xf32, #tpu.memory_space<vmem>>[vector<16xi32>, vector<16xi32>], vector<16xf32>,
        %gt3A_228 = arith.cmpf ogt, %gather3A_227, %scan3A_179 : vector<16xf32>
        %eq3A_229 = arith.cmpf oeq, %gather3A_227, %scan3A_179 : vector<16xf32>
        %lt3A_230 = arith.cmpi slt, %and3A_226, %scan3A_187 : vector<16xi32>
        %and3A_231 = arith.andi %eq3A_229, %lt3A_230 : vector<16xi1>
        %or3A_232 = arith.ori %gt3A_228, %and3A_231 : vector<16xi1>
        %select_n3A_233 = arith.select %or3A_232, %gather3A_227, %scan3A_179 : vector<16xi1>, vector<16xf32>
        %select_n3A_234 = arith.select %or3A_232, %and3A_226, %scan3A_187 : vector<16xi1>, vector<16xi32>
        %add3A_235 = arith.constant 1 : i32
        %add3A_236 = vector.broadcast %add3A_235 : i32 to vector<16xi32>
        %add3A_237 = arith.addi %scan3A_172, %add3A_236 : vector<16xi32>
        %and3A_238 = arith.constant 127 : i32
        %and3A_239 = vector.broadcast %and3A_238 : i32 to vector<16xi32>
        %and3A_240 = arith.andi %add3A_237, %and3A_239 : vector<16xi32>
        %gather3A_241 = tpu.vector_load_idx %arg6[%add3A_73, %and3A_240] : memref<128x128xf32, #tpu.memory_space<vmem>>[vector<16xi32>, vector<16xi32>], vector<16xf32>,
        %gt3A_242 = arith.cmpf ogt, %gather3A_241, %scan3A_180 : vector<16xf32>
        %eq3A_243 = arith.cmpf oeq, %gather3A_241, %scan3A_180 : vector<16xf32>
        %lt3A_244 = arith.cmpi slt, %and3A_240, %scan3A_188 : vector<16xi32>
        %and3A_245 = arith.andi %eq3A_243, %lt3A_244 : vector<16xi1>
        %or3A_246 = arith.ori %gt3A_242, %and3A_245 : vector<16xi1>
        %select_n3A_247 = arith.select %or3A_246, %gather3A_241, %scan3A_180 : vector<16xi1>, vector<16xf32>
        %select_n3A_248 = arith.select %or3A_246, %and3A_240, %scan3A_188 : vector<16xi1>, vector<16xi32>
        %add3A_249 = arith.constant 1 : i32
        %add3A_250 = vector.broadcast %add3A_249 : i32 to vector<16xi32>
        %add3A_251 = arith.addi %scan3A_173, %add3A_250 : vector<16xi32>
        %and3A_252 = arith.constant 127 : i32
        %and3A_253 = vector.broadcast %and3A_252 : i32 to vector<16xi32>
        %and3A_254 = arith.andi %add3A_251, %and3A_253 : vector<16xi32>
        %gather3A_255 = tpu.vector_load_idx %arg6[%add3A_73, %and3A_254] : memref<128x128xf32, #tpu.memory_space<vmem>>[vector<16xi32>, vector<16xi32>], vector<16xf32>,
        %gt3A_256 = arith.cmpf ogt, %gather3A_255, %scan3A_181 : vector<16xf32>
        %eq3A_257 = arith.cmpf oeq, %gather3A_255, %scan3A_181 : vector<16xf32>
        %lt3A_258 = arith.cmpi slt, %and3A_254, %scan3A_189 : vector<16xi32>
        %and3A_259 = arith.andi %eq3A_257, %lt3A_258 : vector<16xi1>
        %or3A_260 = arith.ori %gt3A_256, %and3A_259 : vector<16xi1>
        %select_n3A_261 = arith.select %or3A_260, %gather3A_255, %scan3A_181 : vector<16xi1>, vector<16xf32>
        %select_n3A_262 = arith.select %or3A_260, %and3A_254, %scan3A_189 : vector<16xi1>, vector<16xi32>
        %add3A_263 = arith.constant 1 : i32
        %add3A_264 = vector.broadcast %add3A_263 : i32 to vector<16xi32>
        %add3A_265 = arith.addi %scan3A_174, %add3A_264 : vector<16xi32>
        %and3A_266 = arith.constant 127 : i32
        %and3A_267 = vector.broadcast %and3A_266 : i32 to vector<16xi32>
        %and3A_268 = arith.andi %add3A_265, %and3A_267 : vector<16xi32>
        %gather3A_269 = tpu.vector_load_idx %arg6[%add3A_73, %and3A_268] : memref<128x128xf32, #tpu.memory_space<vmem>>[vector<16xi32>, vector<16xi32>], vector<16xf32>,
        %gt3A_270 = arith.cmpf ogt, %gather3A_269, %scan3A_182 : vector<16xf32>
        %eq3A_271 = arith.cmpf oeq, %gather3A_269, %scan3A_182 : vector<16xf32>
        %lt3A_272 = arith.cmpi slt, %and3A_268, %scan3A_190 : vector<16xi32>
        %and3A_273 = arith.andi %eq3A_271, %lt3A_272 : vector<16xi1>
        %or3A_274 = arith.ori %gt3A_270, %and3A_273 : vector<16xi1>
        %select_n3A_275 = arith.select %or3A_274, %gather3A_269, %scan3A_182 : vector<16xi1>, vector<16xf32>
        %select_n3A_276 = arith.select %or3A_274, %and3A_268, %scan3A_190 : vector<16xi1>, vector<16xi32>
        %add3A_277 = arith.constant 1 : i32
        %add3A_278 = vector.broadcast %add3A_277 : i32 to vector<16xi32>
        %add3A_279 = arith.addi %scan3A_175, %add3A_278 : vector<16xi32>
        %and3A_280 = arith.constant 127 : i32
        %and3A_281 = vector.broadcast %and3A_280 : i32 to vector<16xi32>
        %and3A_282 = arith.andi %add3A_279, %and3A_281 : vector<16xi32>
        %gather3A_283 = tpu.vector_load_idx %arg6[%add3A_73, %and3A_282] : memref<128x128xf32, #tpu.memory_space<vmem>>[vector<16xi32>, vector<16xi32>], vector<16xf32>,
        %gt3A_284 = arith.cmpf ogt, %gather3A_283, %scan3A_183 : vector<16xf32>
        %eq3A_285 = arith.cmpf oeq, %gather3A_283, %scan3A_183 : vector<16xf32>
        %lt3A_286 = arith.cmpi slt, %and3A_282, %scan3A_191 : vector<16xi32>
        %and3A_287 = arith.andi %eq3A_285, %lt3A_286 : vector<16xi1>
        %or3A_288 = arith.ori %gt3A_284, %and3A_287 : vector<16xi1>
        %select_n3A_289 = arith.select %or3A_288, %gather3A_283, %scan3A_183 : vector<16xi1>, vector<16xf32>
        %select_n3A_290 = arith.select %or3A_288, %and3A_282, %scan3A_191 : vector<16xi1>, vector<16xi32>
        %add3A_291 = arith.constant 1 : i32
        %add3A_292 = vector.broadcast %add3A_291 : i32 to vector<16xi32>
        %add3A_293 = arith.addi %scan3A_176, %add3A_292 : vector<16xi32>
        %and3A_294 = arith.constant 127 : i32
        %and3A_295 = vector.broadcast %and3A_294 : i32 to vector<16xi32>
        %and3A_296 = arith.andi %add3A_293, %and3A_295 : vector<16xi32>
        %gather3A_297 = tpu.vector_load_idx %arg6[%add3A_73, %and3A_296] : memref<128x128xf32, #tpu.memory_space<vmem>>[vector<16xi32>, vector<16xi32>], vector<16xf32>,
        %gt3A_298 = arith.cmpf ogt, %gather3A_297, %scan3A_184 : vector<16xf32>
        %eq3A_299 = arith.cmpf oeq, %gather3A_297, %scan3A_184 : vector<16xf32>
        %lt3A_300 = arith.cmpi slt, %and3A_296, %scan3A_192 : vector<16xi32>
        %and3A_301 = arith.andi %eq3A_299, %lt3A_300 : vector<16xi1>
        %or3A_302 = arith.ori %gt3A_298, %and3A_301 : vector<16xi1>
        %select_n3A_303 = arith.select %or3A_302, %gather3A_297, %scan3A_184 : vector<16xi1>, vector<16xf32>
        %select_n3A_304 = arith.select %or3A_302, %and3A_296, %scan3A_192 : vector<16xi1>, vector<16xi32>
        %add3A_305 = arith.constant 1 : i32
        %add3A_306 = vector.broadcast %add3A_305 : i32 to vector<16xi32>
        %add3A_307 = arith.addi %and3A_198, %add3A_306 : vector<16xi32>
        %and3A_308 = arith.constant 127 : i32
        %and3A_309 = vector.broadcast %and3A_308 : i32 to vector<16xi32>
        %and3A_310 = arith.andi %add3A_307, %and3A_309 : vector<16xi32>
        %gather3A_311 = tpu.vector_load_idx %arg6[%add3A_73, %and3A_310] : memref<128x128xf32, #tpu.memory_space<vmem>>[vector<16xi32>, vector<16xi32>], vector<16xf32>,
        %gt3A_312 = arith.cmpf ogt, %gather3A_311, %select_n3A_205 : vector<16xf32>
        %eq3A_313 = arith.cmpf oeq, %gather3A_311, %select_n3A_205 : vector<16xf32>
        %lt3A_314 = arith.cmpi slt, %and3A_310, %select_n3A_206 : vector<16xi32>
        %and3A_315 = arith.andi %eq3A_313, %lt3A_314 : vector<16xi1>
        %or3A_316 = arith.ori %gt3A_312, %and3A_315 : vector<16xi1>
        %select_n3A_317 = arith.select %or3A_316, %gather3A_311, %select_n3A_205 : vector<16xi1>, vector<16xf32>
        %select_n3A_318 = arith.select %or3A_316, %and3A_310, %select_n3A_206 : vector<16xi1>, vector<16xi32>
        %add3A_319 = arith.constant 1 : i32
        %add3A_320 = vector.broadcast %add3A_319 : i32 to vector<16xi32>
        %add3A_321 = arith.addi %and3A_212, %add3A_320 : vector<16xi32>
        %and3A_322 = arith.constant 127 : i32
        %and3A_323 = vector.broadcast %and3A_322 : i32 to vector<16xi32>
        %and3A_324 = arith.andi %add3A_321, %and3A_323 : vector<16xi32>
        %gather3A_325 = tpu.vector_load_idx %arg6[%add3A_73, %and3A_324] : memref<128x128xf32, #tpu.memory_space<vmem>>[vector<16xi32>, vector<16xi32>], vector<16xf32>,
        %gt3A_326 = arith.cmpf ogt, %gather3A_325, %select_n3A_219 : vector<16xf32>
        %eq3A_327 = arith.cmpf oeq, %gather3A_325, %select_n3A_219 : vector<16xf32>
        %lt3A_328 = arith.cmpi slt, %and3A_324, %select_n3A_220 : vector<16xi32>
        %and3A_329 = arith.andi %eq3A_327, %lt3A_328 : vector<16xi1>
        %or3A_330 = arith.ori %gt3A_326, %and3A_329 : vector<16xi1>
        %select_n3A_331 = arith.select %or3A_330, %gather3A_325, %select_n3A_219 : vector<16xi1>, vector<16xf32>
        %select_n3A_332 = arith.select %or3A_330, %and3A_324, %select_n3A_220 : vector<16xi1>, vector<16xi32>
        %add3A_333 = arith.constant 1 : i32
        %add3A_334 = vector.broadcast %add3A_333 : i32 to vector<16xi32>
        %add3A_335 = arith.addi %and3A_226, %add3A_334 : vector<16xi32>
        %and3A_336 = arith.constant 127 : i32
        %and3A_337 = vector.broadcast %and3A_336 : i32 to vector<16xi32>
        %and3A_338 = arith.andi %add3A_335, %and3A_337 : vector<16xi32>
        %gather3A_339 = tpu.vector_load_idx %arg6[%add3A_73, %and3A_338] : memref<128x128xf32, #tpu.memory_space<vmem>>[vector<16xi32>, vector<16xi32>], vector<16xf32>,
        %gt3A_340 = arith.cmpf ogt, %gather3A_339, %select_n3A_233 : vector<16xf32>
        %eq3A_341 = arith.cmpf oeq, %gather3A_339, %select_n3A_233 : vector<16xf32>
        %lt3A_342 = arith.cmpi slt, %and3A_338, %select_n3A_234 : vector<16xi32>
        %and3A_343 = arith.andi %eq3A_341, %lt3A_342 : vector<16xi1>
        %or3A_344 = arith.ori %gt3A_340, %and3A_343 : vector<16xi1>
        %select_n3A_345 = arith.select %or3A_344, %gather3A_339, %select_n3A_233 : vector<16xi1>, vector<16xf32>
        %select_n3A_346 = arith.select %or3A_344, %and3A_338, %select_n3A_234 : vector<16xi1>, vector<16xi32>
        %add3A_347 = arith.constant 1 : i32
        %add3A_348 = vector.broadcast %add3A_347 : i32 to vector<16xi32>
        %add3A_349 = arith.addi %and3A_240, %add3A_348 : vector<16xi32>
        %and3A_350 = arith.constant 127 : i32
        %and3A_351 = vector.broadcast %and3A_350 : i32 to vector<16xi32>
        %and3A_352 = arith.andi %add3A_349, %and3A_351 : vector<16xi32>
        %gather3A_353 = tpu.vector_load_idx %arg6[%add3A_73, %and3A_352] : memref<128x128xf32, #tpu.memory_space<vmem>>[vector<16xi32>, vector<16xi32>], vector<16xf32>,
        %gt3A_354 = arith.cmpf ogt, %gather3A_353, %select_n3A_247 : vector<16xf32>
        %eq3A_355 = arith.cmpf oeq, %gather3A_353, %select_n3A_247 : vector<16xf32>
        %lt3A_356 = arith.cmpi slt, %and3A_352, %select_n3A_248 : vector<16xi32>
        %and3A_357 = arith.andi %eq3A_355, %lt3A_356 : vector<16xi1>
        %or3A_358 = arith.ori %gt3A_354, %and3A_357 : vector<16xi1>
        %select_n3A_359 = arith.select %or3A_358, %gather3A_353, %select_n3A_247 : vector<16xi1>, vector<16xf32>
        %select_n3A_360 = arith.select %or3A_358, %and3A_352, %select_n3A_248 : vector<16xi1>, vector<16xi32>
        %add3A_361 = arith.constant 1 : i32
        %add3A_362 = vector.broadcast %add3A_361 : i32 to vector<16xi32>
        %add3A_363 = arith.addi %and3A_254, %add3A_362 : vector<16xi32>
        %and3A_364 = arith.constant 127 : i32
        %and3A_365 = vector.broadcast %and3A_364 : i32 to vector<16xi32>
        %and3A_366 = arith.andi %add3A_363, %and3A_365 : vector<16xi32>
        %gather3A_367 = tpu.vector_load_idx %arg6[%add3A_73, %and3A_366] : memref<128x128xf32, #tpu.memory_space<vmem>>[vector<16xi32>, vector<16xi32>], vector<16xf32>,
        %gt3A_368 = arith.cmpf ogt, %gather3A_367, %select_n3A_261 : vector<16xf32>
        %eq3A_369 = arith.cmpf oeq, %gather3A_367, %select_n3A_261 : vector<16xf32>
        %lt3A_370 = arith.cmpi slt, %and3A_366, %select_n3A_262 : vector<16xi32>
        %and3A_371 = arith.andi %eq3A_369, %lt3A_370 : vector<16xi1>
        %or3A_372 = arith.ori %gt3A_368, %and3A_371 : vector<16xi1>
        %select_n3A_373 = arith.select %or3A_372, %gather3A_367, %select_n3A_261 : vector<16xi1>, vector<16xf32>
        %select_n3A_374 = arith.select %or3A_372, %and3A_366, %select_n3A_262 : vector<16xi1>, vector<16xi32>
        %add3A_375 = arith.constant 1 : i32
        %add3A_376 = vector.broadcast %add3A_375 : i32 to vector<16xi32>
        %add3A_377 = arith.addi %and3A_268, %add3A_376 : vector<16xi32>
        %and3A_378 = arith.constant 127 : i32
        %and3A_379 = vector.broadcast %and3A_378 : i32 to vector<16xi32>
        %and3A_380 = arith.andi %add3A_377, %and3A_379 : vector<16xi32>
        %gather3A_381 = tpu.vector_load_idx %arg6[%add3A_73, %and3A_380] : memref<128x128xf32, #tpu.memory_space<vmem>>[vector<16xi32>, vector<16xi32>], vector<16xf32>,
        %gt3A_382 = arith.cmpf ogt, %gather3A_381, %select_n3A_275 : vector<16xf32>
        %eq3A_383 = arith.cmpf oeq, %gather3A_381, %select_n3A_275 : vector<16xf32>
        %lt3A_384 = arith.cmpi slt, %and3A_380, %select_n3A_276 : vector<16xi32>
        %and3A_385 = arith.andi %eq3A_383, %lt3A_384 : vector<16xi1>
        %or3A_386 = arith.ori %gt3A_382, %and3A_385 : vector<16xi1>
        %select_n3A_387 = arith.select %or3A_386, %gather3A_381, %select_n3A_275 : vector<16xi1>, vector<16xf32>
        %select_n3A_388 = arith.select %or3A_386, %and3A_380, %select_n3A_276 : vector<16xi1>, vector<16xi32>
        %add3A_389 = arith.constant 1 : i32
        %add3A_390 = vector.broadcast %add3A_389 : i32 to vector<16xi32>
        %add3A_391 = arith.addi %and3A_282, %add3A_390 : vector<16xi32>
        %and3A_392 = arith.constant 127 : i32
        %and3A_393 = vector.broadcast %and3A_392 : i32 to vector<16xi32>
        %and3A_394 = arith.andi %add3A_391, %and3A_393 : vector<16xi32>
        %gather3A_395 = tpu.vector_load_idx %arg6[%add3A_73, %and3A_394] : memref<128x128xf32, #tpu.memory_space<vmem>>[vector<16xi32>, vector<16xi32>], vector<16xf32>,
        %gt3A_396 = arith.cmpf ogt, %gather3A_395, %select_n3A_289 : vector<16xf32>
        %eq3A_397 = arith.cmpf oeq, %gather3A_395, %select_n3A_289 : vector<16xf32>
        %lt3A_398 = arith.cmpi slt, %and3A_394, %select_n3A_290 : vector<16xi32>
        %and3A_399 = arith.andi %eq3A_397, %lt3A_398 : vector<16xi1>
        %or3A_400 = arith.ori %gt3A_396, %and3A_399 : vector<16xi1>
        %select_n3A_401 = arith.select %or3A_400, %gather3A_395, %select_n3A_289 : vector<16xi1>, vector<16xf32>
        %select_n3A_402 = arith.select %or3A_400, %and3A_394, %select_n3A_290 : vector<16xi1>, vector<16xi32>
        %add3A_403 = arith.constant 1 : i32
        %add3A_404 = vector.broadcast %add3A_403 : i32 to vector<16xi32>
        %add3A_405 = arith.addi %and3A_296, %add3A_404 : vector<16xi32>
        %and3A_406 = arith.constant 127 : i32
        %and3A_407 = vector.broadcast %and3A_406 : i32 to vector<16xi32>
        %and3A_408 = arith.andi %add3A_405, %and3A_407 : vector<16xi32>
        %gather3A_409 = tpu.vector_load_idx %arg6[%add3A_73, %and3A_408] : memref<128x128xf32, #tpu.memory_space<vmem>>[vector<16xi32>, vector<16xi32>], vector<16xf32>,
        %gt3A_410 = arith.cmpf ogt, %gather3A_409, %select_n3A_303 : vector<16xf32>
        %eq3A_411 = arith.cmpf oeq, %gather3A_409, %select_n3A_303 : vector<16xf32>
        %lt3A_412 = arith.cmpi slt, %and3A_408, %select_n3A_304 : vector<16xi32>
        %and3A_413 = arith.andi %eq3A_411, %lt3A_412 : vector<16xi1>
        %or3A_414 = arith.ori %gt3A_410, %and3A_413 : vector<16xi1>
        %select_n3A_415 = arith.select %or3A_414, %gather3A_409, %select_n3A_303 : vector<16xi1>, vector<16xf32>
        %select_n3A_416 = arith.select %or3A_414, %and3A_408, %select_n3A_304 : vector<16xi1>, vector<16xi32>
        %add3A_417 = arith.constant 1 : i32
        %add3A_418 = vector.broadcast %add3A_417 : i32 to vector<16xi32>
        %add3A_419 = arith.addi %and3A_310, %add3A_418 : vector<16xi32>
        %and3A_420 = arith.constant 127 : i32
        %and3A_421 = vector.broadcast %and3A_420 : i32 to vector<16xi32>
        %and3A_422 = arith.andi %add3A_419, %and3A_421 : vector<16xi32>
        %gather3A_423 = tpu.vector_load_idx %arg6[%add3A_73, %and3A_422] : memref<128x128xf32, #tpu.memory_space<vmem>>[vector<16xi32>, vector<16xi32>], vector<16xf32>,
        %gt3A_424 = arith.cmpf ogt, %gather3A_423, %select_n3A_317 : vector<16xf32>
        %eq3A_425 = arith.cmpf oeq, %gather3A_423, %select_n3A_317 : vector<16xf32>
        %lt3A_426 = arith.cmpi slt, %and3A_422, %select_n3A_318 : vector<16xi32>
        %and3A_427 = arith.andi %eq3A_425, %lt3A_426 : vector<16xi1>
        %or3A_428 = arith.ori %gt3A_424, %and3A_427 : vector<16xi1>
        %select_n3A_429 = arith.select %or3A_428, %gather3A_423, %select_n3A_317 : vector<16xi1>, vector<16xf32>
        %select_n3A_430 = arith.select %or3A_428, %and3A_422, %select_n3A_318 : vector<16xi1>, vector<16xi32>
        %add3A_431 = arith.constant 1 : i32
        %add3A_432 = vector.broadcast %add3A_431 : i32 to vector<16xi32>
        %add3A_433 = arith.addi %and3A_324, %add3A_432 : vector<16xi32>
        %and3A_434 = arith.constant 127 : i32
        %and3A_435 = vector.broadcast %and3A_434 : i32 to vector<16xi32>
        %and3A_436 = arith.andi %add3A_433, %and3A_435 : vector<16xi32>
        %gather3A_437 = tpu.vector_load_idx %arg6[%add3A_73, %and3A_436] : memref<128x128xf32, #tpu.memory_space<vmem>>[vector<16xi32>, vector<16xi32>], vector<16xf32>,
        %gt3A_438 = arith.cmpf ogt, %gather3A_437, %select_n3A_331 : vector<16xf32>
        %eq3A_439 = arith.cmpf oeq, %gather3A_437, %select_n3A_331 : vector<16xf32>
        %lt3A_440 = arith.cmpi slt, %and3A_436, %select_n3A_332 : vector<16xi32>
        %and3A_441 = arith.andi %eq3A_439, %lt3A_440 : vector<16xi1>
        %or3A_442 = arith.ori %gt3A_438, %and3A_441 : vector<16xi1>
        %select_n3A_443 = arith.select %or3A_442, %gather3A_437, %select_n3A_331 : vector<16xi1>, vector<16xf32>
        %select_n3A_444 = arith.select %or3A_442, %and3A_436, %select_n3A_332 : vector<16xi1>, vector<16xi32>
        %add3A_445 = arith.constant 1 : i32
        %add3A_446 = vector.broadcast %add3A_445 : i32 to vector<16xi32>
        %add3A_447 = arith.addi %and3A_338, %add3A_446 : vector<16xi32>
        %and3A_448 = arith.constant 127 : i32
        %and3A_449 = vector.broadcast %and3A_448 : i32 to vector<16xi32>
        %and3A_450 = arith.andi %add3A_447, %and3A_449 : vector<16xi32>
        %gather3A_451 = tpu.vector_load_idx %arg6[%add3A_73, %and3A_450] : memref<128x128xf32, #tpu.memory_space<vmem>>[vector<16xi32>, vector<16xi32>], vector<16xf32>,
        %gt3A_452 = arith.cmpf ogt, %gather3A_451, %select_n3A_345 : vector<16xf32>
        %eq3A_453 = arith.cmpf oeq, %gather3A_451, %select_n3A_345 : vector<16xf32>
        %lt3A_454 = arith.cmpi slt, %and3A_450, %select_n3A_346 : vector<16xi32>
        %and3A_455 = arith.andi %eq3A_453, %lt3A_454 : vector<16xi1>
        %or3A_456 = arith.ori %gt3A_452, %and3A_455 : vector<16xi1>
        %select_n3A_457 = arith.select %or3A_456, %gather3A_451, %select_n3A_345 : vector<16xi1>, vector<16xf32>
        %select_n3A_458 = arith.select %or3A_456, %and3A_450, %select_n3A_346 : vector<16xi1>, vector<16xi32>
        %add3A_459 = arith.constant 1 : i32
        %add3A_460 = vector.broadcast %add3A_459 : i32 to vector<16xi32>
        %add3A_461 = arith.addi %and3A_352, %add3A_460 : vector<16xi32>
        %and3A_462 = arith.constant 127 : i32
        %and3A_463 = vector.broadcast %and3A_462 : i32 to vector<16xi32>
        %and3A_464 = arith.andi %add3A_461, %and3A_463 : vector<16xi32>
        %gather3A_465 = tpu.vector_load_idx %arg6[%add3A_73, %and3A_464] : memref<128x128xf32, #tpu.memory_space<vmem>>[vector<16xi32>, vector<16xi32>], vector<16xf32>,
        %gt3A_466 = arith.cmpf ogt, %gather3A_465, %select_n3A_359 : vector<16xf32>
        %eq3A_467 = arith.cmpf oeq, %gather3A_465, %select_n3A_359 : vector<16xf32>
        %lt3A_468 = arith.cmpi slt, %and3A_464, %select_n3A_360 : vector<16xi32>
        %and3A_469 = arith.andi %eq3A_467, %lt3A_468 : vector<16xi1>
        %or3A_470 = arith.ori %gt3A_466, %and3A_469 : vector<16xi1>
        %select_n3A_471 = arith.select %or3A_470, %gather3A_465, %select_n3A_359 : vector<16xi1>, vector<16xf32>
        %select_n3A_472 = arith.select %or3A_470, %and3A_464, %select_n3A_360 : vector<16xi1>, vector<16xi32>
        %add3A_473 = arith.constant 1 : i32
        %add3A_474 = vector.broadcast %add3A_473 : i32 to vector<16xi32>
        %add3A_475 = arith.addi %and3A_366, %add3A_474 : vector<16xi32>
        %and3A_476 = arith.constant 127 : i32
        %and3A_477 = vector.broadcast %and3A_476 : i32 to vector<16xi32>
        %and3A_478 = arith.andi %add3A_475, %and3A_477 : vector<16xi32>
        %gather3A_479 = tpu.vector_load_idx %arg6[%add3A_73, %and3A_478] : memref<128x128xf32, #tpu.memory_space<vmem>>[vector<16xi32>, vector<16xi32>], vector<16xf32>,
        %gt3A_480 = arith.cmpf ogt, %gather3A_479, %select_n3A_373 : vector<16xf32>
        %eq3A_481 = arith.cmpf oeq, %gather3A_479, %select_n3A_373 : vector<16xf32>
        %lt3A_482 = arith.cmpi slt, %and3A_478, %select_n3A_374 : vector<16xi32>
        %and3A_483 = arith.andi %eq3A_481, %lt3A_482 : vector<16xi1>
        %or3A_484 = arith.ori %gt3A_480, %and3A_483 : vector<16xi1>
        %select_n3A_485 = arith.select %or3A_484, %gather3A_479, %select_n3A_373 : vector<16xi1>, vector<16xf32>
        %select_n3A_486 = arith.select %or3A_484, %and3A_478, %select_n3A_374 : vector<16xi1>, vector<16xi32>
        %add3A_487 = arith.constant 1 : i32
        %add3A_488 = vector.broadcast %add3A_487 : i32 to vector<16xi32>
        %add3A_489 = arith.addi %and3A_380, %add3A_488 : vector<16xi32>
        %and3A_490 = arith.constant 127 : i32
        %and3A_491 = vector.broadcast %and3A_490 : i32 to vector<16xi32>
        %and3A_492 = arith.andi %add3A_489, %and3A_491 : vector<16xi32>
        %gather3A_493 = tpu.vector_load_idx %arg6[%add3A_73, %and3A_492] : memref<128x128xf32, #tpu.memory_space<vmem>>[vector<16xi32>, vector<16xi32>], vector<16xf32>,
        %gt3A_494 = arith.cmpf ogt, %gather3A_493, %select_n3A_387 : vector<16xf32>
        %eq3A_495 = arith.cmpf oeq, %gather3A_493, %select_n3A_387 : vector<16xf32>
        %lt3A_496 = arith.cmpi slt, %and3A_492, %select_n3A_388 : vector<16xi32>
        %and3A_497 = arith.andi %eq3A_495, %lt3A_496 : vector<16xi1>
        %or3A_498 = arith.ori %gt3A_494, %and3A_497 : vector<16xi1>
        %select_n3A_499 = arith.select %or3A_498, %gather3A_493, %select_n3A_387 : vector<16xi1>, vector<16xf32>
        %select_n3A_500 = arith.select %or3A_498, %and3A_492, %select_n3A_388 : vector<16xi1>, vector<16xi32>
        %add3A_501 = arith.constant 1 : i32
        %add3A_502 = vector.broadcast %add3A_501 : i32 to vector<16xi32>
        %add3A_503 = arith.addi %and3A_394, %add3A_502 : vector<16xi32>
        %and3A_504 = arith.constant 127 : i32
        %and3A_505 = vector.broadcast %and3A_504 : i32 to vector<16xi32>
        %and3A_506 = arith.andi %add3A_503, %and3A_505 : vector<16xi32>
        %gather3A_507 = tpu.vector_load_idx %arg6[%add3A_73, %and3A_506] : memref<128x128xf32, #tpu.memory_space<vmem>>[vector<16xi32>, vector<16xi32>], vector<16xf32>,
        %gt3A_508 = arith.cmpf ogt, %gather3A_507, %select_n3A_401 : vector<16xf32>
        %eq3A_509 = arith.cmpf oeq, %gather3A_507, %select_n3A_401 : vector<16xf32>
        %lt3A_510 = arith.cmpi slt, %and3A_506, %select_n3A_402 : vector<16xi32>
        %and3A_511 = arith.andi %eq3A_509, %lt3A_510 : vector<16xi1>
        %or3A_512 = arith.ori %gt3A_508, %and3A_511 : vector<16xi1>
        %select_n3A_513 = arith.select %or3A_512, %gather3A_507, %select_n3A_401 : vector<16xi1>, vector<16xf32>
        %select_n3A_514 = arith.select %or3A_512, %and3A_506, %select_n3A_402 : vector<16xi1>, vector<16xi32>
        %add3A_515 = arith.constant 1 : i32
        %add3A_516 = vector.broadcast %add3A_515 : i32 to vector<16xi32>
        %add3A_517 = arith.addi %and3A_408, %add3A_516 : vector<16xi32>
        %and3A_518 = arith.constant 127 : i32
        %and3A_519 = vector.broadcast %and3A_518 : i32 to vector<16xi32>
        %and3A_520 = arith.andi %add3A_517, %and3A_519 : vector<16xi32>
        %gather3A_521 = tpu.vector_load_idx %arg6[%add3A_73, %and3A_520] : memref<128x128xf32, #tpu.memory_space<vmem>>[vector<16xi32>, vector<16xi32>], vector<16xf32>,
        %gt3A_522 = arith.cmpf ogt, %gather3A_521, %select_n3A_415 : vector<16xf32>
        %eq3A_523 = arith.cmpf oeq, %gather3A_521, %select_n3A_415 : vector<16xf32>
        %lt3A_524 = arith.cmpi slt, %and3A_520, %select_n3A_416 : vector<16xi32>
        %and3A_525 = arith.andi %eq3A_523, %lt3A_524 : vector<16xi1>
        %or3A_526 = arith.ori %gt3A_522, %and3A_525 : vector<16xi1>
        %select_n3A_527 = arith.select %or3A_526, %gather3A_521, %select_n3A_415 : vector<16xi1>, vector<16xf32>
        %select_n3A_528 = arith.select %or3A_526, %and3A_520, %select_n3A_416 : vector<16xi1>, vector<16xi32>
        scf.yield %and3A_422, %and3A_436, %and3A_450, %and3A_464, %and3A_478, %and3A_492, %and3A_506, %and3A_520, %select_n3A_429, %select_n3A_443, %select_n3A_457, %select_n3A_471, %select_n3A_485, %select_n3A_499, %select_n3A_513, %select_n3A_527, %select_n3A_430, %select_n3A_444, %select_n3A_458, %select_n3A_472, %select_n3A_486, %select_n3A_500, %select_n3A_514, %select_n3A_528 : vector<16xi32>, vector<16xi32>, vector<16xi32>, vector<16xi32>, vector<16xi32>, vector<16xi32>, vector<16xi32>, vector<16xi32>, vector<16xf32>, vector<16xf32>, vector<16xf32>, vector<16xf32>, vector<16xf32>, vector<16xf32>, vector<16xf32>, vector<16xf32>, vector<16xi32>, vector<16xi32>, vector<16xi32>, vector<16xi32>, vector<16xi32>, vector<16xi32>, vector<16xi32>, vector<16xi32>
      }
      %scan3A_118 = arith.constant 5 : i32
      %gt3A = arith.cmpf ogt, %scan3A_117#9, %scan3A_117#8 : vector<16xf32>
      %eq3A = arith.cmpf oeq, %scan3A_117#9, %scan3A_117#8 : vector<16xf32>
      %lt3A = arith.cmpi slt, %scan3A_117#17, %scan3A_117#16 : vector<16xi32>
      %and3A = arith.andi %eq3A, %lt3A : vector<16xi1>
      %or3A = arith.ori %gt3A, %and3A : vector<16xi1>
      %select_n3A = arith.select %or3A, %scan3A_117#9, %scan3A_117#8 : vector<16xi1>, vector<16xf32>
      %select_n3A_119 = arith.select %or3A, %scan3A_117#17, %scan3A_117#16 : vector<16xi1>, vector<16xi32>
      %gt3A_120 = arith.cmpf ogt, %scan3A_117#11, %scan3A_117#10 : vector<16xf32>
      %eq3A_121 = arith.cmpf oeq, %scan3A_117#11, %scan3A_117#10 : vector<16xf32>
      %lt3A_122 = arith.cmpi slt, %scan3A_117#19, %scan3A_117#18 : vector<16xi32>
      %and3A_123 = arith.andi %eq3A_121, %lt3A_122 : vector<16xi1>
      %or3A_124 = arith.ori %gt3A_120, %and3A_123 : vector<16xi1>
      %select_n3A_125 = arith.select %or3A_124, %scan3A_117#11, %scan3A_117#10 : vector<16xi1>, vector<16xf32>
      %select_n3A_126 = arith.select %or3A_124, %scan3A_117#19, %scan3A_117#18 : vector<16xi1>, vector<16xi32>
      %gt3A_127 = arith.cmpf ogt, %scan3A_117#13, %scan3A_117#12 : vector<16xf32>
      %eq3A_128 = arith.cmpf oeq, %scan3A_117#13, %scan3A_117#12 : vector<16xf32>
      %lt3A_129 = arith.cmpi slt, %scan3A_117#21, %scan3A_117#20 : vector<16xi32>
      %and3A_130 = arith.andi %eq3A_128, %lt3A_129 : vector<16xi1>
      %or3A_131 = arith.ori %gt3A_127, %and3A_130 : vector<16xi1>
      %select_n3A_132 = arith.select %or3A_131, %scan3A_117#13, %scan3A_117#12 : vector<16xi1>, vector<16xf32>
      %select_n3A_133 = arith.select %or3A_131, %scan3A_117#21, %scan3A_117#20 : vector<16xi1>, vector<16xi32>
      %gt3A_134 = arith.cmpf ogt, %scan3A_117#15, %scan3A_117#14 : vector<16xf32>
      %eq3A_135 = arith.cmpf oeq, %scan3A_117#15, %scan3A_117#14 : vector<16xf32>
      %lt3A_136 = arith.cmpi slt, %scan3A_117#23, %scan3A_117#22 : vector<16xi32>
      %and3A_137 = arith.andi %eq3A_135, %lt3A_136 : vector<16xi1>
      %or3A_138 = arith.ori %gt3A_134, %and3A_137 : vector<16xi1>
      %select_n3A_139 = arith.select %or3A_138, %scan3A_117#15, %scan3A_117#14 : vector<16xi1>, vector<16xf32>
      %select_n3A_140 = arith.select %or3A_138, %scan3A_117#23, %scan3A_117#22 : vector<16xi1>, vector<16xi32>
      %gt3A_141 = arith.cmpf ogt, %select_n3A_125, %select_n3A : vector<16xf32>
      %eq3A_142 = arith.cmpf oeq, %select_n3A_125, %select_n3A : vector<16xf32>
      %lt3A_143 = arith.cmpi slt, %select_n3A_126, %select_n3A_119 : vector<16xi32>
      %and3A_144 = arith.andi %eq3A_142, %lt3A_143 : vector<16xi1>
      %or3A_145 = arith.ori %gt3A_141, %and3A_144 : vector<16xi1>
      %select_n3A_146 = arith.select %or3A_145, %select_n3A_125, %select_n3A : vector<16xi1>, vector<16xf32>
      %select_n3A_147 = arith.select %or3A_145, %select_n3A_126, %select_n3A_119 : vector<16xi1>, vector<16xi32>
      %gt3A_148 = arith.cmpf ogt, %select_n3A_139, %select_n3A_132 : vector<16xf32>
      %eq3A_149 = arith.cmpf oeq, %select_n3A_139, %select_n3A_132 : vector<16xf32>
      %lt3A_150 = arith.cmpi slt, %select_n3A_140, %select_n3A_133 : vector<16xi32>
      %and3A_151 = arith.andi %eq3A_149, %lt3A_150 : vector<16xi1>
      %or3A_152 = arith.ori %gt3A_148, %and3A_151 : vector<16xi1>
      %select_n3A_153 = arith.select %or3A_152, %select_n3A_139, %select_n3A_132 : vector<16xi1>, vector<16xf32>
      %select_n3A_154 = arith.select %or3A_152, %select_n3A_140, %select_n3A_133 : vector<16xi1>, vector<16xi32>
      %gt3A_155 = arith.cmpf ogt, %select_n3A_153, %select_n3A_146 : vector<16xf32>
      %eq3A_156 = arith.cmpf oeq, %select_n3A_153, %select_n3A_146 : vector<16xf32>
      %lt3A_157 = arith.cmpi slt, %select_n3A_154, %select_n3A_147 : vector<16xi32>
      %and3A_158 = arith.andi %eq3A_156, %lt3A_157 : vector<16xi1>
      %or3A_159 = arith.ori %gt3A_155, %and3A_158 : vector<16xi1>
      %select_n3A_160 = arith.select %or3A_159, %select_n3A_153, %select_n3A_146 : vector<16xi1>, vector<16xf32>
      %select_n3A_161 = arith.select %or3A_159, %select_n3A_154, %select_n3A_147 : vector<16xi1>, vector<16xi32>
      %mul3A_162 = arith.constant 16 : i32
      %mul3A_163 = arith.muli %scan3A_68, %mul3A_162 : i32
      %add3A_164 = arith.constant 256 : i32
      %add3A_165 = arith.addi %add3A_164, %mul3A_163 : i32
      %swap3A = arith.index_cast %add3A_165 : i32 to index
      %swap3A_166 = tpu.vector_load %arg8[%swap3A] {strides = array<i32>} : memref<512xi32, #tpu.memory_space<vmem>>, vector<16xi32>,
      tpu.vector_store %arg8[%swap3A], %select_n3A_161 {strides = array<i32>} : memref<512xi32, #tpu.memory_space<vmem>>, vector<16xi32>,
      %scan3A_167 = arith.constant 0 : i32
      scf.yield %scan3A_167 : i32
    }
    %scan3A_55 = arith.constant 8 : i32
    %dma_wait3A_56 = arith.constant 384 : i32
    %dma_wait3A_57 = tpu.memref_slice %arg5[%dma_wait3A_56] : memref<512xi32, #tpu.memory_space<vmem>> -> memref<128xi32, #tpu.memory_space<vmem>>
    %dma_wait3A_58 = arith.constant 0 : i32
    %dma_wait3A_59 = arith.constant 0 : i32
    %dma_wait3A_60 = tpu.memref_slice %arg3[%dma_wait3A_58, %dma_wait3A_59] : memref<1000000x128xf32, #tpu.memory_space<hbm>> -> memref<1000000x128xf32, #tpu.memory_space<hbm>>
    tpu.wait_indirect_dma semaphore(%arg10 : memref<!tpu.dma_semaphore, #tpu.memory_space<semaphore_mem>>) src(%dma_wait3A_60 : memref<1000000x128xf32, #tpu.memory_space<hbm>>) dst(%arg7 : memref<128x128xf32, #tpu.memory_space<vmem>>)
    %scan3A_61 = arith.constant 0 : i32
    %scan3A_62 = arith.constant 0 : i32
    %scan3A_63 = arith.constant 8 : i32
    %scan3A_64 = arith.addi %scan3A_62, %scan3A_63 : i32
    %scan3A_65 = arith.constant 1 : i32
    %scan3A_66 = scf.for %scan3A_68 = %scan3A_62 to %scan3A_64 step %scan3A_65 iter_args(%scan3A_69 = %scan3A_61) -> (i32)  : i32 {
      %iota3A = tpu.iota {dimensions = array<i32: 0>} : vector<16xi32>
      %mul3A_70 = arith.constant 16 : i32
      %mul3A_71 = arith.muli %scan3A_68, %mul3A_70 : i32
      %add3A_72 = vector.broadcast %mul3A_71 : i32 to vector<16xi32>
      %add3A_73 = arith.addi %iota3A, %add3A_72 : vector<16xi32>
      %iota3A_74 = tpu.iota {dimensions = array<i32: 0>} : vector<16xi32>
      %add3A_75 = arith.constant 0 : i32
      %add3A_76 = vector.broadcast %add3A_75 : i32 to vector<16xi32>
      %add3A_77 = arith.addi %iota3A_74, %add3A_76 : vector<16xi32>
      %iota3A_78 = tpu.iota {dimensions = array<i32: 0>} : vector<16xi32>
      %add3A_79 = arith.constant 16 : i32
      %add3A_80 = vector.broadcast %add3A_79 : i32 to vector<16xi32>
      %add3A_81 = arith.addi %iota3A_78, %add3A_80 : vector<16xi32>
      %iota3A_82 = tpu.iota {dimensions = array<i32: 0>} : vector<16xi32>
      %add3A_83 = arith.constant 32 : i32
      %add3A_84 = vector.broadcast %add3A_83 : i32 to vector<16xi32>
      %add3A_85 = arith.addi %iota3A_82, %add3A_84 : vector<16xi32>
      %iota3A_86 = tpu.iota {dimensions = array<i32: 0>} : vector<16xi32>
      %add3A_87 = arith.constant 48 : i32
      %add3A_88 = vector.broadcast %add3A_87 : i32 to vector<16xi32>
      %add3A_89 = arith.addi %iota3A_86, %add3A_88 : vector<16xi32>
      %iota3A_90 = tpu.iota {dimensions = array<i32: 0>} : vector<16xi32>
      %add3A_91 = arith.constant 64 : i32
      %add3A_92 = vector.broadcast %add3A_91 : i32 to vector<16xi32>
      %add3A_93 = arith.addi %iota3A_90, %add3A_92 : vector<16xi32>
      %iota3A_94 = tpu.iota {dimensions = array<i32: 0>} : vector<16xi32>
      %add3A_95 = arith.constant 80 : i32
      %add3A_96 = vector.broadcast %add3A_95 : i32 to vector<16xi32>
      %add3A_97 = arith.addi %iota3A_94, %add3A_96 : vector<16xi32>
      %iota3A_98 = tpu.iota {dimensions = array<i32: 0>} : vector<16xi32>
      %add3A_99 = arith.constant 96 : i32
      %add3A_100 = vector.broadcast %add3A_99 : i32 to vector<16xi32>
      %add3A_101 = arith.addi %iota3A_98, %add3A_100 : vector<16xi32>
      %iota3A_102 = tpu.iota {dimensions = array<i32: 0>} : vector<16xi32>
      %add3A_103 = arith.constant 112 : i32
      %add3A_104 = vector.broadcast %add3A_103 : i32 to vector<16xi32>
      %add3A_105 = arith.addi %iota3A_102, %add3A_104 : vector<16xi32>
      %gather3A = tpu.vector_load_idx %arg7[%add3A_73, %add3A_77] : memref<128x128xf32, #tpu.memory_space<vmem>>[vector<16xi32>, vector<16xi32>], vector<16xf32>,
      %gather3A_106 = tpu.vector_load_idx %arg7[%add3A_73, %add3A_81] : memref<128x128xf32, #tpu.memory_space<vmem>>[vector<16xi32>, vector<16xi32>], vector<16xf32>,
      %gather3A_107 = tpu.vector_load_idx %arg7[%add3A_73, %add3A_85] : memref<128x128xf32, #tpu.memory_space<vmem>>[vector<16xi32>, vector<16xi32>], vector<16xf32>,
      %gather3A_108 = tpu.vector_load_idx %arg7[%add3A_73, %add3A_89] : memref<128x128xf32, #tpu.memory_space<vmem>>[vector<16xi32>, vector<16xi32>], vector<16xf32>,
      %gather3A_109 = tpu.vector_load_idx %arg7[%add3A_73, %add3A_93] : memref<128x128xf32, #tpu.memory_space<vmem>>[vector<16xi32>, vector<16xi32>], vector<16xf32>,
      %gather3A_110 = tpu.vector_load_idx %arg7[%add3A_73, %add3A_97] : memref<128x128xf32, #tpu.memory_space<vmem>>[vector<16xi32>, vector<16xi32>], vector<16xf32>,
      %gather3A_111 = tpu.vector_load_idx %arg7[%add3A_73, %add3A_101] : memref<128x128xf32, #tpu.memory_space<vmem>>[vector<16xi32>, vector<16xi32>], vector<16xf32>,
      %gather3A_112 = tpu.vector_load_idx %arg7[%add3A_73, %add3A_105] : memref<128x128xf32, #tpu.memory_space<vmem>>[vector<16xi32>, vector<16xi32>], vector<16xf32>,
      %scan3A_113 = arith.constant 0 : i32
      %scan3A_114 = arith.constant 5 : i32
      %scan3A_115 = arith.addi %scan3A_113, %scan3A_114 : i32
      %scan3A_116 = arith.constant 1 : i32
      %scan3A_117:24 = scf.for %scan3A_168 = %scan3A_113 to %scan3A_115 step %scan3A_116 iter_args(%scan3A_169 = %add3A_77, %scan3A_170 = %add3A_81, %scan3A_171 = %add3A_85, %scan3A_172 = %add3A_89, %scan3A_173 = %add3A_93, %scan3A_174 = %add3A_97, %scan3A_175 = %add3A_101, %scan3A_176 = %add3A_105, %scan3A_177 = %gather3A, %scan3A_178 = %gather3A_106, %scan3A_179 = %gather3A_107, %scan3A_180 = %gather3A_108, %scan3A_181 = %gather3A_109, %scan3A_182 = %gather3A_110, %scan3A_183 = %gather3A_111, %scan3A_184 = %gather3A_112, %scan3A_185 = %add3A_77, %scan3A_186 = %add3A_81, %scan3A_187 = %add3A_85, %scan3A_188 = %add3A_89, %scan3A_189 = %add3A_93, %scan3A_190 = %add3A_97, %scan3A_191 = %add3A_101, %scan3A_192 = %add3A_105) -> (vector<16xi32>, vector<16xi32>, vector<16xi32>, vector<16xi32>, vector<16xi32>, vector<16xi32>, vector<16xi32>, vector<16xi32>, vector<16xf32>, vector<16xf32>, vector<16xf32>, vector<16xf32>, vector<16xf32>, vector<16xf32>, vector<16xf32>, vector<16xf32>, vector<16xi32>, vector<16xi32>, vector<16xi32>, vector<16xi32>, vector<16xi32>, vector<16xi32>, vector<16xi32>, vector<16xi32>)  : i32 {
        %add3A_193 = arith.constant 1 : i32
        %add3A_194 = vector.broadcast %add3A_193 : i32 to vector<16xi32>
        %add3A_195 = arith.addi %scan3A_169, %add3A_194 : vector<16xi32>
        %and3A_196 = arith.constant 127 : i32
        %and3A_197 = vector.broadcast %and3A_196 : i32 to vector<16xi32>
        %and3A_198 = arith.andi %add3A_195, %and3A_197 : vector<16xi32>
        %gather3A_199 = tpu.vector_load_idx %arg7[%add3A_73, %and3A_198] : memref<128x128xf32, #tpu.memory_space<vmem>>[vector<16xi32>, vector<16xi32>], vector<16xf32>,
        %gt3A_200 = arith.cmpf ogt, %gather3A_199, %scan3A_177 : vector<16xf32>
        %eq3A_201 = arith.cmpf oeq, %gather3A_199, %scan3A_177 : vector<16xf32>
        %lt3A_202 = arith.cmpi slt, %and3A_198, %scan3A_185 : vector<16xi32>
        %and3A_203 = arith.andi %eq3A_201, %lt3A_202 : vector<16xi1>
        %or3A_204 = arith.ori %gt3A_200, %and3A_203 : vector<16xi1>
        %select_n3A_205 = arith.select %or3A_204, %gather3A_199, %scan3A_177 : vector<16xi1>, vector<16xf32>
        %select_n3A_206 = arith.select %or3A_204, %and3A_198, %scan3A_185 : vector<16xi1>, vector<16xi32>
        %add3A_207 = arith.constant 1 : i32
        %add3A_208 = vector.broadcast %add3A_207 : i32 to vector<16xi32>
        %add3A_209 = arith.addi %scan3A_170, %add3A_208 : vector<16xi32>
        %and3A_210 = arith.constant 127 : i32
        %and3A_211 = vector.broadcast %and3A_210 : i32 to vector<16xi32>
        %and3A_212 = arith.andi %add3A_209, %and3A_211 : vector<16xi32>
        %gather3A_213 = tpu.vector_load_idx %arg7[%add3A_73, %and3A_212] : memref<128x128xf32, #tpu.memory_space<vmem>>[vector<16xi32>, vector<16xi32>], vector<16xf32>,
        %gt3A_214 = arith.cmpf ogt, %gather3A_213, %scan3A_178 : vector<16xf32>
        %eq3A_215 = arith.cmpf oeq, %gather3A_213, %scan3A_178 : vector<16xf32>
        %lt3A_216 = arith.cmpi slt, %and3A_212, %scan3A_186 : vector<16xi32>
        %and3A_217 = arith.andi %eq3A_215, %lt3A_216 : vector<16xi1>
        %or3A_218 = arith.ori %gt3A_214, %and3A_217 : vector<16xi1>
        %select_n3A_219 = arith.select %or3A_218, %gather3A_213, %scan3A_178 : vector<16xi1>, vector<16xf32>
        %select_n3A_220 = arith.select %or3A_218, %and3A_212, %scan3A_186 : vector<16xi1>, vector<16xi32>
        %add3A_221 = arith.constant 1 : i32
        %add3A_222 = vector.broadcast %add3A_221 : i32 to vector<16xi32>
        %add3A_223 = arith.addi %scan3A_171, %add3A_222 : vector<16xi32>
        %and3A_224 = arith.constant 127 : i32
        %and3A_225 = vector.broadcast %and3A_224 : i32 to vector<16xi32>
        %and3A_226 = arith.andi %add3A_223, %and3A_225 : vector<16xi32>
        %gather3A_227 = tpu.vector_load_idx %arg7[%add3A_73, %and3A_226] : memref<128x128xf32, #tpu.memory_space<vmem>>[vector<16xi32>, vector<16xi32>], vector<16xf32>,
        %gt3A_228 = arith.cmpf ogt, %gather3A_227, %scan3A_179 : vector<16xf32>
        %eq3A_229 = arith.cmpf oeq, %gather3A_227, %scan3A_179 : vector<16xf32>
        %lt3A_230 = arith.cmpi slt, %and3A_226, %scan3A_187 : vector<16xi32>
        %and3A_231 = arith.andi %eq3A_229, %lt3A_230 : vector<16xi1>
        %or3A_232 = arith.ori %gt3A_228, %and3A_231 : vector<16xi1>
        %select_n3A_233 = arith.select %or3A_232, %gather3A_227, %scan3A_179 : vector<16xi1>, vector<16xf32>
        %select_n3A_234 = arith.select %or3A_232, %and3A_226, %scan3A_187 : vector<16xi1>, vector<16xi32>
        %add3A_235 = arith.constant 1 : i32
        %add3A_236 = vector.broadcast %add3A_235 : i32 to vector<16xi32>
        %add3A_237 = arith.addi %scan3A_172, %add3A_236 : vector<16xi32>
        %and3A_238 = arith.constant 127 : i32
        %and3A_239 = vector.broadcast %and3A_238 : i32 to vector<16xi32>
        %and3A_240 = arith.andi %add3A_237, %and3A_239 : vector<16xi32>
        %gather3A_241 = tpu.vector_load_idx %arg7[%add3A_73, %and3A_240] : memref<128x128xf32, #tpu.memory_space<vmem>>[vector<16xi32>, vector<16xi32>], vector<16xf32>,
        %gt3A_242 = arith.cmpf ogt, %gather3A_241, %scan3A_180 : vector<16xf32>
        %eq3A_243 = arith.cmpf oeq, %gather3A_241, %scan3A_180 : vector<16xf32>
        %lt3A_244 = arith.cmpi slt, %and3A_240, %scan3A_188 : vector<16xi32>
        %and3A_245 = arith.andi %eq3A_243, %lt3A_244 : vector<16xi1>
        %or3A_246 = arith.ori %gt3A_242, %and3A_245 : vector<16xi1>
        %select_n3A_247 = arith.select %or3A_246, %gather3A_241, %scan3A_180 : vector<16xi1>, vector<16xf32>
        %select_n3A_248 = arith.select %or3A_246, %and3A_240, %scan3A_188 : vector<16xi1>, vector<16xi32>
        %add3A_249 = arith.constant 1 : i32
        %add3A_250 = vector.broadcast %add3A_249 : i32 to vector<16xi32>
        %add3A_251 = arith.addi %scan3A_173, %add3A_250 : vector<16xi32>
        %and3A_252 = arith.constant 127 : i32
        %and3A_253 = vector.broadcast %and3A_252 : i32 to vector<16xi32>
        %and3A_254 = arith.andi %add3A_251, %and3A_253 : vector<16xi32>
        %gather3A_255 = tpu.vector_load_idx %arg7[%add3A_73, %and3A_254] : memref<128x128xf32, #tpu.memory_space<vmem>>[vector<16xi32>, vector<16xi32>], vector<16xf32>,
        %gt3A_256 = arith.cmpf ogt, %gather3A_255, %scan3A_181 : vector<16xf32>
        %eq3A_257 = arith.cmpf oeq, %gather3A_255, %scan3A_181 : vector<16xf32>
        %lt3A_258 = arith.cmpi slt, %and3A_254, %scan3A_189 : vector<16xi32>
        %and3A_259 = arith.andi %eq3A_257, %lt3A_258 : vector<16xi1>
        %or3A_260 = arith.ori %gt3A_256, %and3A_259 : vector<16xi1>
        %select_n3A_261 = arith.select %or3A_260, %gather3A_255, %scan3A_181 : vector<16xi1>, vector<16xf32>
        %select_n3A_262 = arith.select %or3A_260, %and3A_254, %scan3A_189 : vector<16xi1>, vector<16xi32>
        %add3A_263 = arith.constant 1 : i32
        %add3A_264 = vector.broadcast %add3A_263 : i32 to vector<16xi32>
        %add3A_265 = arith.addi %scan3A_174, %add3A_264 : vector<16xi32>
        %and3A_266 = arith.constant 127 : i32
        %and3A_267 = vector.broadcast %and3A_266 : i32 to vector<16xi32>
        %and3A_268 = arith.andi %add3A_265, %and3A_267 : vector<16xi32>
        %gather3A_269 = tpu.vector_load_idx %arg7[%add3A_73, %and3A_268] : memref<128x128xf32, #tpu.memory_space<vmem>>[vector<16xi32>, vector<16xi32>], vector<16xf32>,
        %gt3A_270 = arith.cmpf ogt, %gather3A_269, %scan3A_182 : vector<16xf32>
        %eq3A_271 = arith.cmpf oeq, %gather3A_269, %scan3A_182 : vector<16xf32>
        %lt3A_272 = arith.cmpi slt, %and3A_268, %scan3A_190 : vector<16xi32>
        %and3A_273 = arith.andi %eq3A_271, %lt3A_272 : vector<16xi1>
        %or3A_274 = arith.ori %gt3A_270, %and3A_273 : vector<16xi1>
        %select_n3A_275 = arith.select %or3A_274, %gather3A_269, %scan3A_182 : vector<16xi1>, vector<16xf32>
        %select_n3A_276 = arith.select %or3A_274, %and3A_268, %scan3A_190 : vector<16xi1>, vector<16xi32>
        %add3A_277 = arith.constant 1 : i32
        %add3A_278 = vector.broadcast %add3A_277 : i32 to vector<16xi32>
        %add3A_279 = arith.addi %scan3A_175, %add3A_278 : vector<16xi32>
        %and3A_280 = arith.constant 127 : i32
        %and3A_281 = vector.broadcast %and3A_280 : i32 to vector<16xi32>
        %and3A_282 = arith.andi %add3A_279, %and3A_281 : vector<16xi32>
        %gather3A_283 = tpu.vector_load_idx %arg7[%add3A_73, %and3A_282] : memref<128x128xf32, #tpu.memory_space<vmem>>[vector<16xi32>, vector<16xi32>], vector<16xf32>,
        %gt3A_284 = arith.cmpf ogt, %gather3A_283, %scan3A_183 : vector<16xf32>
        %eq3A_285 = arith.cmpf oeq, %gather3A_283, %scan3A_183 : vector<16xf32>
        %lt3A_286 = arith.cmpi slt, %and3A_282, %scan3A_191 : vector<16xi32>
        %and3A_287 = arith.andi %eq3A_285, %lt3A_286 : vector<16xi1>
        %or3A_288 = arith.ori %gt3A_284, %and3A_287 : vector<16xi1>
        %select_n3A_289 = arith.select %or3A_288, %gather3A_283, %scan3A_183 : vector<16xi1>, vector<16xf32>
        %select_n3A_290 = arith.select %or3A_288, %and3A_282, %scan3A_191 : vector<16xi1>, vector<16xi32>
        %add3A_291 = arith.constant 1 : i32
        %add3A_292 = vector.broadcast %add3A_291 : i32 to vector<16xi32>
        %add3A_293 = arith.addi %scan3A_176, %add3A_292 : vector<16xi32>
        %and3A_294 = arith.constant 127 : i32
        %and3A_295 = vector.broadcast %and3A_294 : i32 to vector<16xi32>
        %and3A_296 = arith.andi %add3A_293, %and3A_295 : vector<16xi32>
        %gather3A_297 = tpu.vector_load_idx %arg7[%add3A_73, %and3A_296] : memref<128x128xf32, #tpu.memory_space<vmem>>[vector<16xi32>, vector<16xi32>], vector<16xf32>,
        %gt3A_298 = arith.cmpf ogt, %gather3A_297, %scan3A_184 : vector<16xf32>
        %eq3A_299 = arith.cmpf oeq, %gather3A_297, %scan3A_184 : vector<16xf32>
        %lt3A_300 = arith.cmpi slt, %and3A_296, %scan3A_192 : vector<16xi32>
        %and3A_301 = arith.andi %eq3A_299, %lt3A_300 : vector<16xi1>
        %or3A_302 = arith.ori %gt3A_298, %and3A_301 : vector<16xi1>
        %select_n3A_303 = arith.select %or3A_302, %gather3A_297, %scan3A_184 : vector<16xi1>, vector<16xf32>
        %select_n3A_304 = arith.select %or3A_302, %and3A_296, %scan3A_192 : vector<16xi1>, vector<16xi32>
        %add3A_305 = arith.constant 1 : i32
        %add3A_306 = vector.broadcast %add3A_305 : i32 to vector<16xi32>
        %add3A_307 = arith.addi %and3A_198, %add3A_306 : vector<16xi32>
        %and3A_308 = arith.constant 127 : i32
        %and3A_309 = vector.broadcast %and3A_308 : i32 to vector<16xi32>
        %and3A_310 = arith.andi %add3A_307, %and3A_309 : vector<16xi32>
        %gather3A_311 = tpu.vector_load_idx %arg7[%add3A_73, %and3A_310] : memref<128x128xf32, #tpu.memory_space<vmem>>[vector<16xi32>, vector<16xi32>], vector<16xf32>,
        %gt3A_312 = arith.cmpf ogt, %gather3A_311, %select_n3A_205 : vector<16xf32>
        %eq3A_313 = arith.cmpf oeq, %gather3A_311, %select_n3A_205 : vector<16xf32>
        %lt3A_314 = arith.cmpi slt, %and3A_310, %select_n3A_206 : vector<16xi32>
        %and3A_315 = arith.andi %eq3A_313, %lt3A_314 : vector<16xi1>
        %or3A_316 = arith.ori %gt3A_312, %and3A_315 : vector<16xi1>
        %select_n3A_317 = arith.select %or3A_316, %gather3A_311, %select_n3A_205 : vector<16xi1>, vector<16xf32>
        %select_n3A_318 = arith.select %or3A_316, %and3A_310, %select_n3A_206 : vector<16xi1>, vector<16xi32>
        %add3A_319 = arith.constant 1 : i32
        %add3A_320 = vector.broadcast %add3A_319 : i32 to vector<16xi32>
        %add3A_321 = arith.addi %and3A_212, %add3A_320 : vector<16xi32>
        %and3A_322 = arith.constant 127 : i32
        %and3A_323 = vector.broadcast %and3A_322 : i32 to vector<16xi32>
        %and3A_324 = arith.andi %add3A_321, %and3A_323 : vector<16xi32>
        %gather3A_325 = tpu.vector_load_idx %arg7[%add3A_73, %and3A_324] : memref<128x128xf32, #tpu.memory_space<vmem>>[vector<16xi32>, vector<16xi32>], vector<16xf32>,
        %gt3A_326 = arith.cmpf ogt, %gather3A_325, %select_n3A_219 : vector<16xf32>
        %eq3A_327 = arith.cmpf oeq, %gather3A_325, %select_n3A_219 : vector<16xf32>
        %lt3A_328 = arith.cmpi slt, %and3A_324, %select_n3A_220 : vector<16xi32>
        %and3A_329 = arith.andi %eq3A_327, %lt3A_328 : vector<16xi1>
        %or3A_330 = arith.ori %gt3A_326, %and3A_329 : vector<16xi1>
        %select_n3A_331 = arith.select %or3A_330, %gather3A_325, %select_n3A_219 : vector<16xi1>, vector<16xf32>
        %select_n3A_332 = arith.select %or3A_330, %and3A_324, %select_n3A_220 : vector<16xi1>, vector<16xi32>
        %add3A_333 = arith.constant 1 : i32
        %add3A_334 = vector.broadcast %add3A_333 : i32 to vector<16xi32>
        %add3A_335 = arith.addi %and3A_226, %add3A_334 : vector<16xi32>
        %and3A_336 = arith.constant 127 : i32
        %and3A_337 = vector.broadcast %and3A_336 : i32 to vector<16xi32>
        %and3A_338 = arith.andi %add3A_335, %and3A_337 : vector<16xi32>
        %gather3A_339 = tpu.vector_load_idx %arg7[%add3A_73, %and3A_338] : memref<128x128xf32, #tpu.memory_space<vmem>>[vector<16xi32>, vector<16xi32>], vector<16xf32>,
        %gt3A_340 = arith.cmpf ogt, %gather3A_339, %select_n3A_233 : vector<16xf32>
        %eq3A_341 = arith.cmpf oeq, %gather3A_339, %select_n3A_233 : vector<16xf32>
        %lt3A_342 = arith.cmpi slt, %and3A_338, %select_n3A_234 : vector<16xi32>
        %and3A_343 = arith.andi %eq3A_341, %lt3A_342 : vector<16xi1>
        %or3A_344 = arith.ori %gt3A_340, %and3A_343 : vector<16xi1>
        %select_n3A_345 = arith.select %or3A_344, %gather3A_339, %select_n3A_233 : vector<16xi1>, vector<16xf32>
        %select_n3A_346 = arith.select %or3A_344, %and3A_338, %select_n3A_234 : vector<16xi1>, vector<16xi32>
        %add3A_347 = arith.constant 1 : i32
        %add3A_348 = vector.broadcast %add3A_347 : i32 to vector<16xi32>
        %add3A_349 = arith.addi %and3A_240, %add3A_348 : vector<16xi32>
        %and3A_350 = arith.constant 127 : i32
        %and3A_351 = vector.broadcast %and3A_350 : i32 to vector<16xi32>
        %and3A_352 = arith.andi %add3A_349, %and3A_351 : vector<16xi32>
        %gather3A_353 = tpu.vector_load_idx %arg7[%add3A_73, %and3A_352] : memref<128x128xf32, #tpu.memory_space<vmem>>[vector<16xi32>, vector<16xi32>], vector<16xf32>,
        %gt3A_354 = arith.cmpf ogt, %gather3A_353, %select_n3A_247 : vector<16xf32>
        %eq3A_355 = arith.cmpf oeq, %gather3A_353, %select_n3A_247 : vector<16xf32>
        %lt3A_356 = arith.cmpi slt, %and3A_352, %select_n3A_248 : vector<16xi32>
        %and3A_357 = arith.andi %eq3A_355, %lt3A_356 : vector<16xi1>
        %or3A_358 = arith.ori %gt3A_354, %and3A_357 : vector<16xi1>
        %select_n3A_359 = arith.select %or3A_358, %gather3A_353, %select_n3A_247 : vector<16xi1>, vector<16xf32>
        %select_n3A_360 = arith.select %or3A_358, %and3A_352, %select_n3A_248 : vector<16xi1>, vector<16xi32>
        %add3A_361 = arith.constant 1 : i32
        %add3A_362 = vector.broadcast %add3A_361 : i32 to vector<16xi32>
        %add3A_363 = arith.addi %and3A_254, %add3A_362 : vector<16xi32>
        %and3A_364 = arith.constant 127 : i32
        %and3A_365 = vector.broadcast %and3A_364 : i32 to vector<16xi32>
        %and3A_366 = arith.andi %add3A_363, %and3A_365 : vector<16xi32>
        %gather3A_367 = tpu.vector_load_idx %arg7[%add3A_73, %and3A_366] : memref<128x128xf32, #tpu.memory_space<vmem>>[vector<16xi32>, vector<16xi32>], vector<16xf32>,
        %gt3A_368 = arith.cmpf ogt, %gather3A_367, %select_n3A_261 : vector<16xf32>
        %eq3A_369 = arith.cmpf oeq, %gather3A_367, %select_n3A_261 : vector<16xf32>
        %lt3A_370 = arith.cmpi slt, %and3A_366, %select_n3A_262 : vector<16xi32>
        %and3A_371 = arith.andi %eq3A_369, %lt3A_370 : vector<16xi1>
        %or3A_372 = arith.ori %gt3A_368, %and3A_371 : vector<16xi1>
        %select_n3A_373 = arith.select %or3A_372, %gather3A_367, %select_n3A_261 : vector<16xi1>, vector<16xf32>
        %select_n3A_374 = arith.select %or3A_372, %and3A_366, %select_n3A_262 : vector<16xi1>, vector<16xi32>
        %add3A_375 = arith.constant 1 : i32
        %add3A_376 = vector.broadcast %add3A_375 : i32 to vector<16xi32>
        %add3A_377 = arith.addi %and3A_268, %add3A_376 : vector<16xi32>
        %and3A_378 = arith.constant 127 : i32
        %and3A_379 = vector.broadcast %and3A_378 : i32 to vector<16xi32>
        %and3A_380 = arith.andi %add3A_377, %and3A_379 : vector<16xi32>
        %gather3A_381 = tpu.vector_load_idx %arg7[%add3A_73, %and3A_380] : memref<128x128xf32, #tpu.memory_space<vmem>>[vector<16xi32>, vector<16xi32>], vector<16xf32>,
        %gt3A_382 = arith.cmpf ogt, %gather3A_381, %select_n3A_275 : vector<16xf32>
        %eq3A_383 = arith.cmpf oeq, %gather3A_381, %select_n3A_275 : vector<16xf32>
        %lt3A_384 = arith.cmpi slt, %and3A_380, %select_n3A_276 : vector<16xi32>
        %and3A_385 = arith.andi %eq3A_383, %lt3A_384 : vector<16xi1>
        %or3A_386 = arith.ori %gt3A_382, %and3A_385 : vector<16xi1>
        %select_n3A_387 = arith.select %or3A_386, %gather3A_381, %select_n3A_275 : vector<16xi1>, vector<16xf32>
        %select_n3A_388 = arith.select %or3A_386, %and3A_380, %select_n3A_276 : vector<16xi1>, vector<16xi32>
        %add3A_389 = arith.constant 1 : i32
        %add3A_390 = vector.broadcast %add3A_389 : i32 to vector<16xi32>
        %add3A_391 = arith.addi %and3A_282, %add3A_390 : vector<16xi32>
        %and3A_392 = arith.constant 127 : i32
        %and3A_393 = vector.broadcast %and3A_392 : i32 to vector<16xi32>
        %and3A_394 = arith.andi %add3A_391, %and3A_393 : vector<16xi32>
        %gather3A_395 = tpu.vector_load_idx %arg7[%add3A_73, %and3A_394] : memref<128x128xf32, #tpu.memory_space<vmem>>[vector<16xi32>, vector<16xi32>], vector<16xf32>,
        %gt3A_396 = arith.cmpf ogt, %gather3A_395, %select_n3A_289 : vector<16xf32>
        %eq3A_397 = arith.cmpf oeq, %gather3A_395, %select_n3A_289 : vector<16xf32>
        %lt3A_398 = arith.cmpi slt, %and3A_394, %select_n3A_290 : vector<16xi32>
        %and3A_399 = arith.andi %eq3A_397, %lt3A_398 : vector<16xi1>
        %or3A_400 = arith.ori %gt3A_396, %and3A_399 : vector<16xi1>
        %select_n3A_401 = arith.select %or3A_400, %gather3A_395, %select_n3A_289 : vector<16xi1>, vector<16xf32>
        %select_n3A_402 = arith.select %or3A_400, %and3A_394, %select_n3A_290 : vector<16xi1>, vector<16xi32>
        %add3A_403 = arith.constant 1 : i32
        %add3A_404 = vector.broadcast %add3A_403 : i32 to vector<16xi32>
        %add3A_405 = arith.addi %and3A_296, %add3A_404 : vector<16xi32>
        %and3A_406 = arith.constant 127 : i32
        %and3A_407 = vector.broadcast %and3A_406 : i32 to vector<16xi32>
        %and3A_408 = arith.andi %add3A_405, %and3A_407 : vector<16xi32>
        %gather3A_409 = tpu.vector_load_idx %arg7[%add3A_73, %and3A_408] : memref<128x128xf32, #tpu.memory_space<vmem>>[vector<16xi32>, vector<16xi32>], vector<16xf32>,
        %gt3A_410 = arith.cmpf ogt, %gather3A_409, %select_n3A_303 : vector<16xf32>
        %eq3A_411 = arith.cmpf oeq, %gather3A_409, %select_n3A_303 : vector<16xf32>
        %lt3A_412 = arith.cmpi slt, %and3A_408, %select_n3A_304 : vector<16xi32>
        %and3A_413 = arith.andi %eq3A_411, %lt3A_412 : vector<16xi1>
        %or3A_414 = arith.ori %gt3A_410, %and3A_413 : vector<16xi1>
        %select_n3A_415 = arith.select %or3A_414, %gather3A_409, %select_n3A_303 : vector<16xi1>, vector<16xf32>
        %select_n3A_416 = arith.select %or3A_414, %and3A_408, %select_n3A_304 : vector<16xi1>, vector<16xi32>
        %add3A_417 = arith.constant 1 : i32
        %add3A_418 = vector.broadcast %add3A_417 : i32 to vector<16xi32>
        %add3A_419 = arith.addi %and3A_310, %add3A_418 : vector<16xi32>
        %and3A_420 = arith.constant 127 : i32
        %and3A_421 = vector.broadcast %and3A_420 : i32 to vector<16xi32>
        %and3A_422 = arith.andi %add3A_419, %and3A_421 : vector<16xi32>
        %gather3A_423 = tpu.vector_load_idx %arg7[%add3A_73, %and3A_422] : memref<128x128xf32, #tpu.memory_space<vmem>>[vector<16xi32>, vector<16xi32>], vector<16xf32>,
        %gt3A_424 = arith.cmpf ogt, %gather3A_423, %select_n3A_317 : vector<16xf32>
        %eq3A_425 = arith.cmpf oeq, %gather3A_423, %select_n3A_317 : vector<16xf32>
        %lt3A_426 = arith.cmpi slt, %and3A_422, %select_n3A_318 : vector<16xi32>
        %and3A_427 = arith.andi %eq3A_425, %lt3A_426 : vector<16xi1>
        %or3A_428 = arith.ori %gt3A_424, %and3A_427 : vector<16xi1>
        %select_n3A_429 = arith.select %or3A_428, %gather3A_423, %select_n3A_317 : vector<16xi1>, vector<16xf32>
        %select_n3A_430 = arith.select %or3A_428, %and3A_422, %select_n3A_318 : vector<16xi1>, vector<16xi32>
        %add3A_431 = arith.constant 1 : i32
        %add3A_432 = vector.broadcast %add3A_431 : i32 to vector<16xi32>
        %add3A_433 = arith.addi %and3A_324, %add3A_432 : vector<16xi32>
        %and3A_434 = arith.constant 127 : i32
        %and3A_435 = vector.broadcast %and3A_434 : i32 to vector<16xi32>
        %and3A_436 = arith.andi %add3A_433, %and3A_435 : vector<16xi32>
        %gather3A_437 = tpu.vector_load_idx %arg7[%add3A_73, %and3A_436] : memref<128x128xf32, #tpu.memory_space<vmem>>[vector<16xi32>, vector<16xi32>], vector<16xf32>,
        %gt3A_438 = arith.cmpf ogt, %gather3A_437, %select_n3A_331 : vector<16xf32>
        %eq3A_439 = arith.cmpf oeq, %gather3A_437, %select_n3A_331 : vector<16xf32>
        %lt3A_440 = arith.cmpi slt, %and3A_436, %select_n3A_332 : vector<16xi32>
        %and3A_441 = arith.andi %eq3A_439, %lt3A_440 : vector<16xi1>
        %or3A_442 = arith.ori %gt3A_438, %and3A_441 : vector<16xi1>
        %select_n3A_443 = arith.select %or3A_442, %gather3A_437, %select_n3A_331 : vector<16xi1>, vector<16xf32>
        %select_n3A_444 = arith.select %or3A_442, %and3A_436, %select_n3A_332 : vector<16xi1>, vector<16xi32>
        %add3A_445 = arith.constant 1 : i32
        %add3A_446 = vector.broadcast %add3A_445 : i32 to vector<16xi32>
        %add3A_447 = arith.addi %and3A_338, %add3A_446 : vector<16xi32>
        %and3A_448 = arith.constant 127 : i32
        %and3A_449 = vector.broadcast %and3A_448 : i32 to vector<16xi32>
        %and3A_450 = arith.andi %add3A_447, %and3A_449 : vector<16xi32>
        %gather3A_451 = tpu.vector_load_idx %arg7[%add3A_73, %and3A_450] : memref<128x128xf32, #tpu.memory_space<vmem>>[vector<16xi32>, vector<16xi32>], vector<16xf32>,
        %gt3A_452 = arith.cmpf ogt, %gather3A_451, %select_n3A_345 : vector<16xf32>
        %eq3A_453 = arith.cmpf oeq, %gather3A_451, %select_n3A_345 : vector<16xf32>
        %lt3A_454 = arith.cmpi slt, %and3A_450, %select_n3A_346 : vector<16xi32>
        %and3A_455 = arith.andi %eq3A_453, %lt3A_454 : vector<16xi1>
        %or3A_456 = arith.ori %gt3A_452, %and3A_455 : vector<16xi1>
        %select_n3A_457 = arith.select %or3A_456, %gather3A_451, %select_n3A_345 : vector<16xi1>, vector<16xf32>
        %select_n3A_458 = arith.select %or3A_456, %and3A_450, %select_n3A_346 : vector<16xi1>, vector<16xi32>
        %add3A_459 = arith.constant 1 : i32
        %add3A_460 = vector.broadcast %add3A_459 : i32 to vector<16xi32>
        %add3A_461 = arith.addi %and3A_352, %add3A_460 : vector<16xi32>
        %and3A_462 = arith.constant 127 : i32
        %and3A_463 = vector.broadcast %and3A_462 : i32 to vector<16xi32>
        %and3A_464 = arith.andi %add3A_461, %and3A_463 : vector<16xi32>
        %gather3A_465 = tpu.vector_load_idx %arg7[%add3A_73, %and3A_464] : memref<128x128xf32, #tpu.memory_space<vmem>>[vector<16xi32>, vector<16xi32>], vector<16xf32>,
        %gt3A_466 = arith.cmpf ogt, %gather3A_465, %select_n3A_359 : vector<16xf32>
        %eq3A_467 = arith.cmpf oeq, %gather3A_465, %select_n3A_359 : vector<16xf32>
        %lt3A_468 = arith.cmpi slt, %and3A_464, %select_n3A_360 : vector<16xi32>
        %and3A_469 = arith.andi %eq3A_467, %lt3A_468 : vector<16xi1>
        %or3A_470 = arith.ori %gt3A_466, %and3A_469 : vector<16xi1>
        %select_n3A_471 = arith.select %or3A_470, %gather3A_465, %select_n3A_359 : vector<16xi1>, vector<16xf32>
        %select_n3A_472 = arith.select %or3A_470, %and3A_464, %select_n3A_360 : vector<16xi1>, vector<16xi32>
        %add3A_473 = arith.constant 1 : i32
        %add3A_474 = vector.broadcast %add3A_473 : i32 to vector<16xi32>
        %add3A_475 = arith.addi %and3A_366, %add3A_474 : vector<16xi32>
        %and3A_476 = arith.constant 127 : i32
        %and3A_477 = vector.broadcast %and3A_476 : i32 to vector<16xi32>
        %and3A_478 = arith.andi %add3A_475, %and3A_477 : vector<16xi32>
        %gather3A_479 = tpu.vector_load_idx %arg7[%add3A_73, %and3A_478] : memref<128x128xf32, #tpu.memory_space<vmem>>[vector<16xi32>, vector<16xi32>], vector<16xf32>,
        %gt3A_480 = arith.cmpf ogt, %gather3A_479, %select_n3A_373 : vector<16xf32>
        %eq3A_481 = arith.cmpf oeq, %gather3A_479, %select_n3A_373 : vector<16xf32>
        %lt3A_482 = arith.cmpi slt, %and3A_478, %select_n3A_374 : vector<16xi32>
        %and3A_483 = arith.andi %eq3A_481, %lt3A_482 : vector<16xi1>
        %or3A_484 = arith.ori %gt3A_480, %and3A_483 : vector<16xi1>
        %select_n3A_485 = arith.select %or3A_484, %gather3A_479, %select_n3A_373 : vector<16xi1>, vector<16xf32>
        %select_n3A_486 = arith.select %or3A_484, %and3A_478, %select_n3A_374 : vector<16xi1>, vector<16xi32>
        %add3A_487 = arith.constant 1 : i32
        %add3A_488 = vector.broadcast %add3A_487 : i32 to vector<16xi32>
        %add3A_489 = arith.addi %and3A_380, %add3A_488 : vector<16xi32>
        %and3A_490 = arith.constant 127 : i32
        %and3A_491 = vector.broadcast %and3A_490 : i32 to vector<16xi32>
        %and3A_492 = arith.andi %add3A_489, %and3A_491 : vector<16xi32>
        %gather3A_493 = tpu.vector_load_idx %arg7[%add3A_73, %and3A_492] : memref<128x128xf32, #tpu.memory_space<vmem>>[vector<16xi32>, vector<16xi32>], vector<16xf32>,
        %gt3A_494 = arith.cmpf ogt, %gather3A_493, %select_n3A_387 : vector<16xf32>
        %eq3A_495 = arith.cmpf oeq, %gather3A_493, %select_n3A_387 : vector<16xf32>
        %lt3A_496 = arith.cmpi slt, %and3A_492, %select_n3A_388 : vector<16xi32>
        %and3A_497 = arith.andi %eq3A_495, %lt3A_496 : vector<16xi1>
        %or3A_498 = arith.ori %gt3A_494, %and3A_497 : vector<16xi1>
        %select_n3A_499 = arith.select %or3A_498, %gather3A_493, %select_n3A_387 : vector<16xi1>, vector<16xf32>
        %select_n3A_500 = arith.select %or3A_498, %and3A_492, %select_n3A_388 : vector<16xi1>, vector<16xi32>
        %add3A_501 = arith.constant 1 : i32
        %add3A_502 = vector.broadcast %add3A_501 : i32 to vector<16xi32>
        %add3A_503 = arith.addi %and3A_394, %add3A_502 : vector<16xi32>
        %and3A_504 = arith.constant 127 : i32
        %and3A_505 = vector.broadcast %and3A_504 : i32 to vector<16xi32>
        %and3A_506 = arith.andi %add3A_503, %and3A_505 : vector<16xi32>
        %gather3A_507 = tpu.vector_load_idx %arg7[%add3A_73, %and3A_506] : memref<128x128xf32, #tpu.memory_space<vmem>>[vector<16xi32>, vector<16xi32>], vector<16xf32>,
        %gt3A_508 = arith.cmpf ogt, %gather3A_507, %select_n3A_401 : vector<16xf32>
        %eq3A_509 = arith.cmpf oeq, %gather3A_507, %select_n3A_401 : vector<16xf32>
        %lt3A_510 = arith.cmpi slt, %and3A_506, %select_n3A_402 : vector<16xi32>
        %and3A_511 = arith.andi %eq3A_509, %lt3A_510 : vector<16xi1>
        %or3A_512 = arith.ori %gt3A_508, %and3A_511 : vector<16xi1>
        %select_n3A_513 = arith.select %or3A_512, %gather3A_507, %select_n3A_401 : vector<16xi1>, vector<16xf32>
        %select_n3A_514 = arith.select %or3A_512, %and3A_506, %select_n3A_402 : vector<16xi1>, vector<16xi32>
        %add3A_515 = arith.constant 1 : i32
        %add3A_516 = vector.broadcast %add3A_515 : i32 to vector<16xi32>
        %add3A_517 = arith.addi %and3A_408, %add3A_516 : vector<16xi32>
        %and3A_518 = arith.constant 127 : i32
        %and3A_519 = vector.broadcast %and3A_518 : i32 to vector<16xi32>
        %and3A_520 = arith.andi %add3A_517, %and3A_519 : vector<16xi32>
        %gather3A_521 = tpu.vector_load_idx %arg7[%add3A_73, %and3A_520] : memref<128x128xf32, #tpu.memory_space<vmem>>[vector<16xi32>, vector<16xi32>], vector<16xf32>,
        %gt3A_522 = arith.cmpf ogt, %gather3A_521, %select_n3A_415 : vector<16xf32>
        %eq3A_523 = arith.cmpf oeq, %gather3A_521, %select_n3A_415 : vector<16xf32>
        %lt3A_524 = arith.cmpi slt, %and3A_520, %select_n3A_416 : vector<16xi32>
        %and3A_525 = arith.andi %eq3A_523, %lt3A_524 : vector<16xi1>
        %or3A_526 = arith.ori %gt3A_522, %and3A_525 : vector<16xi1>
        %select_n3A_527 = arith.select %or3A_526, %gather3A_521, %select_n3A_415 : vector<16xi1>, vector<16xf32>
        %select_n3A_528 = arith.select %or3A_526, %and3A_520, %select_n3A_416 : vector<16xi1>, vector<16xi32>
        scf.yield %and3A_422, %and3A_436, %and3A_450, %and3A_464, %and3A_478, %and3A_492, %and3A_506, %and3A_520, %select_n3A_429, %select_n3A_443, %select_n3A_457, %select_n3A_471, %select_n3A_485, %select_n3A_499, %select_n3A_513, %select_n3A_527, %select_n3A_430, %select_n3A_444, %select_n3A_458, %select_n3A_472, %select_n3A_486, %select_n3A_500, %select_n3A_514, %select_n3A_528 : vector<16xi32>, vector<16xi32>, vector<16xi32>, vector<16xi32>, vector<16xi32>, vector<16xi32>, vector<16xi32>, vector<16xi32>, vector<16xf32>, vector<16xf32>, vector<16xf32>, vector<16xf32>, vector<16xf32>, vector<16xf32>, vector<16xf32>, vector<16xf32>, vector<16xi32>, vector<16xi32>, vector<16xi32>, vector<16xi32>, vector<16xi32>, vector<16xi32>, vector<16xi32>, vector<16xi32>
      }
      %scan3A_118 = arith.constant 5 : i32
      %gt3A = arith.cmpf ogt, %scan3A_117#9, %scan3A_117#8 : vector<16xf32>
      %eq3A = arith.cmpf oeq, %scan3A_117#9, %scan3A_117#8 : vector<16xf32>
      %lt3A = arith.cmpi slt, %scan3A_117#17, %scan3A_117#16 : vector<16xi32>
      %and3A = arith.andi %eq3A, %lt3A : vector<16xi1>
      %or3A = arith.ori %gt3A, %and3A : vector<16xi1>
      %select_n3A = arith.select %or3A, %scan3A_117#9, %scan3A_117#8 : vector<16xi1>, vector<16xf32>
      %select_n3A_119 = arith.select %or3A, %scan3A_117#17, %scan3A_117#16 : vector<16xi1>, vector<16xi32>
      %gt3A_120 = arith.cmpf ogt, %scan3A_117#11, %scan3A_117#10 : vector<16xf32>
      %eq3A_121 = arith.cmpf oeq, %scan3A_117#11, %scan3A_117#10 : vector<16xf32>
      %lt3A_122 = arith.cmpi slt, %scan3A_117#19, %scan3A_117#18 : vector<16xi32>
      %and3A_123 = arith.andi %eq3A_121, %lt3A_122 : vector<16xi1>
      %or3A_124 = arith.ori %gt3A_120, %and3A_123 : vector<16xi1>
      %select_n3A_125 = arith.select %or3A_124, %scan3A_117#11, %scan3A_117#10 : vector<16xi1>, vector<16xf32>
      %select_n3A_126 = arith.select %or3A_124, %scan3A_117#19, %scan3A_117#18 : vector<16xi1>, vector<16xi32>
      %gt3A_127 = arith.cmpf ogt, %scan3A_117#13, %scan3A_117#12 : vector<16xf32>
      %eq3A_128 = arith.cmpf oeq, %scan3A_117#13, %scan3A_117#12 : vector<16xf32>
      %lt3A_129 = arith.cmpi slt, %scan3A_117#21, %scan3A_117#20 : vector<16xi32>
      %and3A_130 = arith.andi %eq3A_128, %lt3A_129 : vector<16xi1>
      %or3A_131 = arith.ori %gt3A_127, %and3A_130 : vector<16xi1>
      %select_n3A_132 = arith.select %or3A_131, %scan3A_117#13, %scan3A_117#12 : vector<16xi1>, vector<16xf32>
      %select_n3A_133 = arith.select %or3A_131, %scan3A_117#21, %scan3A_117#20 : vector<16xi1>, vector<16xi32>
      %gt3A_134 = arith.cmpf ogt, %scan3A_117#15, %scan3A_117#14 : vector<16xf32>
      %eq3A_135 = arith.cmpf oeq, %scan3A_117#15, %scan3A_117#14 : vector<16xf32>
      %lt3A_136 = arith.cmpi slt, %scan3A_117#23, %scan3A_117#22 : vector<16xi32>
      %and3A_137 = arith.andi %eq3A_135, %lt3A_136 : vector<16xi1>
      %or3A_138 = arith.ori %gt3A_134, %and3A_137 : vector<16xi1>
      %select_n3A_139 = arith.select %or3A_138, %scan3A_117#15, %scan3A_117#14 : vector<16xi1>, vector<16xf32>
      %select_n3A_140 = arith.select %or3A_138, %scan3A_117#23, %scan3A_117#22 : vector<16xi1>, vector<16xi32>
      %gt3A_141 = arith.cmpf ogt, %select_n3A_125, %select_n3A : vector<16xf32>
      %eq3A_142 = arith.cmpf oeq, %select_n3A_125, %select_n3A : vector<16xf32>
      %lt3A_143 = arith.cmpi slt, %select_n3A_126, %select_n3A_119 : vector<16xi32>
      %and3A_144 = arith.andi %eq3A_142, %lt3A_143 : vector<16xi1>
      %or3A_145 = arith.ori %gt3A_141, %and3A_144 : vector<16xi1>
      %select_n3A_146 = arith.select %or3A_145, %select_n3A_125, %select_n3A : vector<16xi1>, vector<16xf32>
      %select_n3A_147 = arith.select %or3A_145, %select_n3A_126, %select_n3A_119 : vector<16xi1>, vector<16xi32>
      %gt3A_148 = arith.cmpf ogt, %select_n3A_139, %select_n3A_132 : vector<16xf32>
      %eq3A_149 = arith.cmpf oeq, %select_n3A_139, %select_n3A_132 : vector<16xf32>
      %lt3A_150 = arith.cmpi slt, %select_n3A_140, %select_n3A_133 : vector<16xi32>
      %and3A_151 = arith.andi %eq3A_149, %lt3A_150 : vector<16xi1>
      %or3A_152 = arith.ori %gt3A_148, %and3A_151 : vector<16xi1>
      %select_n3A_153 = arith.select %or3A_152, %select_n3A_139, %select_n3A_132 : vector<16xi1>, vector<16xf32>
      %select_n3A_154 = arith.select %or3A_152, %select_n3A_140, %select_n3A_133 : vector<16xi1>, vector<16xi32>
      %gt3A_155 = arith.cmpf ogt, %select_n3A_153, %select_n3A_146 : vector<16xf32>
      %eq3A_156 = arith.cmpf oeq, %select_n3A_153, %select_n3A_146 : vector<16xf32>
      %lt3A_157 = arith.cmpi slt, %select_n3A_154, %select_n3A_147 : vector<16xi32>
      %and3A_158 = arith.andi %eq3A_156, %lt3A_157 : vector<16xi1>
      %or3A_159 = arith.ori %gt3A_155, %and3A_158 : vector<16xi1>
      %select_n3A_160 = arith.select %or3A_159, %select_n3A_153, %select_n3A_146 : vector<16xi1>, vector<16xf32>
      %select_n3A_161 = arith.select %or3A_159, %select_n3A_154, %select_n3A_147 : vector<16xi1>, vector<16xi32>
      %mul3A_162 = arith.constant 16 : i32
      %mul3A_163 = arith.muli %scan3A_68, %mul3A_162 : i32
      %add3A_164 = arith.constant 384 : i32
      %add3A_165 = arith.addi %add3A_164, %mul3A_163 : i32
      %swap3A = arith.index_cast %add3A_165 : i32 to index
      %swap3A_166 = tpu.vector_load %arg8[%swap3A] {strides = array<i32>} : memref<512xi32, #tpu.memory_space<vmem>>, vector<16xi32>,
      tpu.vector_store %arg8[%swap3A], %select_n3A_161 {strides = array<i32>} : memref<512xi32, #tpu.memory_space<vmem>>, vector<16xi32>,
      %scan3A_167 = arith.constant 0 : i32
      scf.yield %scan3A_167 : i32
    }
    %scan3A_67 = arith.constant 8 : i32
    "tpu.region"() ({
      %run_scoped3A = tpu.sem_alloc : memref<!tpu.dma_semaphore, #tpu.memory_space<semaphore_mem>>
      %dma_start3A_68 = tpu.memref_slice %arg4[%mul3A_2] : memref<16384xi32, #tpu.memory_space<hbm>> -> memref<512xi32, #tpu.memory_space<hbm>>
      %dma_start3A_69 = tpu.memref_slice %arg4[%mul3A_2] : memref<16384xi32, #tpu.memory_space<hbm>> -> memref<512xi32, #tpu.memory_space<hbm>>
      tpu.enqueue_dma source(%arg8 : memref<512xi32, #tpu.memory_space<vmem>>) target(%dma_start3A_69 : memref<512xi32, #tpu.memory_space<hbm>>) target_semaphore(%run_scoped3A : memref<!tpu.dma_semaphore, #tpu.memory_space<semaphore_mem>>)
      %dma_wait3A_70 = tpu.memref_slice %arg4[%mul3A_2] : memref<16384xi32, #tpu.memory_space<hbm>> -> memref<512xi32, #tpu.memory_space<hbm>>
      %dma_wait3A_71 = tpu.memref_slice %arg4[%mul3A_2] : memref<16384xi32, #tpu.memory_space<hbm>> -> memref<512xi32, #tpu.memory_space<hbm>>
      tpu.wait_dma2 semaphore(%run_scoped3A : memref<!tpu.dma_semaphore, #tpu.memory_space<semaphore_mem>>) src(%arg8 : memref<512xi32, #tpu.memory_space<vmem>>) dst(%dma_wait3A_71 : memref<512xi32, #tpu.memory_space<hbm>>)
      tpu.yield
    }) : () -> ()
    return
  }
}

</mosaic_0001>

<sc_bundles>
// kernel: kernel.3.cloned.1.call-start
scs
__scs_entry_jumppad:
0x0: {  	(pc) =	sbr.rel $0x88, $3  }
0x1: {  	(tag) =	ssettag $0x0;
	lr =	simm.s32 $0x1  }
0x2: {  	[smem:$0x3F9F] =	sst lr;
	_ =	strace $0xD0000000  }
0x3: {  	_ = 	snop  }
0x4: {  	_ = 	snop  }
0x5: {  	_ = 	snop  }
0x6: {  	_ = 	snop  }
0x7: {  	_ = 	snop  }
__scs_overlays_trampoline_lowered:
0x8: {  	[smem:$0x3FAE] =	sst s0  }
0x9: {  	[smem:$0x3FAF] =	sst s1  }
0xa: {  	[smem:$0x3FB0] =	sst s2  }
0xb: {  	[smem:$0x3FB1] =	sst s3  }
0xc: {  	[smem:$0x3FB2] =	sst s4  }
0xd: {  	[smem:$0x3FB3] =	sst s5  }
0xe: {  	[smem:$0x3FB4] =	sst s6  }
0xf: {  	[smem:$0x3FB5] =	sst s7  }
0x10: {  	[smem:$0x3FB6] =	sst s8  }
0x11: {  	[smem:$0x3FB7] =	sst s9;
	s0 =	simm.s32 @!p0 $0x0  }
0x12: {  	s1 =	sld [smem:$0x3F9D];
	s0 =	simm.s32 @p0 $0x1  }
0x13: {  	[smem:$0x3FB8] =	sst s0;
	s0 =	simm.s32 @!p1 $0x0  }
0x14: {  	s2 =	sld [smem:$0x3F9C];
	s0 =	simm.s32 @p1 $0x1  }
0x15: {  	[smem:$0x3FB9] =	sst s0;
	s0 =	simm.s32 @!p2 $0x0  }
0x16: {  	s3 =	sld [smem:$0x3FDB];
	s0 =	simm.s32 @p2 $0x1  }
0x17: {  	s4 =	simm.s32 $0x1BF5;
	[smem:$0x3FBB] =	sst s0  }
0x18: {  	s0 =	sld [smem:$0x3F9E];
	_ =	swait.ge [sflag:s4], $0x0  }
0x19: {  	s7 =	sld [smem:$0x3F9F]  }
0x1a: {  	s8 =	sadd.s32 $0xFFFFE003, lr  }
0x1b: {  	s9 =	sadd.s32 $0xFFFFFEF7, lr;
	s5 =	simm.s32 $0xFFFFFFFF;
	p2 =	slt.u32 s8, $0xFFFFF086  }
0x1c: {  	p1 =	slt.u32 s9, $0xF7A;
	s5 =	simm.s32 @!p2 $0x0  }
0x1d: {  	s5 =	simm.s32 @p1 $0x1;
	p0 =	seq.s32 s7, s2  }
0x1e: {  	s7 =	smul.u32 @!p0 $0xF7A, s2;
	p2 =	seq.s32 @!p0 s5, $0x0  }
0x1f: {  	s9 =	smul.u32 $0xF7A, s1;
	s8 =	simm.s32 @!p0 $0x1BF5;
	p2 =	por !p2, p0  }
0x20: {  	[sflag:s8] =	ssyncset.s32 @!p0 $0xFFFFF086;
	s6 =	sadd.s32 @!p0 s3, s7;
	s7 =	simm.s32 @!p0 $0x108  }
0x21: {  	s3 =	sadd.s32 s3, s9;
	s6 =	sadd.s32 @!p0 $0x88, s6;
	s7 =	simm.s32 @p2 $0x1082  }
0x22: {  	[simem:s7], [sflag:s8] =	dma.local @!p0 [hbm:s6], $0xF7A  }
0x23: {  	s9 =	sor.u32 $0xD0000000, s2;
	s6 =	simm.s32 $0x108;
	_ =	swait.ge @!p0 [sflag:s8], $0x0  }
0x24: {  	s3 =	sadd.s32 $0x88, s3;
	s6 =	simm.s32 @!p1 $0x1082;
	[sflag:s4] =	ssyncset.s32 $0xFFFFF086  }
0x25: {  	[simem:s6], [sflag:s4] =	dma.local [hbm:s3], $0xF7A  }
0x26: {  	[smem:$0x3F9F] =	sst s1;
	(tag) =	ssettag s2;
	_ =	strace s9  }
0x27: {  	s1 =	sld [smem:$0x3FAF]  }
0x28: {  	s2 =	sld [smem:$0x3FB0]  }
0x29: {  	s4 =	sld [smem:$0x3FB2]  }
0x2a: {  	p0 =	seq.s32 s5, $0x0;
	s5 =	sld [smem:$0x3FB3]  }
0x2b: {  	s6 =	sld [smem:$0x3FB4]  }
0x2c: {  	s7 =	sld [smem:$0x3FB5]  }
0x2d: {  	s3 =	simm.s32 $0x108;
	s8 =	sld [smem:$0x3FB6]  }
0x2e: {  	s3 =	simm.s32 @!p0 $0x1082;
	s9 =	sld [smem:$0x3FB7]  }
0x2f: {  	lr =	sadd.s32 s0, s3;
	s0 =	sld [smem:$0x3FAE]  }
0x30: {  	s3 =	sld [smem:$0x3FB1]  }
0x31: {  	[smem:$0x3FBA] =	sst s10  }
0x32: {  	s10 =	sld [smem:$0x3FB8];
	_ =	sdelay $0x3  }
0x33: {  	p0 =	seq.s32 s10, $0x1;
	s10 =	sld [smem:$0x3FBA];
	_ =	sdelay $0x3  }
0x34: {  	[smem:$0x3FBA] =	sst s10  }
0x35: {  	s10 =	sld [smem:$0x3FB9];
	_ =	sdelay $0x3  }
0x36: {  	p1 =	seq.s32 s10, $0x1;
	s10 =	sld [smem:$0x3FBA];
	_ =	sdelay $0x3  }
0x37: {  	[smem:$0x3FBA] =	sst s10  }
0x38: {  	s10 =	sld [smem:$0x3FBB]  }
0x39: {  	_ = 	snop;
	(pc) =	sbr.ind lr, $3  }
0x3a: {  	_ = 	snop  }
0x3b: {  	_ = 	snop  }
0x3c: {  	p2 =	seq.s32 s10, $0x1;
	s10 =	sld [smem:$0x3FBA]  }
0x3d: {  	_ =	shalt  }
0x3e: {  	_ =	shalt  }
0x3f: {  	_ =	shalt  }
0x40: {  	_ =	shalt  }
0x41: {  	_ =	shalt  }
0x42: {  	_ =	shalt  }
0x43: {  	_ =	shalt  }
0x44: {  	_ =	shalt  }
0x45: {  	_ =	shalt  }
0x46: {  	_ =	shalt  }
0x47: {  	_ =	shalt  }
0x48: {  	_ =	shalt  }
0x49: {  	_ =	shalt  }
0x4a: {  	_ =	shalt  }
0x4b: {  	_ =	shalt  }
0x4c: {  	_ =	shalt  }
0x4d: {  	_ =	shalt  }
0x4e: {  	_ =	shalt  }
0x4f: {  	_ =	shalt  }
0x50: {  	_ =	shalt  }
0x51: {  	_ =	shalt  }
0x52: {  	_ =	shalt  }
0x53: {  	_ =	shalt  }
0x54: {  	_ =	shalt  }
0x55: {  	_ =	shalt  }
0x56: {  	_ =	shalt  }
0x57: {  	_ =	shalt  }
0x58: {  	_ =	shalt  }
0x59: {  	_ =	shalt  }
0x5a: {  	_ =	shalt  }
0x5b: {  	_ =	shalt  }
0x5c: {  	_ =	shalt  }
0x5d: {  	_ =	shalt  }
0x5e: {  	_ =	shalt  }
0x5f: {  	_ =	shalt  }
0x60: {  	_ =	shalt  }
0x61: {  	_ =	shalt  }
0x62: {  	_ =	shalt  }
0x63: {  	_ =	shalt  }
0x64: {  	_ =	shalt  }
0x65: {  	_ =	shalt  }
0x66: {  	_ =	shalt  }
0x67: {  	_ =	shalt  }
0x68: {  	_ =	shalt  }
0x69: {  	_ =	shalt  }
0x6a: {  	_ =	shalt  }
0x6b: {  	_ =	shalt  }
0x6c: {  	_ =	shalt  }
0x6d: {  	_ =	shalt  }
0x6e: {  	_ =	shalt  }
0x6f: {  	_ =	shalt  }
0x70: {  	_ =	shalt  }
0x71: {  	_ =	shalt  }
0x72: {  	_ =	shalt  }
0x73: {  	_ =	shalt  }
0x74: {  	_ =	shalt  }
0x75: {  	_ =	shalt  }
0x76: {  	_ =	shalt  }
0x77: {  	_ =	shalt  }
0x78: {  	_ =	shalt  }
0x79: {  	_ =	shalt  }
0x7a: {  	_ =	shalt  }
0x7b: {  	_ =	shalt  }
0x7c: {  	_ =	shalt  }
0x7d: {  	_ =	shalt  }
0x7e: {  	_ =	shalt  }
0x7f: {  	_ =	shalt  }
0x80: {  	_ =	shalt  }
0x81: {  	_ =	shalt  }
0x82: {  	_ =	shalt  }
0x83: {  	_ =	shalt  }
0x84: {  	_ =	shalt  }
0x85: {  	_ =	shalt  }
0x86: {  	_ =	shalt  }
0x87: {  	_ =	shalt  }
.Lfunc_end0:
.L_simem_size_0:
called_computation_lowered:
.L_overlay_start_0:
0x88: {  	s2 =	sld [smem:$0x3FD9]  }
0x89: {  	s3 =	sld [smem:$0x3FFE];
	_ =	sdelay $0x1  }
0x8a: {  	s1 =	srdreg.scid  }
0x8b: {  	s0 =	sand.u32 $0x1, s1  }
0x8c: {  	s18 =	sshll.u32 s0, $0xA;
	s2 =	sadd.s32 s3, s2  }
0x8d: {  	s2 =	sadd.s32 s2, s18  }
0x8e: {  	[smem:$0x3FC6] =	sst s2  }
0x8f: {  	_ = 	snop  }
0x90: {  	s2 =	sld [smem:$0x3FC9]  }
0x91: {  	s19 =	sld [smem:$0x3FC8]  }
0x92: {  	s4 =	sld [smem:$0x3FD0];
	(tm) =	ssettm $0x1  }
0x93: {  	s5 =	sld [smem:$0x3FFB];
	_ =	sdelay $0x3  }
0x94: {  	_ =	strace s5  }
0x95: {  	s5 =	sld [smem:$0x3FFC];
	_ =	sdelay $0x3  }
0x96: {  	_ =	strace s5  }
0x97: {  	s5 =	sld [smem:$0x3FFD];
	_ =	sdelay $0x3  }
0x98: {  	_ =	strace s5  }
0x99: {  	_ =	strace $0x8FFFFFFF  }
0x9a: {  	s20 =	sld [smem:$0x3FDB];
	_ =	sdelay $0x1  }
0x9b: {  	s6 =	simm.s32 $_scs_section_size  }
0x9c: {  	s7 =	simm.s32 $_size__tile_overlayer_lowered;
	s8 =	simm.s32 $_tile_overlayer_lowered  }
0x9d: {  	s23 =	simm.s32 $0x1BFF;
	s22 =	sshll.u32 s8, $0x1;
	s5 =	sadd.s32 s6, s20  }
0x9e: {  	s9 =	simm.s32 $0x0;
	s21 =	sshll.u32 s7, $0x1;
	s7 =	sadd.s32 s22, s5  }
0x9f: {  	[timem:s9], [sflag:s23] =	dma.local [hbm:s7], s21  }
0xa0: {  	_ =	swait.ge [sflag:s23], s21  }
0xa1: {  	s6 =	ssub.s32 $0x0, s21;
	[sflag:s23] =	ssyncset.done $0x0  }
0xa2: {  	[sflag:s23] =	ssyncadd.s32 s6;
	_ =	sdelay $0x1  }
0xa3: {  	s24 =	simm.s32 $0x1B8B  }
0xa4: {  	_ =	swait.ge [sflag:s24], $0x1  }
0xa5: {  	[sflag:s24] =	ssyncset.done $0x0  }
0xa6: {  	s25 =	simm.s32 $0x1B8E;
	[sflag:s24] =	ssyncadd.s32 $0xFFFFFFFF  }
0xa7: {  	s26 =	simm.s32 $execute0_lowered;
	[smem:$0x3FD2] =	sst s25  }
0xa8: {  	s6 =	sshll.u32 s26, $0x1;
	_ =	strace $0x80000046;
	[dreg:$0x1] =	wrdreg $0xFFFFFFFF  }
0xa9: {  	s28 =	simm.s32 $_size_execute0_lowered;
	s5 =	sadd.s32 s5, s6;
	[dreg:$0x0] =	wrdreg $0x0  }
0xaa: {  	s6 =	sshll.u32 s28, $0x1;
	[dreg:$0x2] =	wrdreg s5  }
0xab: {  	[dreg:$0x3] =	wrdreg s6  }
0xac: {  	[dreg:$0x4] =	wrdreg $0xC0  }
0xad: {  	_ =	task [dreg:s9], $0x5FFFF  }
0xae: {  	[dreg:$0x1] =	wrdreg $0xFFFFFFFF  }
0xaf: {  	[dreg:$0x0] =	wrdreg $0x60  }
0xb0: {  	[dreg:$0x2] =	wrdreg s2  }
0xb1: {  	[dreg:$0x3] =	wrdreg s19  }
0xb2: {  	[dreg:$0x4] =	wrdreg s4  }
0xb3: {  	[dreg:$0x5] =	wrdreg $0x9  }
0xb4: {  	_ =	task.clear_ibuf [dreg:s9], $0x6FFFF;
	_ =	strace $0x90000046  }
0xb5: {  	s29 =	simm.s32 $0x9;
	_ =	strace $0x80000048  }
0xb6: {  	_ =	swait.ge [sflag:s29], $0x1  }
0xb7: {  	[sflag:s29] =	ssyncadd.s32 $0xFFFFFFFF  }
0xb8: {  	_ =	strace $0x90000048  }
0xb9: {  	_ =	sfence  }
0xba: {  	s30 =	sld [smem:$0x0];
	_ =	sdelay $0x2  }
0xbb: {  	s31 =	sshll.u32 s1, $0xD;
	s1 =	sshrl.u32 s1, $0x2  }
0xbc: {  	s3 =	sand.u32 $0x4000, s31;
	s1 =	sadd.s32 s1, s30  }
0xbd: {  	s0 =	sor.u32 s3, s0;
	s1 =	sshll.u32 s1, $0x11  }
0xbe: {  	s0 =	sor.u32 s1, s0  }
0xbf: {  	s0 =	sadd.s32 $0x8F2B, s0  }
0xc0: {  	[sflag:s0] =	ssyncadd.remote.s32 $0x1  }
0xc1: {  	_ =	sfence.sel $0xFFFF  }
0xc2: {  	[dreg:$0x0] =	wrdreg $0xFFFFFFFF;
	(pc) =	sbr.abs _section_cstart, $3  }
0xc3: {  	[dreg:$0x1] =	wrdreg $0xFFFFFFFF  }
0xc4: {  	_ =	task.clear_ibuf [dreg:s9], $0x2FFFF;
	_ =	strace $0x9FFFFFFF  }
0xc5: {  	(tm) =	ssettm $0x7FFFFFFF  }
tec
execute0_lowered:
.L_overlay_start_1:
0x0: {  	(tag) =	ssettag $0x1  }
0x1: {  	s4 =	rddreg [dreg:$0x0]  }
0x2: {  	s1 =	rddreg [dreg:$0x1]  }
0x3: {  	s5 =	rddreg [dreg:$0x2]  }
0x4: {  	s0 =	rddreg [dreg:$0x3];
	s6 =	srdreg.scid  }
0x5: {  	s3 =	simm.s32 $0x0;
	s2 =	stileid.u32;
	s10 =	simm.s32 $0x4200  }
0x6: {  	s11 =	simm.s32 $0x1;
	s12 =	simm.s32 $0x100;
	s13 =	simm.s32 $0x2  }
0x7: {  	s14 =	simm.s32 $0x180;
	s15 =	simm.s32 $0x8200;
	s16 =	simm.s32 $0x0  }
0x8: {  	s6 =	sand.u32 $0x1, s6;
	s8 =	sshll.u32 s2, $0x7;
	[smem:$0x7FF] =	sst s3  }
0x9: {  	s7 =	ssub.s32 $0x2, s6;
	s6 =	sshll.u32 s6, $0x6;
	_ =	strace $0x80000047  }
0xa: {  	s9 =	sshrl.u32 s7, $0x1;
	s6 =	sor.u32 s6, s8;
	s8 =	simm.s32 $0x80  }
0xb: {  	s7 =	ssub.s32 s7, s9;
	s4 =	sadd.s32 s4, s6;
	s5 =	sadd.s32 s5, s6  }
0xc: {  	s9 =	simm.s32 $0x200;
	s6 =	smax.u32 s7, $0x1;
	s7 =	simm.s32 $0x3  }
.LBB2_1:
0xd: {  	[tilespmem:s3], [sflag:$0x3] =	stream.linear.gather [hbm4b:s4+s3], $0x200, $0x38;
	[tilespmem:$0x8400] =	vst v63  }
0xe: {  	_ =	swait.ge [sflag:s7], $0x200  }
0xf: {  	[sflag:s7] =	ssyncset.done $0x0  }
0x10: {  	[sflag:s7] =	ssyncadd.s32 $0xFFFFFE00  }
0x11: {  	[tilespmem:s9], [sflag:$0x1] =	stream.indirect.gather [hbm4b:s1+s8], $0x80, s3, s8, $0xb8;
	[tilespmem:$0x8400] =	vst v63  }
0x12: {  	_ = 	snop  }
0x13: {  	[tilespmem:s10], [sflag:$0x2] =	stream.indirect.gather [hbm4b:s1+s8], $0x80, s8, s8, $0xb8;
	[tilespmem:$0x8400] =	vst v63  }
0x14: {  	_ =	swait.ge [sflag:s11], $0x4000  }
0x15: {  	[sflag:s11] =	ssyncset.done $0x0  }
0x16: {  	s17 =	simm.s32 $0x0;
	[sflag:s11] =	ssyncadd.s32 $0xFFFFC000  }
.LBB2_2:
0x17: {  	s18 =	sshll.u32 s17, $0x4;
	v13 =	vlaneseq.u32  }
0x18: {  	v0 =	vmov s18;
	v1 =	vmul.u32 $0x80, v13  }
0x19: {  	v0 =	vshll.u32 v0, $0x7  }
0x1a: {  	v0 =	vor.u32 v1, v0  }
0x1b: {  	v23 =	vor.u32 $0x10, v13;
	v1 =	vor.u32 v13, v0  }
0x1c: {  	v18 =	vor.u32 $0x20, v13;
	v2 =	vor.u32 v23, v0  }
0x1d: {  	v14 =	vor.u32 $0x30, v13;
	v3 =	vor.u32 v18, v0  }
0x1e: {  	v11 =	vor.u32 $0x40, v13;
	v4 =	vor.u32 v14, v0  }
0x1f: {  	v16 =	vor.u32 $0x50, v13;
	v5 =	vor.u32 v11, v0  }
0x20: {  	v9 =	vor.u32 $0x60, v13;
	v20 =	vld.idx.msk [tilespmem:v1+s9+$0x0], $0xffff;
	v1 =	vor.u32 v16, v0  }
0x21: {  	v10 =	vor.u32 $0x70, v13;
	v24 =	vld.idx.msk [tilespmem:v2+s9+$0x0], $0xffff;
	v2 =	vor.u32 v9, v0  }
0x22: {  	v22 =	vld.idx.msk [tilespmem:v3+s9+$0x0], $0xffff;
	v3 =	vor.u32 v10, v0  }
0x23: {  	v21 =	vld.idx.msk [tilespmem:v4+s9+$0x0], $0xffff  }
0x24: {  	v17 =	vld.idx.msk [tilespmem:v5+s9+$0x0], $0xffff  }
0x25: {  	v19 =	vld.idx.msk [tilespmem:v1+s9+$0x0], $0xffff  }
0x26: {  	v8 =	vlaneseq.u32;
	v6 =	vmov v18;
	v7 =	vmov v23;
	v15 =	vld.idx.msk [tilespmem:v2+s9+$0x0], $0xffff  }
0x27: {  	s19 =	simm.s32 $0x5;
	v4 =	vmovc v11;
	v5 =	vmovc v14;
	v12 =	vld.idx.msk [tilespmem:v3+s9+$0x0], $0xffff;
	v1 =	vmov v10;
	v2 =	vmov v9;
	v3 =	vmov v16  }
.LBB2_3:
0x28: {  	v25 =	vadd.s32 $0x1, v8;
	v27 =	vadd.s32 $0x1, v7;
	v29 =	vadd.s32 $0x1, v6  }
0x29: {  	v31 =	vadd.s32 $0x1, v5;
	v33 =	vadd.s32 $0x1, v4;
	v25 =	vand.u32 $0x7F, v25  }
0x2a: {  	v35 =	vadd.s32 $0x1, v2;
	v27 =	vand.u32 $0x7F, v27;
	v26 =	vor.u32 v0, v25  }
0x2b: {  	v39 =	vadd.s32 $0x2, v8;
	v29 =	vand.u32 $0x7F, v29;
	v28 =	vor.u32 v0, v27  }
0x2c: {  	v42 =	vadd.s32 $0x2, v7;
	v31 =	vand.u32 $0x7F, v31;
	v30 =	vor.u32 v0, v29  }
0x2d: {  	v43 =	vadd.s32 $0x2, v6;
	v45 =	vadd.s32 $0x2, v5;
	v32 =	vor.u32 v0, v31  }
0x2e: {  	v48 =	vadd.s32 $0x2, v3;
	v53 =	vadd.s32 $0x2, v1;
	v8 =	vadd.s32 $0x3, v8  }
0x2f: {  	v7 =	vadd.s32 $0x3, v7;
	v6 =	vadd.s32 $0x3, v6;
	v5 =	vadd.s32 $0x3, v5;
	v26 =	vld.idx.msk [tilespmem:v26+s9+$0x0], $0xffff  }
0x30: {  	v33 =	vand.u32 $0x7F, v33;
	v54 =	vand.u32 $0x7F, v53;
	v8 =	vand.u32 $0x7F, v8;
	v28 =	vld.idx.msk [tilespmem:v28+s9+$0x0], $0xffff  }
0x31: {  	v7 =	vand.u32 $0x7F, v7;
	v6 =	vand.u32 $0x7F, v6;
	v5 =	vand.u32 $0x7F, v5;
	v30 =	vld.idx.msk [tilespmem:v30+s9+$0x0], $0xffff  }
0x32: {  	vm1 =	vlt.s32 v25, v13;
	vm15 =	vlt.s32 v27, v23;
	v34 =	vor.u32 v0, v33;
	v32 =	vld.idx.msk [tilespmem:v32+s9+$0x0], $0xffff  }
0x33: {  	vm6 =	vlt.s32 v29, v18;
	vm10 =	vlt.s32 v31, v14;
	vm12 =	vlt.s32 v33, v11  }
0x34: {  	v55 =	vor.u32 v0, v54;
	v56 =	vor.u32 v0, v8;
	v58 =	vor.u32 v0, v6  }
0x35: {  	vm0 =	veq.f32 v26, v20;
	vm2 =	vgt.f32 v26, v20;
	vm14 =	veq.f32 v28, v24  }
0x36: {  	vm3 =	vgt.f32 v28, v24;
	vm5 =	veq.f32 v30, v22;
	vm0 =	vmand vm1, vm0  }
0x37: {  	vm7 =	vgt.f32 v30, v22;
	vm8 =	vgt.f32 v32, v21;
	vm0 =	vmor vm2, vm0  }
0x38: {  	vm9 =	veq.f32 v32, v21;
	v20 =	vsel vm0, v26, v20;
	v26 =	vadd.s32 $0x1, v3  }
0x39: {  	vm1 =	vmand vm15, vm14;
	v13 =	vsel vm0, v25, v13;
	v25 =	vand.u32 $0x7F, v26  }
0x3a: {  	vm1 =	vmor vm3, vm1;
	vm2 =	vmand vm10, vm9;
	v26 =	vor.u32 v0, v25  }
0x3b: {  	v24 =	vsel vm1, v28, v24;
	v23 =	vsel vm1, v27, v23;
	vm0 =	vmand vm6, vm5  }
0x3c: {  	v27 =	vld.idx.msk [tilespmem:v34+s9+$0x0], $0xffff;
	v28 =	vand.u32 $0x7F, v35;
	v35 =	vadd.s32 $0x1, v1;
	vm1 =	vmor vm8, vm2  }
0x3d: {  	v3 =	vadd.s32 $0x3, v3;
	v1 =	vadd.s32 $0x3, v1;
	vm0 =	vmor vm7, vm0  }
0x3e: {  	v36 =	vor.u32 v0, v28;
	v37 =	vand.u32 $0x7F, v35;
	v21 =	vsel vm1, v32, v21  }
0x3f: {  	v32 =	vand.u32 $0x7F, v39;
	v14 =	vsel vm1, v31, v14;
	v38 =	vor.u32 v0, v37;
	v26 =	vld.idx.msk [tilespmem:v26+s9+$0x0], $0xffff  }
0x40: {  	vm9 =	vlt.s32 v28, v9;
	v31 =	vand.u32 $0x7F, v45;
	v3 =	vand.u32 $0x7F, v3  }
0x41: {  	v22 =	vsel vm0, v30, v22;
	v18 =	vsel vm0, v29, v18;
	vm11 =	veq.f32 v27, v17  }
0x42: {  	v41 =	vor.u32 v0, v32;
	vm13 =	vgt.f32 v27, v17;
	vm0 =	vmand vm12, vm11  }
0x43: {  	v1 =	vand.u32 $0x7F, v1;
	vm15 =	vlt.s32 v25, v16;
	vm0 =	vmor vm13, vm0  }
0x44: {  	v29 =	vand.u32 $0x7F, v42;
	v17 =	vsel vm0, v27, v17;
	v27 =	vld.idx.msk [tilespmem:v38+s9+$0x0], $0xffff;
	vm14 =	veq.f32 v26, v19  }
0x45: {  	v46 =	vor.u32 v0, v31;
	vm6 =	vgt.f32 v26, v19;
	vm1 =	vmand vm15, vm14  }
0x46: {  	v40 =	vld.idx.msk [tilespmem:v36+s9+$0x0], $0xffff;
	v11 =	vsel vm0, v33, v11;
	v33 =	vand.u32 $0x7F, v43;
	vm7 =	vmor vm6, vm1  }
0x47: {  	v30 =	vand.u32 $0x7F, v48;
	v44 =	vor.u32 v0, v33;
	v19 =	vsel vm7, v26, v19;
	v26 =	vld.idx.msk [tilespmem:v41+s9+$0x0], $0xffff  }
0x48: {  	v61 =	vor.u32 v0, v3;
	v16 =	vsel vm7, v25, v16;
	v25 =	vor.u32 v0, v29  }
0x49: {  	v63 =	vor.u32 v0, v1;
	vm12 =	vlt.s32 v37, v10;
	vm11 =	veq.f32 v27, v12  }
0x4a: {  	v50 =	vor.u32 v0, v30;
	vm13 =	vgt.f32 v27, v12;
	vm1 =	vmand vm12, vm11  }
0x4b: {  	v49 =	vld.idx.msk [tilespmem:v46+s9+$0x0], $0xffff;
	vm8 =	veq.f32 v40, v15;
	vm10 =	vgt.f32 v40, v15;
	vm1 =	vmor vm13, vm1  }
0x4c: {  	vm15 =	vlt.s32 v32, v13;
	v12 =	vsel vm1, v27, v12;
	v27 =	vld.idx.msk [tilespmem:v44+s9+$0x0], $0xffff;
	vm14 =	veq.f32 v26, v20  }
0x4d: {  	vm0 =	vmand vm9, vm8;
	v25 =	vld.idx.msk [tilespmem:v25+s9+$0x0], $0xffff;
	vm4 =	vgt.f32 v26, v20;
	vm2 =	vmand vm15, vm14  }
0x4e: {  	vm8 =	vlt.s32 v29, v23;
	vm0 =	vmor vm10, vm0;
	vm6 =	vmor vm4, vm2  }
0x4f: {  	v15 =	vsel vm0, v40, v15;
	v20 =	vsel vm6, v26, v20;
	v26 =	vadd.s32 $0x2, v4  }
0x50: {  	v9 =	vsel vm0, v28, v9;
	vm11 =	vlt.s32 v33, v18;
	v26 =	vand.u32 $0x7F, v26  }
0x51: {  	vm13 =	veq.f32 v49, v21;
	v10 =	vsel vm1, v37, v10;
	v47 =	vor.u32 v0, v26  }
0x52: {  	vm10 =	veq.f32 v27, v22;
	vm12 =	vgt.f32 v27, v22;
	vm7 =	veq.f32 v25, v24  }
0x53: {  	vm14 =	vlt.s32 v31, v14;
	vm9 =	vgt.f32 v25, v24;
	vm0 =	vmand vm8, vm7  }
0x54: {  	v52 =	vld.idx.msk [tilespmem:v50+s9+$0x0], $0xffff;
	vm15 =	vgt.f32 v49, v21;
	vm1 =	vmand vm11, vm10;
	vm0 =	vmor vm9, vm0  }
0x55: {  	vm1 =	vmor vm12, vm1;
	v24 =	vsel vm0, v25, v24;
	v25 =	vadd.s32 $0x2, v2  }
0x56: {  	v4 =	vadd.s32 $0x3, v4;
	v22 =	vsel vm1, v27, v22;
	v25 =	vand.u32 $0x7F, v25;
	v27 =	vld.idx.msk [tilespmem:v47+s9+$0x0], $0xffff  }
0x57: {  	v13 =	vsel vm6, v32, v13;
	v4 =	vand.u32 $0x7F, v4;
	v51 =	vor.u32 v0, v25  }
0x58: {  	v57 =	vld.idx.msk [tilespmem:v56+s9+$0x0], $0xffff;
	v18 =	vsel vm1, v33, v18;
	vm5 =	vlt.s32 v26, v11;
	v60 =	vor.u32 v0, v4  }
0x59: {  	vm7 =	veq.f32 v52, v19;
	v23 =	vsel vm0, v29, v23;
	vm0 =	vmand vm14, vm13  }
0x5a: {  	vm8 =	vlt.s32 v30, v16;
	vm9 =	vgt.f32 v52, v19;
	vm0 =	vmor vm15, vm0  }
0x5b: {  	vm1 =	vmand vm8, vm7;
	v21 =	vsel vm0, v49, v21;
	vm4 =	veq.f32 v27, v17  }
0x5c: {  	v14 =	vsel vm0, v31, v14;
	vm6 =	vgt.f32 v27, v17;
	v28 =	vld.idx.msk [tilespmem:v51+s9+$0x0], $0xffff;
	vm0 =	vmand vm5, vm4  }
0x5d: {  	vm7 =	veq.f32 v57, v20;
	vm8 =	vlt.s32 v8, v13;
	vm0 =	vmor vm6, vm0  }
0x5e: {  	vm1 =	vmor vm9, vm1;
	vm14 =	vlt.s32 v54, v10;
	v17 =	vsel vm0, v27, v17;
	v27 =	vld.idx.msk [tilespmem:v55+s9+$0x0], $0xffff  }
0x5f: {  	vm9 =	vgt.f32 v57, v20;
	v2 =	vadd.s32 $0x3, v2;
	v19 =	vsel vm1, v52, v19  }
0x60: {  	v16 =	vsel vm1, v30, v16;
	v11 =	vsel vm0, v26, v11;
	v26 =	vor.u32 v0, v7  }
0x61: {  	v59 =	vld.idx.msk [tilespmem:v58+s9+$0x0], $0xffff;
	v2 =	vand.u32 $0x7F, v2;
	vm11 =	vlt.s32 v25, v9;
	vm10 =	veq.f32 v28, v15  }
0x62: {  	v29 =	vld.idx.msk [tilespmem:v61+s9+$0x0], $0xffff;
	v62 =	vor.u32 v0, v2;
	vm12 =	vgt.f32 v28, v15;
	vm0 =	vmand vm11, vm10  }
0x63: {  	vm5 =	vlt.s32 v4, v11;
	vm0 =	vmor vm12, vm0;
	vm13 =	veq.f32 v27, v12  }
0x64: {  	v15 =	vsel vm0, v28, v15;
	vm15 =	vgt.f32 v27, v12;
	v9 =	vsel vm0, v25, v9  }
0x65: {  	v25 =	vld.idx.msk [tilespmem:v26+s9+$0x0], $0xffff;
	v26 =	vor.u32 v0, v5;
	vm1 =	vmand vm14, vm13;
	vm13 =	vlt.s32 v7, v23  }
0x66: {  	vm14 =	veq.f32 v59, v22;
	vm6 =	vmor vm15, vm1;
	vm1 =	vmand vm8, vm7  }
0x67: {  	v30 =	vld.idx.msk [tilespmem:v62+s9+$0x0], $0xffff;
	vm15 =	vlt.s32 v6, v18;
	vm8 =	vgt.f32 v59, v22;
	vm7 =	veq.f32 v29, v19  }
0x68: {  	v12 =	vsel vm6, v27, v12;
	v10 =	vsel vm6, v54, v10;
	vm10 =	vmor vm9, vm1  }
0x69: {  	v27 =	vld.idx.msk [tilespmem:v60+s9+$0x0], $0xffff;
	vm2 =	vmand vm15, vm14;
	vm6 =	vgt.f32 v29, v19;
	v20 =	vsel vm10, v57, v20  }
0x6a: {  	v13 =	vsel vm10, v8, v13;
	vm9 =	vmor vm8, vm2;
	vm8 =	vlt.s32 v3, v16  }
0x6b: {  	vm11 =	vgt.f32 v25, v24;
	vm12 =	veq.f32 v25, v24;
	v26 =	vld.idx.msk [tilespmem:v26+s9+$0x0], $0xffff;
	v22 =	vsel vm9, v59, v22  }
0x6c: {  	v18 =	vsel vm9, v6, v18;
	vm9 =	veq.f32 v30, v15;
	vm1 =	vmand vm13, vm12  }
0x6d: {  	vm12 =	vlt.s32 v5, v14;
	vm0 =	vmor vm11, vm1;
	vm1 =	vmand vm8, vm7  }
0x6e: {  	vm13 =	veq.f32 v27, v17;
	vm15 =	vgt.f32 v27, v17;
	v24 =	vsel vm0, v25, v24  }
0x6f: {  	v23 =	vsel vm0, v7, v23;
	v25 =	vld.idx.msk [tilespmem:v63+s9+$0x0], $0xffff;
	vm0 =	vmor vm6, vm1;
	vm14 =	vmand vm5, vm13  }
0x70: {  	vm13 =	vlt.s32 v1, v10;
	v19 =	vsel vm0, v29, v19;
	vm11 =	veq.f32 v26, v21  }
0x71: {  	v16 =	vsel vm0, v3, v16;
	vm10 =	vgt.f32 v26, v21;
	vm3 =	vmand vm12, vm11  }
0x72: {  	p0 =	sne.s32 s19, $0x1;
	vm11 =	vgt.f32 v30, v15;
	vm2 =	vmor vm10, vm3;
	vm3 =	vmor vm15, vm14  }
.Ltmp0:
0x73: {  	vm10 =	vlt.s32 v2, v9;
	v21 =	vsel vm2, v26, v21;
	v17 =	vsel vm3, v27, v17;
	(pc) =	sbr.rel @p0 .LBB2_3-.Ltmp0, $4  }
0x74: {  	v14 =	vsel vm2, v5, v14;
	vm2 =	vmand vm10, vm9;
	vm12 =	veq.f32 v25, v12  }
0x75: {  	vm14 =	vgt.f32 v25, v12;
	vm1 =	vmor vm11, vm2;
	vm2 =	vmand vm13, vm12  }
0x76: {  	v11 =	vsel vm3, v4, v11;
	v15 =	vsel vm1, v30, v15;
	vm15 =	vmor vm14, vm2  }
0x77: {  	s19 =	sadd.s32 $0xFFFFFFFF, s19;
	v9 =	vsel vm1, v2, v9;
	v12 =	vsel vm15, v25, v12;
	v10 =	vsel vm15, v1, v10  }
0x78: {  	vm0 =	veq.f32 v24, v20  }
0x79: {  	vm1 =	vlt.s32 v23, v13;
	vm2 =	vgt.f32 v24, v20;
	vm8 =	vgt.f32 v21, v22  }
0x7a: {  	vm9 =	veq.f32 v21, v22;
	vm10 =	vlt.s32 v14, v18;
	vm11 =	veq.f32 v19, v17  }
0x7b: {  	vm3 =	vlt.s32 v16, v11;
	vm12 =	vgt.f32 v19, v17;
	vm13 =	veq.f32 v12, v15  }
0x7c: {  	vm14 =	vlt.s32 v10, v9;
	vm15 =	vgt.f32 v12, v15;
	vm0 =	vmand vm0, vm1  }
0x7d: {  	vm1 =	vmand vm9, vm10;
	vm0 =	vmor vm2, vm0;
	vm2 =	vmand vm11, vm3  }
0x7e: {  	v0 =	vsel vm0, v24, v20;
	v1 =	vsel vm0, v23, v13;
	vm0 =	vmor vm8, vm1  }
0x7f: {  	vm1 =	vmor vm12, vm2;
	vm2 =	vmand vm13, vm14;
	v2 =	vsel vm0, v21, v22  }
0x80: {  	v3 =	vsel vm0, v14, v18;
	v4 =	vsel vm1, v19, v17;
	vm6 =	vmor vm15, vm2  }
0x81: {  	v5 =	vsel vm1, v16, v11;
	v6 =	vsel vm6, v12, v15;
	v7 =	vsel vm6, v10, v9  }
0x82: {  	vm7 =	vgt.f32 v2, v0;
	vm8 =	veq.f32 v2, v0;
	vm9 =	vlt.s32 v3, v1  }
0x83: {  	vm1 =	vmand vm8, vm9;
	vm10 =	veq.f32 v6, v4;
	vm11 =	vlt.s32 v7, v5  }
0x84: {  	vm13 =	vgt.f32 v6, v4;
	vm0 =	vmor vm7, vm1;
	vm12 =	vmand vm10, vm11  }
0x85: {  	s17 =	sadd.s32 $0x1, s17;
	v0 =	vsel vm0, v2, v0;
	vm1 =	vmor vm13, vm12  }
0x86: {  	p0 =	sne.s32 s17, $0x8;
	v1 =	vsel vm0, v3, v1;
	v61 =	vsel vm1, v6, v4;
	v62 =	vsel vm1, v7, v5  }
.Ltmp1:
0x87: {  	vm14 =	veq.f32 v61, v0;
	vm1 =	vlt.s32 v62, v1;
	(pc) =	sbr.rel @p0 .LBB2_2-.Ltmp1, $4  }
0x88: {  	vm15 =	vgt.f32 v61, v0;
	vm0 =	vmand vm14, vm1  }
0x89: {  	vm0 =	vmor vm15, vm0  }
0x8a: {  	v63 =	vsel vm0, v62, v1  }
0x8b: {  	[tilespmem:s18+$0x8200] =	vst v63  }
0x8c: {  	[tilespmem:s9], [sflag:$0x1] =	stream.indirect.gather [hbm4b:s1+s8], $0x80, s12, s8, $0xb8;
	[tilespmem:$0x8400] =	vst v63  }
0x8d: {  	_ =	swait.ge [sflag:s13], $0x4000  }
0x8e: {  	[sflag:s13] =	ssyncset.done $0x0  }
0x8f: {  	s17 =	simm.s32 $0x0;
	[sflag:s13] =	ssyncadd.s32 $0xFFFFC000  }
.LBB2_6:
0x90: {  	s18 =	sshll.u32 s17, $0x4;
	v13 =	vlaneseq.u32  }
0x91: {  	v0 =	vmov s18;
	v1 =	vmul.u32 $0x80, v13  }
0x92: {  	v0 =	vshll.u32 v0, $0x7  }
0x93: {  	v0 =	vor.u32 v1, v0  }
0x94: {  	v23 =	vor.u32 $0x10, v13;
	v1 =	vor.u32 v13, v0  }
0x95: {  	v18 =	vor.u32 $0x20, v13;
	v2 =	vor.u32 v23, v0  }
0x96: {  	v14 =	vor.u32 $0x30, v13;
	v3 =	vor.u32 v18, v0  }
0x97: {  	v11 =	vor.u32 $0x40, v13;
	v4 =	vor.u32 v14, v0  }
0x98: {  	v16 =	vor.u32 $0x50, v13;
	v5 =	vor.u32 v11, v0  }
0x99: {  	v9 =	vor.u32 $0x60, v13;
	v20 =	vld.idx.msk [tilespmem:v1+s10+$0x0], $0xffff;
	v1 =	vor.u32 v16, v0  }
0x9a: {  	v10 =	vor.u32 $0x70, v13;
	v24 =	vld.idx.msk [tilespmem:v2+s10+$0x0], $0xffff;
	v2 =	vor.u32 v9, v0  }
0x9b: {  	v22 =	vld.idx.msk [tilespmem:v3+s10+$0x0], $0xffff;
	v3 =	vor.u32 v10, v0  }
0x9c: {  	v21 =	vld.idx.msk [tilespmem:v4+s10+$0x0], $0xffff  }
0x9d: {  	v17 =	vld.idx.msk [tilespmem:v5+s10+$0x0], $0xffff  }
0x9e: {  	v19 =	vld.idx.msk [tilespmem:v1+s10+$0x0], $0xffff  }
0x9f: {  	v8 =	vlaneseq.u32;
	v6 =	vmov v18;
	v7 =	vmov v23;
	v15 =	vld.idx.msk [tilespmem:v2+s10+$0x0], $0xffff  }
0xa0: {  	s19 =	simm.s32 $0x5;
	v4 =	vmovc v11;
	v5 =	vmovc v14;
	v12 =	vld.idx.msk [tilespmem:v3+s10+$0x0], $0xffff;
	v1 =	vmov v10;
	v2 =	vmov v9;
	v3 =	vmov v16  }
.LBB2_7:
0xa1: {  	v25 =	vadd.s32 $0x1, v8;
	v27 =	vadd.s32 $0x1, v7;
	v29 =	vadd.s32 $0x1, v6  }
0xa2: {  	v31 =	vadd.s32 $0x1, v5;
	v33 =	vadd.s32 $0x1, v4;
	v25 =	vand.u32 $0x7F, v25  }
0xa3: {  	v35 =	vadd.s32 $0x1, v2;
	v27 =	vand.u32 $0x7F, v27;
	v26 =	vor.u32 v0, v25  }
0xa4: {  	v39 =	vadd.s32 $0x2, v8;
	v29 =	vand.u32 $0x7F, v29;
	v28 =	vor.u32 v0, v27  }
0xa5: {  	v42 =	vadd.s32 $0x2, v7;
	v31 =	vand.u32 $0x7F, v31;
	v30 =	vor.u32 v0, v29  }
0xa6: {  	v43 =	vadd.s32 $0x2, v6;
	v45 =	vadd.s32 $0x2, v5;
	v32 =	vor.u32 v0, v31  }
0xa7: {  	v48 =	vadd.s32 $0x2, v3;
	v53 =	vadd.s32 $0x2, v1;
	v8 =	vadd.s32 $0x3, v8  }
0xa8: {  	v7 =	vadd.s32 $0x3, v7;
	v6 =	vadd.s32 $0x3, v6;
	v5 =	vadd.s32 $0x3, v5;
	v26 =	vld.idx.msk [tilespmem:v26+s10+$0x0], $0xffff  }
0xa9: {  	v33 =	vand.u32 $0x7F, v33;
	v54 =	vand.u32 $0x7F, v53;
	v8 =	vand.u32 $0x7F, v8;
	v28 =	vld.idx.msk [tilespmem:v28+s10+$0x0], $0xffff  }
0xaa: {  	v7 =	vand.u32 $0x7F, v7;
	v6 =	vand.u32 $0x7F, v6;
	v5 =	vand.u32 $0x7F, v5;
	v30 =	vld.idx.msk [tilespmem:v30+s10+$0x0], $0xffff  }
0xab: {  	vm1 =	vlt.s32 v25, v13;
	vm15 =	vlt.s32 v27, v23;
	v34 =	vor.u32 v0, v33;
	v32 =	vld.idx.msk [tilespmem:v32+s10+$0x0], $0xffff  }
0xac: {  	vm6 =	vlt.s32 v29, v18;
	vm10 =	vlt.s32 v31, v14;
	vm12 =	vlt.s32 v33, v11  }
0xad: {  	v55 =	vor.u32 v0, v54;
	v56 =	vor.u32 v0, v8;
	v58 =	vor.u32 v0, v6  }
0xae: {  	vm0 =	veq.f32 v26, v20;
	vm2 =	vgt.f32 v26, v20;
	vm14 =	veq.f32 v28, v24  }
0xaf: {  	vm3 =	vgt.f32 v28, v24;
	vm5 =	veq.f32 v30, v22;
	vm0 =	vmand vm1, vm0  }
0xb0: {  	vm7 =	vgt.f32 v30, v22;
	vm8 =	vgt.f32 v32, v21;
	vm0 =	vmor vm2, vm0  }
0xb1: {  	vm9 =	veq.f32 v32, v21;
	v20 =	vsel vm0, v26, v20;
	v26 =	vadd.s32 $0x1, v3  }
0xb2: {  	vm1 =	vmand vm15, vm14;
	v13 =	vsel vm0, v25, v13;
	v25 =	vand.u32 $0x7F, v26  }
0xb3: {  	vm1 =	vmor vm3, vm1;
	vm2 =	vmand vm10, vm9;
	v26 =	vor.u32 v0, v25  }
0xb4: {  	v24 =	vsel vm1, v28, v24;
	v23 =	vsel vm1, v27, v23;
	vm0 =	vmand vm6, vm5  }
0xb5: {  	v27 =	vld.idx.msk [tilespmem:v34+s10+$0x0], $0xffff;
	v28 =	vand.u32 $0x7F, v35;
	v35 =	vadd.s32 $0x1, v1;
	vm1 =	vmor vm8, vm2  }
0xb6: {  	v3 =	vadd.s32 $0x3, v3;
	v1 =	vadd.s32 $0x3, v1;
	vm0 =	vmor vm7, vm0  }
0xb7: {  	v36 =	vor.u32 v0, v28;
	v37 =	vand.u32 $0x7F, v35;
	v21 =	vsel vm1, v32, v21  }
0xb8: {  	v32 =	vand.u32 $0x7F, v39;
	v14 =	vsel vm1, v31, v14;
	v38 =	vor.u32 v0, v37;
	v26 =	vld.idx.msk [tilespmem:v26+s10+$0x0], $0xffff  }
0xb9: {  	vm9 =	vlt.s32 v28, v9;
	v31 =	vand.u32 $0x7F, v45;
	v3 =	vand.u32 $0x7F, v3  }
0xba: {  	v22 =	vsel vm0, v30, v22;
	v18 =	vsel vm0, v29, v18;
	vm11 =	veq.f32 v27, v17  }
0xbb: {  	v41 =	vor.u32 v0, v32;
	vm13 =	vgt.f32 v27, v17;
	vm0 =	vmand vm12, vm11  }
0xbc: {  	v1 =	vand.u32 $0x7F, v1;
	vm15 =	vlt.s32 v25, v16;
	vm0 =	vmor vm13, vm0  }
0xbd: {  	v29 =	vand.u32 $0x7F, v42;
	v17 =	vsel vm0, v27, v17;
	v27 =	vld.idx.msk [tilespmem:v38+s10+$0x0], $0xffff;
	vm14 =	veq.f32 v26, v19  }
0xbe: {  	v46 =	vor.u32 v0, v31;
	vm6 =	vgt.f32 v26, v19;
	vm1 =	vmand vm15, vm14  }
0xbf: {  	v40 =	vld.idx.msk [tilespmem:v36+s10+$0x0], $0xffff;
	v11 =	vsel vm0, v33, v11;
	v33 =	vand.u32 $0x7F, v43;
	vm7 =	vmor vm6, vm1  }
0xc0: {  	v30 =	vand.u32 $0x7F, v48;
	v44 =	vor.u32 v0, v33;
	v19 =	vsel vm7, v26, v19;
	v26 =	vld.idx.msk [tilespmem:v41+s10+$0x0], $0xffff  }
0xc1: {  	v61 =	vor.u32 v0, v3;
	v16 =	vsel vm7, v25, v16;
	v25 =	vor.u32 v0, v29  }
0xc2: {  	v63 =	vor.u32 v0, v1;
	vm12 =	vlt.s32 v37, v10;
	vm11 =	veq.f32 v27, v12  }
0xc3: {  	v50 =	vor.u32 v0, v30;
	vm13 =	vgt.f32 v27, v12;
	vm1 =	vmand vm12, vm11  }
0xc4: {  	v49 =	vld.idx.msk [tilespmem:v46+s10+$0x0], $0xffff;
	vm8 =	veq.f32 v40, v15;
	vm10 =	vgt.f32 v40, v15;
	vm1 =	vmor vm13, vm1  }
0xc5: {  	vm15 =	vlt.s32 v32, v13;
	v12 =	vsel vm1, v27, v12;
	v27 =	vld.idx.msk [tilespmem:v44+s10+$0x0], $0xffff;
	vm14 =	veq.f32 v26, v20  }
0xc6: {  	vm0 =	vmand vm9, vm8;
	v25 =	vld.idx.msk [tilespmem:v25+s10+$0x0], $0xffff;
	vm4 =	vgt.f32 v26, v20;
	vm2 =	vmand vm15, vm14  }
0xc7: {  	vm8 =	vlt.s32 v29, v23;
	vm0 =	vmor vm10, vm0;
	vm6 =	vmor vm4, vm2  }
0xc8: {  	v15 =	vsel vm0, v40, v15;
	v20 =	vsel vm6, v26, v20;
	v26 =	vadd.s32 $0x2, v4  }
0xc9: {  	v9 =	vsel vm0, v28, v9;
	vm11 =	vlt.s32 v33, v18;
	v26 =	vand.u32 $0x7F, v26  }
0xca: {  	vm13 =	veq.f32 v49, v21;
	v10 =	vsel vm1, v37, v10;
	v47 =	vor.u32 v0, v26  }
0xcb: {  	vm10 =	veq.f32 v27, v22;
	vm12 =	vgt.f32 v27, v22;
	vm7 =	veq.f32 v25, v24  }
0xcc: {  	vm14 =	vlt.s32 v31, v14;
	vm9 =	vgt.f32 v25, v24;
	vm0 =	vmand vm8, vm7  }
0xcd: {  	v52 =	vld.idx.msk [tilespmem:v50+s10+$0x0], $0xffff;
	vm15 =	vgt.f32 v49, v21;
	vm1 =	vmand vm11, vm10;
	vm0 =	vmor vm9, vm0  }
0xce: {  	vm1 =	vmor vm12, vm1;
	v24 =	vsel vm0, v25, v24;
	v25 =	vadd.s32 $0x2, v2  }
0xcf: {  	v4 =	vadd.s32 $0x3, v4;
	v22 =	vsel vm1, v27, v22;
	v25 =	vand.u32 $0x7F, v25;
	v27 =	vld.idx.msk [tilespmem:v47+s10+$0x0], $0xffff  }
0xd0: {  	v13 =	vsel vm6, v32, v13;
	v4 =	vand.u32 $0x7F, v4;
	v51 =	vor.u32 v0, v25  }
0xd1: {  	v57 =	vld.idx.msk [tilespmem:v56+s10+$0x0], $0xffff;
	v18 =	vsel vm1, v33, v18;
	vm5 =	vlt.s32 v26, v11;
	v60 =	vor.u32 v0, v4  }
0xd2: {  	vm7 =	veq.f32 v52, v19;
	v23 =	vsel vm0, v29, v23;
	vm0 =	vmand vm14, vm13  }
0xd3: {  	vm8 =	vlt.s32 v30, v16;
	vm9 =	vgt.f32 v52, v19;
	vm0 =	vmor vm15, vm0  }
0xd4: {  	vm1 =	vmand vm8, vm7;
	v21 =	vsel vm0, v49, v21;
	vm4 =	veq.f32 v27, v17  }
0xd5: {  	v14 =	vsel vm0, v31, v14;
	vm6 =	vgt.f32 v27, v17;
	v28 =	vld.idx.msk [tilespmem:v51+s10+$0x0], $0xffff;
	vm0 =	vmand vm5, vm4  }
0xd6: {  	vm7 =	veq.f32 v57, v20;
	vm8 =	vlt.s32 v8, v13;
	vm0 =	vmor vm6, vm0  }
0xd7: {  	vm1 =	vmor vm9, vm1;
	vm14 =	vlt.s32 v54, v10;
	v17 =	vsel vm0, v27, v17;
	v27 =	vld.idx.msk [tilespmem:v55+s10+$0x0], $0xffff  }
0xd8: {  	vm9 =	vgt.f32 v57, v20;
	v2 =	vadd.s32 $0x3, v2;
	v19 =	vsel vm1, v52, v19  }
0xd9: {  	v16 =	vsel vm1, v30, v16;
	v11 =	vsel vm0, v26, v11;
	v26 =	vor.u32 v0, v7  }
0xda: {  	v59 =	vld.idx.msk [tilespmem:v58+s10+$0x0], $0xffff;
	v2 =	vand.u32 $0x7F, v2;
	vm11 =	vlt.s32 v25, v9;
	vm10 =	veq.f32 v28, v15  }
0xdb: {  	v29 =	vld.idx.msk [tilespmem:v61+s10+$0x0], $0xffff;
	v62 =	vor.u32 v0, v2;
	vm12 =	vgt.f32 v28, v15;
	vm0 =	vmand vm11, vm10  }
0xdc: {  	vm5 =	vlt.s32 v4, v11;
	vm0 =	vmor vm12, vm0;
	vm13 =	veq.f32 v27, v12  }
0xdd: {  	v15 =	vsel vm0, v28, v15;
	vm15 =	vgt.f32 v27, v12;
	v9 =	vsel vm0, v25, v9  }
0xde: {  	v25 =	vld.idx.msk [tilespmem:v26+s10+$0x0], $0xffff;
	v26 =	vor.u32 v0, v5;
	vm1 =	vmand vm14, vm13;
	vm13 =	vlt.s32 v7, v23  }
0xdf: {  	vm14 =	veq.f32 v59, v22;
	vm6 =	vmor vm15, vm1;
	vm1 =	vmand vm8, vm7  }
0xe0: {  	v30 =	vld.idx.msk [tilespmem:v62+s10+$0x0], $0xffff;
	vm15 =	vlt.s32 v6, v18;
	vm8 =	vgt.f32 v59, v22;
	vm7 =	veq.f32 v29, v19  }
0xe1: {  	v12 =	vsel vm6, v27, v12;
	v10 =	vsel vm6, v54, v10;
	vm10 =	vmor vm9, vm1  }
0xe2: {  	v27 =	vld.idx.msk [tilespmem:v60+s10+$0x0], $0xffff;
	vm2 =	vmand vm15, vm14;
	vm6 =	vgt.f32 v29, v19;
	v20 =	vsel vm10, v57, v20  }
0xe3: {  	v13 =	vsel vm10, v8, v13;
	vm9 =	vmor vm8, vm2;
	vm8 =	vlt.s32 v3, v16  }
0xe4: {  	vm11 =	vgt.f32 v25, v24;
	vm12 =	veq.f32 v25, v24;
	v26 =	vld.idx.msk [tilespmem:v26+s10+$0x0], $0xffff;
	v22 =	vsel vm9, v59, v22  }
0xe5: {  	v18 =	vsel vm9, v6, v18;
	vm9 =	veq.f32 v30, v15;
	vm1 =	vmand vm13, vm12  }
0xe6: {  	vm12 =	vlt.s32 v5, v14;
	vm0 =	vmor vm11, vm1;
	vm1 =	vmand vm8, vm7  }
0xe7: {  	vm13 =	veq.f32 v27, v17;
	vm15 =	vgt.f32 v27, v17;
	v24 =	vsel vm0, v25, v24  }
0xe8: {  	v23 =	vsel vm0, v7, v23;
	v25 =	vld.idx.msk [tilespmem:v63+s10+$0x0], $0xffff;
	vm0 =	vmor vm6, vm1;
	vm14 =	vmand vm5, vm13  }
0xe9: {  	vm13 =	vlt.s32 v1, v10;
	v19 =	vsel vm0, v29, v19;
	vm11 =	veq.f32 v26, v21  }
0xea: {  	v16 =	vsel vm0, v3, v16;
	vm10 =	vgt.f32 v26, v21;
	vm3 =	vmand vm12, vm11  }
0xeb: {  	p0 =	sne.s32 s19, $0x1;
	vm11 =	vgt.f32 v30, v15;
	vm2 =	vmor vm10, vm3;
	vm3 =	vmor vm15, vm14  }
.Ltmp2:
0xec: {  	vm10 =	vlt.s32 v2, v9;
	v21 =	vsel vm2, v26, v21;
	v17 =	vsel vm3, v27, v17;
	(pc) =	sbr.rel @p0 .LBB2_7-.Ltmp2, $4  }
0xed: {  	v14 =	vsel vm2, v5, v14;
	vm2 =	vmand vm10, vm9;
	vm12 =	veq.f32 v25, v12  }
0xee: {  	vm14 =	vgt.f32 v25, v12;
	vm1 =	vmor vm11, vm2;
	vm2 =	vmand vm13, vm12  }
0xef: {  	v11 =	vsel vm3, v4, v11;
	v15 =	vsel vm1, v30, v15;
	vm15 =	vmor vm14, vm2  }
0xf0: {  	s19 =	sadd.s32 $0xFFFFFFFF, s19;
	v9 =	vsel vm1, v2, v9;
	v12 =	vsel vm15, v25, v12;
	v10 =	vsel vm15, v1, v10  }
0xf1: {  	vm0 =	veq.f32 v24, v20  }
0xf2: {  	vm1 =	vlt.s32 v23, v13;
	vm2 =	vgt.f32 v24, v20;
	vm8 =	vgt.f32 v21, v22  }
0xf3: {  	vm9 =	veq.f32 v21, v22;
	vm10 =	vlt.s32 v14, v18;
	vm11 =	veq.f32 v19, v17  }
0xf4: {  	vm3 =	vlt.s32 v16, v11;
	vm12 =	vgt.f32 v19, v17;
	vm13 =	veq.f32 v12, v15  }
0xf5: {  	vm14 =	vlt.s32 v10, v9;
	vm15 =	vgt.f32 v12, v15;
	vm0 =	vmand vm0, vm1  }
0xf6: {  	vm1 =	vmand vm9, vm10;
	vm0 =	vmor vm2, vm0;
	vm2 =	vmand vm11, vm3  }
0xf7: {  	v0 =	vsel vm0, v24, v20;
	v1 =	vsel vm0, v23, v13;
	vm0 =	vmor vm8, vm1  }
0xf8: {  	vm1 =	vmor vm12, vm2;
	vm2 =	vmand vm13, vm14;
	v2 =	vsel vm0, v21, v22  }
0xf9: {  	v3 =	vsel vm0, v14, v18;
	v4 =	vsel vm1, v19, v17;
	vm6 =	vmor vm15, vm2  }
0xfa: {  	v5 =	vsel vm1, v16, v11;
	v6 =	vsel vm6, v12, v15;
	v7 =	vsel vm6, v10, v9  }
0xfb: {  	vm7 =	vgt.f32 v2, v0;
	vm8 =	veq.f32 v2, v0;
	vm9 =	vlt.s32 v3, v1  }
0xfc: {  	vm1 =	vmand vm8, vm9;
	vm10 =	veq.f32 v6, v4;
	vm11 =	vlt.s32 v7, v5  }
0xfd: {  	vm13 =	vgt.f32 v6, v4;
	vm0 =	vmor vm7, vm1;
	vm12 =	vmand vm10, vm11  }
0xfe: {  	s17 =	sadd.s32 $0x1, s17;
	v0 =	vsel vm0, v2, v0;
	vm1 =	vmor vm13, vm12  }
0xff: {  	p0 =	sne.s32 s17, $0x8;
	v1 =	vsel vm0, v3, v1;
	v61 =	vsel vm1, v6, v4;
	v62 =	vsel vm1, v7, v5  }
.Ltmp3:
0x100: {  	vm14 =	veq.f32 v61, v0;
	vm1 =	vlt.s32 v62, v1;
	(pc) =	sbr.rel @p0 .LBB2_6-.Ltmp3, $4  }
0x101: {  	vm15 =	vgt.f32 v61, v0;
	vm0 =	vmand vm14, vm1  }
0x102: {  	vm0 =	vmor vm15, vm0  }
0x103: {  	v63 =	vsel vm0, v62, v1  }
0x104: {  	[tilespmem:s18+$0x8280] =	vst v63  }
0x105: {  	[tilespmem:s10], [sflag:$0x2] =	stream.indirect.gather [hbm4b:s1+s8], $0x80, s14, s8, $0xb8;
	[tilespmem:$0x8400] =	vst v63  }
0x106: {  	_ =	swait.ge [sflag:s11], $0x4000  }
0x107: {  	[sflag:s11] =	ssyncset.done $0x0  }
0x108: {  	s17 =	simm.s32 $0x0;
	[sflag:s11] =	ssyncadd.s32 $0xFFFFC000  }
.LBB2_10:
0x109: {  	s18 =	sshll.u32 s17, $0x4;
	v13 =	vlaneseq.u32  }
0x10a: {  	v0 =	vmov s18;
	v1 =	vmul.u32 $0x80, v13  }
0x10b: {  	v0 =	vshll.u32 v0, $0x7  }
0x10c: {  	v0 =	vor.u32 v1, v0  }
0x10d: {  	v23 =	vor.u32 $0x10, v13;
	v1 =	vor.u32 v13, v0  }
0x10e: {  	v18 =	vor.u32 $0x20, v13;
	v2 =	vor.u32 v23, v0  }
0x10f: {  	v14 =	vor.u32 $0x30, v13;
	v3 =	vor.u32 v18, v0  }
0x110: {  	v11 =	vor.u32 $0x40, v13;
	v4 =	vor.u32 v14, v0  }
0x111: {  	v16 =	vor.u32 $0x50, v13;
	v5 =	vor.u32 v11, v0  }
0x112: {  	v9 =	vor.u32 $0x60, v13;
	v20 =	vld.idx.msk [tilespmem:v1+s9+$0x0], $0xffff;
	v1 =	vor.u32 v16, v0  }
0x113: {  	v10 =	vor.u32 $0x70, v13;
	v24 =	vld.idx.msk [tilespmem:v2+s9+$0x0], $0xffff;
	v2 =	vor.u32 v9, v0  }
0x114: {  	v22 =	vld.idx.msk [tilespmem:v3+s9+$0x0], $0xffff;
	v3 =	vor.u32 v10, v0  }
0x115: {  	v21 =	vld.idx.msk [tilespmem:v4+s9+$0x0], $0xffff  }
0x116: {  	v17 =	vld.idx.msk [tilespmem:v5+s9+$0x0], $0xffff  }
0x117: {  	v19 =	vld.idx.msk [tilespmem:v1+s9+$0x0], $0xffff  }
0x118: {  	v8 =	vlaneseq.u32;
	v6 =	vmov v18;
	v7 =	vmov v23;
	v15 =	vld.idx.msk [tilespmem:v2+s9+$0x0], $0xffff  }
0x119: {  	s19 =	simm.s32 $0x5;
	v4 =	vmovc v11;
	v5 =	vmovc v14;
	v12 =	vld.idx.msk [tilespmem:v3+s9+$0x0], $0xffff;
	v1 =	vmov v10;
	v2 =	vmov v9;
	v3 =	vmov v16  }
.LBB2_11:
0x11a: {  	v25 =	vadd.s32 $0x1, v8;
	v27 =	vadd.s32 $0x1, v7;
	v29 =	vadd.s32 $0x1, v6  }
0x11b: {  	v31 =	vadd.s32 $0x1, v5;
	v33 =	vadd.s32 $0x1, v4;
	v25 =	vand.u32 $0x7F, v25  }
0x11c: {  	v35 =	vadd.s32 $0x1, v2;
	v27 =	vand.u32 $0x7F, v27;
	v26 =	vor.u32 v0, v25  }
0x11d: {  	v39 =	vadd.s32 $0x2, v8;
	v29 =	vand.u32 $0x7F, v29;
	v28 =	vor.u32 v0, v27  }
0x11e: {  	v42 =	vadd.s32 $0x2, v7;
	v31 =	vand.u32 $0x7F, v31;
	v30 =	vor.u32 v0, v29  }
0x11f: {  	v43 =	vadd.s32 $0x2, v6;
	v45 =	vadd.s32 $0x2, v5;
	v32 =	vor.u32 v0, v31  }
0x120: {  	v48 =	vadd.s32 $0x2, v3;
	v53 =	vadd.s32 $0x2, v1;
	v8 =	vadd.s32 $0x3, v8  }
0x121: {  	v7 =	vadd.s32 $0x3, v7;
	v6 =	vadd.s32 $0x3, v6;
	v5 =	vadd.s32 $0x3, v5;
	v26 =	vld.idx.msk [tilespmem:v26+s9+$0x0], $0xffff  }
0x122: {  	v33 =	vand.u32 $0x7F, v33;
	v54 =	vand.u32 $0x7F, v53;
	v8 =	vand.u32 $0x7F, v8;
	v28 =	vld.idx.msk [tilespmem:v28+s9+$0x0], $0xffff  }
0x123: {  	v7 =	vand.u32 $0x7F, v7;
	v6 =	vand.u32 $0x7F, v6;
	v5 =	vand.u32 $0x7F, v5;
	v30 =	vld.idx.msk [tilespmem:v30+s9+$0x0], $0xffff  }
0x124: {  	vm1 =	vlt.s32 v25, v13;
	vm15 =	vlt.s32 v27, v23;
	v34 =	vor.u32 v0, v33;
	v32 =	vld.idx.msk [tilespmem:v32+s9+$0x0], $0xffff  }
0x125: {  	vm6 =	vlt.s32 v29, v18;
	vm10 =	vlt.s32 v31, v14;
	vm12 =	vlt.s32 v33, v11  }
0x126: {  	v55 =	vor.u32 v0, v54;
	v56 =	vor.u32 v0, v8;
	v58 =	vor.u32 v0, v6  }
0x127: {  	vm0 =	veq.f32 v26, v20;
	vm2 =	vgt.f32 v26, v20;
	vm14 =	veq.f32 v28, v24  }
0x128: {  	vm3 =	vgt.f32 v28, v24;
	vm5 =	veq.f32 v30, v22;
	vm0 =	vmand vm1, vm0  }
0x129: {  	vm7 =	vgt.f32 v30, v22;
	vm8 =	vgt.f32 v32, v21;
	vm0 =	vmor vm2, vm0  }
0x12a: {  	vm9 =	veq.f32 v32, v21;
	v20 =	vsel vm0, v26, v20;
	v26 =	vadd.s32 $0x1, v3  }
0x12b: {  	vm1 =	vmand vm15, vm14;
	v13 =	vsel vm0, v25, v13;
	v25 =	vand.u32 $0x7F, v26  }
0x12c: {  	vm1 =	vmor vm3, vm1;
	vm2 =	vmand vm10, vm9;
	v26 =	vor.u32 v0, v25  }
0x12d: {  	v24 =	vsel vm1, v28, v24;
	v23 =	vsel vm1, v27, v23;
	vm0 =	vmand vm6, vm5  }
0x12e: {  	v27 =	vld.idx.msk [tilespmem:v34+s9+$0x0], $0xffff;
	v28 =	vand.u32 $0x7F, v35;
	v35 =	vadd.s32 $0x1, v1;
	vm1 =	vmor vm8, vm2  }
0x12f: {  	v3 =	vadd.s32 $0x3, v3;
	v1 =	vadd.s32 $0x3, v1;
	vm0 =	vmor vm7, vm0  }
0x130: {  	v36 =	vor.u32 v0, v28;
	v37 =	vand.u32 $0x7F, v35;
	v21 =	vsel vm1, v32, v21  }
0x131: {  	v32 =	vand.u32 $0x7F, v39;
	v14 =	vsel vm1, v31, v14;
	v38 =	vor.u32 v0, v37;
	v26 =	vld.idx.msk [tilespmem:v26+s9+$0x0], $0xffff  }
0x132: {  	vm9 =	vlt.s32 v28, v9;
	v31 =	vand.u32 $0x7F, v45;
	v3 =	vand.u32 $0x7F, v3  }
0x133: {  	v22 =	vsel vm0, v30, v22;
	v18 =	vsel vm0, v29, v18;
	vm11 =	veq.f32 v27, v17  }
0x134: {  	v41 =	vor.u32 v0, v32;
	vm13 =	vgt.f32 v27, v17;
	vm0 =	vmand vm12, vm11  }
0x135: {  	v1 =	vand.u32 $0x7F, v1;
	vm15 =	vlt.s32 v25, v16;
	vm0 =	vmor vm13, vm0  }
0x136: {  	v29 =	vand.u32 $0x7F, v42;
	v17 =	vsel vm0, v27, v17;
	v27 =	vld.idx.msk [tilespmem:v38+s9+$0x0], $0xffff;
	vm14 =	veq.f32 v26, v19  }
0x137: {  	v46 =	vor.u32 v0, v31;
	vm6 =	vgt.f32 v26, v19;
	vm1 =	vmand vm15, vm14  }
0x138: {  	v40 =	vld.idx.msk [tilespmem:v36+s9+$0x0], $0xffff;
	v11 =	vsel vm0, v33, v11;
	v33 =	vand.u32 $0x7F, v43;
	vm7 =	vmor vm6, vm1  }
0x139: {  	v30 =	vand.u32 $0x7F, v48;
	v44 =	vor.u32 v0, v33;
	v19 =	vsel vm7, v26, v19;
	v26 =	vld.idx.msk [tilespmem:v41+s9+$0x0], $0xffff  }
0x13a: {  	v61 =	vor.u32 v0, v3;
	v16 =	vsel vm7, v25, v16;
	v25 =	vor.u32 v0, v29  }
0x13b: {  	v63 =	vor.u32 v0, v1;
	vm12 =	vlt.s32 v37, v10;
	vm11 =	veq.f32 v27, v12  }
0x13c: {  	v50 =	vor.u32 v0, v30;
	vm13 =	vgt.f32 v27, v12;
	vm1 =	vmand vm12, vm11  }
0x13d: {  	v49 =	vld.idx.msk [tilespmem:v46+s9+$0x0], $0xffff;
	vm8 =	veq.f32 v40, v15;
	vm10 =	vgt.f32 v40, v15;
	vm1 =	vmor vm13, vm1  }
0x13e: {  	vm15 =	vlt.s32 v32, v13;
	v12 =	vsel vm1, v27, v12;
	v27 =	vld.idx.msk [tilespmem:v44+s9+$0x0], $0xffff;
	vm14 =	veq.f32 v26, v20  }
0x13f: {  	vm0 =	vmand vm9, vm8;
	v25 =	vld.idx.msk [tilespmem:v25+s9+$0x0], $0xffff;
	vm4 =	vgt.f32 v26, v20;
	vm2 =	vmand vm15, vm14  }
0x140: {  	vm8 =	vlt.s32 v29, v23;
	vm0 =	vmor vm10, vm0;
	vm6 =	vmor vm4, vm2  }
0x141: {  	v15 =	vsel vm0, v40, v15;
	v20 =	vsel vm6, v26, v20;
	v26 =	vadd.s32 $0x2, v4  }
0x142: {  	v9 =	vsel vm0, v28, v9;
	vm11 =	vlt.s32 v33, v18;
	v26 =	vand.u32 $0x7F, v26  }
0x143: {  	vm13 =	veq.f32 v49, v21;
	v10 =	vsel vm1, v37, v10;
	v47 =	vor.u32 v0, v26  }
0x144: {  	vm10 =	veq.f32 v27, v22;
	vm12 =	vgt.f32 v27, v22;
	vm7 =	veq.f32 v25, v24  }
0x145: {  	vm14 =	vlt.s32 v31, v14;
	vm9 =	vgt.f32 v25, v24;
	vm0 =	vmand vm8, vm7  }
0x146: {  	v52 =	vld.idx.msk [tilespmem:v50+s9+$0x0], $0xffff;
	vm15 =	vgt.f32 v49, v21;
	vm1 =	vmand vm11, vm10;
	vm0 =	vmor vm9, vm0  }
0x147: {  	vm1 =	vmor vm12, vm1;
	v24 =	vsel vm0, v25, v24;
	v25 =	vadd.s32 $0x2, v2  }
0x148: {  	v4 =	vadd.s32 $0x3, v4;
	v22 =	vsel vm1, v27, v22;
	v25 =	vand.u32 $0x7F, v25;
	v27 =	vld.idx.msk [tilespmem:v47+s9+$0x0], $0xffff  }
0x149: {  	v13 =	vsel vm6, v32, v13;
	v4 =	vand.u32 $0x7F, v4;
	v51 =	vor.u32 v0, v25  }
0x14a: {  	v57 =	vld.idx.msk [tilespmem:v56+s9+$0x0], $0xffff;
	v18 =	vsel vm1, v33, v18;
	vm5 =	vlt.s32 v26, v11;
	v60 =	vor.u32 v0, v4  }
0x14b: {  	vm7 =	veq.f32 v52, v19;
	v23 =	vsel vm0, v29, v23;
	vm0 =	vmand vm14, vm13  }
0x14c: {  	vm8 =	vlt.s32 v30, v16;
	vm9 =	vgt.f32 v52, v19;
	vm0 =	vmor vm15, vm0  }
0x14d: {  	vm1 =	vmand vm8, vm7;
	v21 =	vsel vm0, v49, v21;
	vm4 =	veq.f32 v27, v17  }
0x14e: {  	v14 =	vsel vm0, v31, v14;
	vm6 =	vgt.f32 v27, v17;
	v28 =	vld.idx.msk [tilespmem:v51+s9+$0x0], $0xffff;
	vm0 =	vmand vm5, vm4  }
0x14f: {  	vm7 =	veq.f32 v57, v20;
	vm8 =	vlt.s32 v8, v13;
	vm0 =	vmor vm6, vm0  }
0x150: {  	vm1 =	vmor vm9, vm1;
	vm14 =	vlt.s32 v54, v10;
	v17 =	vsel vm0, v27, v17;
	v27 =	vld.idx.msk [tilespmem:v55+s9+$0x0], $0xffff  }
0x151: {  	vm9 =	vgt.f32 v57, v20;
	v2 =	vadd.s32 $0x3, v2;
	v19 =	vsel vm1, v52, v19  }
0x152: {  	v16 =	vsel vm1, v30, v16;
	v11 =	vsel vm0, v26, v11;
	v26 =	vor.u32 v0, v7  }
0x153: {  	v59 =	vld.idx.msk [tilespmem:v58+s9+$0x0], $0xffff;
	v2 =	vand.u32 $0x7F, v2;
	vm11 =	vlt.s32 v25, v9;
	vm10 =	veq.f32 v28, v15  }
0x154: {  	v29 =	vld.idx.msk [tilespmem:v61+s9+$0x0], $0xffff;
	v62 =	vor.u32 v0, v2;
	vm12 =	vgt.f32 v28, v15;
	vm0 =	vmand vm11, vm10  }
0x155: {  	vm5 =	vlt.s32 v4, v11;
	vm0 =	vmor vm12, vm0;
	vm13 =	veq.f32 v27, v12  }
0x156: {  	v15 =	vsel vm0, v28, v15;
	vm15 =	vgt.f32 v27, v12;
	v9 =	vsel vm0, v25, v9  }
0x157: {  	v25 =	vld.idx.msk [tilespmem:v26+s9+$0x0], $0xffff;
	v26 =	vor.u32 v0, v5;
	vm1 =	vmand vm14, vm13;
	vm13 =	vlt.s32 v7, v23  }
0x158: {  	vm14 =	veq.f32 v59, v22;
	vm6 =	vmor vm15, vm1;
	vm1 =	vmand vm8, vm7  }
0x159: {  	v30 =	vld.idx.msk [tilespmem:v62+s9+$0x0], $0xffff;
	vm15 =	vlt.s32 v6, v18;
	vm8 =	vgt.f32 v59, v22;
	vm7 =	veq.f32 v29, v19  }
0x15a: {  	v12 =	vsel vm6, v27, v12;
	v10 =	vsel vm6, v54, v10;
	vm10 =	vmor vm9, vm1  }
0x15b: {  	v27 =	vld.idx.msk [tilespmem:v60+s9+$0x0], $0xffff;
	vm2 =	vmand vm15, vm14;
	vm6 =	vgt.f32 v29, v19;
	v20 =	vsel vm10, v57, v20  }
0x15c: {  	v13 =	vsel vm10, v8, v13;
	vm9 =	vmor vm8, vm2;
	vm8 =	vlt.s32 v3, v16  }
0x15d: {  	vm11 =	vgt.f32 v25, v24;
	vm12 =	veq.f32 v25, v24;
	v26 =	vld.idx.msk [tilespmem:v26+s9+$0x0], $0xffff;
	v22 =	vsel vm9, v59, v22  }
0x15e: {  	v18 =	vsel vm9, v6, v18;
	vm9 =	veq.f32 v30, v15;
	vm1 =	vmand vm13, vm12  }
0x15f: {  	vm12 =	vlt.s32 v5, v14;
	vm0 =	vmor vm11, vm1;
	vm1 =	vmand vm8, vm7  }
0x160: {  	vm13 =	veq.f32 v27, v17;
	vm15 =	vgt.f32 v27, v17;
	v24 =	vsel vm0, v25, v24  }
0x161: {  	v23 =	vsel vm0, v7, v23;
	v25 =	vld.idx.msk [tilespmem:v63+s9+$0x0], $0xffff;
	vm0 =	vmor vm6, vm1;
	vm14 =	vmand vm5, vm13  }
0x162: {  	vm13 =	vlt.s32 v1, v10;
	v19 =	vsel vm0, v29, v19;
	vm11 =	veq.f32 v26, v21  }
0x163: {  	v16 =	vsel vm0, v3, v16;
	vm10 =	vgt.f32 v26, v21;
	vm3 =	vmand vm12, vm11  }
0x164: {  	p0 =	sne.s32 s19, $0x1;
	vm11 =	vgt.f32 v30, v15;
	vm2 =	vmor vm10, vm3;
	vm3 =	vmor vm15, vm14  }
.Ltmp4:
0x165: {  	vm10 =	vlt.s32 v2, v9;
	v21 =	vsel vm2, v26, v21;
	v17 =	vsel vm3, v27, v17;
	(pc) =	sbr.rel @p0 .LBB2_11-.Ltmp4, $4  }
0x166: {  	v14 =	vsel vm2, v5, v14;
	vm2 =	vmand vm10, vm9;
	vm12 =	veq.f32 v25, v12  }
0x167: {  	vm14 =	vgt.f32 v25, v12;
	vm1 =	vmor vm11, vm2;
	vm2 =	vmand vm13, vm12  }
0x168: {  	v11 =	vsel vm3, v4, v11;
	v15 =	vsel vm1, v30, v15;
	vm15 =	vmor vm14, vm2  }
0x169: {  	s19 =	sadd.s32 $0xFFFFFFFF, s19;
	v9 =	vsel vm1, v2, v9;
	v12 =	vsel vm15, v25, v12;
	v10 =	vsel vm15, v1, v10  }
0x16a: {  	vm0 =	veq.f32 v24, v20  }
0x16b: {  	vm1 =	vlt.s32 v23, v13;
	vm2 =	vgt.f32 v24, v20;
	vm8 =	vgt.f32 v21, v22  }
0x16c: {  	vm9 =	veq.f32 v21, v22;
	vm10 =	vlt.s32 v14, v18;
	vm11 =	veq.f32 v19, v17  }
0x16d: {  	vm3 =	vlt.s32 v16, v11;
	vm12 =	vgt.f32 v19, v17;
	vm13 =	veq.f32 v12, v15  }
0x16e: {  	vm14 =	vlt.s32 v10, v9;
	vm15 =	vgt.f32 v12, v15;
	vm0 =	vmand vm0, vm1  }
0x16f: {  	vm1 =	vmand vm9, vm10;
	vm0 =	vmor vm2, vm0;
	vm2 =	vmand vm11, vm3  }
0x170: {  	v0 =	vsel vm0, v24, v20;
	v1 =	vsel vm0, v23, v13;
	vm0 =	vmor vm8, vm1  }
0x171: {  	vm1 =	vmor vm12, vm2;
	vm2 =	vmand vm13, vm14;
	v2 =	vsel vm0, v21, v22  }
0x172: {  	v3 =	vsel vm0, v14, v18;
	v4 =	vsel vm1, v19, v17;
	vm6 =	vmor vm15, vm2  }
0x173: {  	v5 =	vsel vm1, v16, v11;
	v6 =	vsel vm6, v12, v15;
	v7 =	vsel vm6, v10, v9  }
0x174: {  	vm7 =	vgt.f32 v2, v0;
	vm8 =	veq.f32 v2, v0;
	vm9 =	vlt.s32 v3, v1  }
0x175: {  	vm1 =	vmand vm8, vm9;
	vm10 =	veq.f32 v6, v4;
	vm11 =	vlt.s32 v7, v5  }
0x176: {  	vm13 =	vgt.f32 v6, v4;
	vm0 =	vmor vm7, vm1;
	vm12 =	vmand vm10, vm11  }
0x177: {  	s17 =	sadd.s32 $0x1, s17;
	v0 =	vsel vm0, v2, v0;
	vm1 =	vmor vm13, vm12  }
0x178: {  	p0 =	sne.s32 s17, $0x8;
	v1 =	vsel vm0, v3, v1;
	v61 =	vsel vm1, v6, v4;
	v62 =	vsel vm1, v7, v5  }
.Ltmp5:
0x179: {  	vm14 =	veq.f32 v61, v0;
	vm1 =	vlt.s32 v62, v1;
	(pc) =	sbr.rel @p0 .LBB2_10-.Ltmp5, $4  }
0x17a: {  	vm15 =	vgt.f32 v61, v0;
	vm0 =	vmand vm14, vm1  }
0x17b: {  	vm0 =	vmor vm15, vm0  }
0x17c: {  	v63 =	vsel vm0, v62, v1  }
0x17d: {  	[tilespmem:s18+$0x8300] =	vst v63  }
0x17e: {  	_ =	swait.ge [sflag:s13], $0x4000  }
0x17f: {  	[sflag:s13] =	ssyncset.done $0x0  }
0x180: {  	s17 =	simm.s32 $0x0;
	[sflag:s13] =	ssyncadd.s32 $0xFFFFC000  }
.LBB2_14:
0x181: {  	s18 =	sshll.u32 s17, $0x4;
	v13 =	vlaneseq.u32  }
0x182: {  	v0 =	vmov s18;
	v1 =	vmul.u32 $0x80, v13  }
0x183: {  	v0 =	vshll.u32 v0, $0x7  }
0x184: {  	v0 =	vor.u32 v1, v0  }
0x185: {  	v23 =	vor.u32 $0x10, v13;
	v1 =	vor.u32 v13, v0  }
0x186: {  	v18 =	vor.u32 $0x20, v13;
	v2 =	vor.u32 v23, v0  }
0x187: {  	v14 =	vor.u32 $0x30, v13;
	v3 =	vor.u32 v18, v0  }
0x188: {  	v11 =	vor.u32 $0x40, v13;
	v4 =	vor.u32 v14, v0  }
0x189: {  	v16 =	vor.u32 $0x50, v13;
	v5 =	vor.u32 v11, v0  }
0x18a: {  	v9 =	vor.u32 $0x60, v13;
	v20 =	vld.idx.msk [tilespmem:v1+s10+$0x0], $0xffff;
	v1 =	vor.u32 v16, v0  }
0x18b: {  	v10 =	vor.u32 $0x70, v13;
	v24 =	vld.idx.msk [tilespmem:v2+s10+$0x0], $0xffff;
	v2 =	vor.u32 v9, v0  }
0x18c: {  	v22 =	vld.idx.msk [tilespmem:v3+s10+$0x0], $0xffff;
	v3 =	vor.u32 v10, v0  }
0x18d: {  	v21 =	vld.idx.msk [tilespmem:v4+s10+$0x0], $0xffff  }
0x18e: {  	v17 =	vld.idx.msk [tilespmem:v5+s10+$0x0], $0xffff  }
0x18f: {  	v19 =	vld.idx.msk [tilespmem:v1+s10+$0x0], $0xffff  }
0x190: {  	v8 =	vlaneseq.u32;
	v6 =	vmov v18;
	v7 =	vmov v23;
	v15 =	vld.idx.msk [tilespmem:v2+s10+$0x0], $0xffff  }
0x191: {  	s19 =	simm.s32 $0x5;
	v4 =	vmovc v11;
	v5 =	vmovc v14;
	v12 =	vld.idx.msk [tilespmem:v3+s10+$0x0], $0xffff;
	v1 =	vmov v10;
	v2 =	vmov v9;
	v3 =	vmov v16  }
.LBB2_15:
0x192: {  	v25 =	vadd.s32 $0x1, v8;
	v27 =	vadd.s32 $0x1, v7;
	v29 =	vadd.s32 $0x1, v6  }
0x193: {  	v31 =	vadd.s32 $0x1, v5;
	v33 =	vadd.s32 $0x1, v4;
	v25 =	vand.u32 $0x7F, v25  }
0x194: {  	v35 =	vadd.s32 $0x1, v2;
	v27 =	vand.u32 $0x7F, v27;
	v26 =	vor.u32 v0, v25  }
0x195: {  	v39 =	vadd.s32 $0x2, v8;
	v29 =	vand.u32 $0x7F, v29;
	v28 =	vor.u32 v0, v27  }
0x196: {  	v42 =	vadd.s32 $0x2, v7;
	v31 =	vand.u32 $0x7F, v31;
	v30 =	vor.u32 v0, v29  }
0x197: {  	v43 =	vadd.s32 $0x2, v6;
	v45 =	vadd.s32 $0x2, v5;
	v32 =	vor.u32 v0, v31  }
0x198: {  	v48 =	vadd.s32 $0x2, v3;
	v53 =	vadd.s32 $0x2, v1;
	v8 =	vadd.s32 $0x3, v8  }
0x199: {  	v7 =	vadd.s32 $0x3, v7;
	v6 =	vadd.s32 $0x3, v6;
	v5 =	vadd.s32 $0x3, v5;
	v26 =	vld.idx.msk [tilespmem:v26+s10+$0x0], $0xffff  }
0x19a: {  	v33 =	vand.u32 $0x7F, v33;
	v54 =	vand.u32 $0x7F, v53;
	v8 =	vand.u32 $0x7F, v8;
	v28 =	vld.idx.msk [tilespmem:v28+s10+$0x0], $0xffff  }
0x19b: {  	v7 =	vand.u32 $0x7F, v7;
	v6 =	vand.u32 $0x7F, v6;
	v5 =	vand.u32 $0x7F, v5;
	v30 =	vld.idx.msk [tilespmem:v30+s10+$0x0], $0xffff  }
0x19c: {  	vm1 =	vlt.s32 v25, v13;
	vm15 =	vlt.s32 v27, v23;
	v34 =	vor.u32 v0, v33;
	v32 =	vld.idx.msk [tilespmem:v32+s10+$0x0], $0xffff  }
0x19d: {  	vm6 =	vlt.s32 v29, v18;
	vm10 =	vlt.s32 v31, v14;
	vm12 =	vlt.s32 v33, v11  }
0x19e: {  	v55 =	vor.u32 v0, v54;
	v56 =	vor.u32 v0, v8;
	v58 =	vor.u32 v0, v6  }
0x19f: {  	vm0 =	veq.f32 v26, v20;
	vm2 =	vgt.f32 v26, v20;
	vm14 =	veq.f32 v28, v24  }
0x1a0: {  	vm3 =	vgt.f32 v28, v24;
	vm5 =	veq.f32 v30, v22;
	vm0 =	vmand vm1, vm0  }
0x1a1: {  	vm7 =	vgt.f32 v30, v22;
	vm8 =	vgt.f32 v32, v21;
	vm0 =	vmor vm2, vm0  }
0x1a2: {  	vm9 =	veq.f32 v32, v21;
	v20 =	vsel vm0, v26, v20;
	v26 =	vadd.s32 $0x1, v3  }
0x1a3: {  	vm1 =	vmand vm15, vm14;
	v13 =	vsel vm0, v25, v13;
	v25 =	vand.u32 $0x7F, v26  }
0x1a4: {  	vm1 =	vmor vm3, vm1;
	vm2 =	vmand vm10, vm9;
	v26 =	vor.u32 v0, v25  }
0x1a5: {  	v24 =	vsel vm1, v28, v24;
	v23 =	vsel vm1, v27, v23;
	vm0 =	vmand vm6, vm5  }
0x1a6: {  	v27 =	vld.idx.msk [tilespmem:v34+s10+$0x0], $0xffff;
	v28 =	vand.u32 $0x7F, v35;
	v35 =	vadd.s32 $0x1, v1;
	vm1 =	vmor vm8, vm2  }
0x1a7: {  	v3 =	vadd.s32 $0x3, v3;
	v1 =	vadd.s32 $0x3, v1;
	vm0 =	vmor vm7, vm0  }
0x1a8: {  	v36 =	vor.u32 v0, v28;
	v37 =	vand.u32 $0x7F, v35;
	v21 =	vsel vm1, v32, v21  }
0x1a9: {  	v32 =	vand.u32 $0x7F, v39;
	v14 =	vsel vm1, v31, v14;
	v38 =	vor.u32 v0, v37;
	v26 =	vld.idx.msk [tilespmem:v26+s10+$0x0], $0xffff  }
0x1aa: {  	vm9 =	vlt.s32 v28, v9;
	v31 =	vand.u32 $0x7F, v45;
	v3 =	vand.u32 $0x7F, v3  }
0x1ab: {  	v22 =	vsel vm0, v30, v22;
	v18 =	vsel vm0, v29, v18;
	vm11 =	veq.f32 v27, v17  }
0x1ac: {  	v41 =	vor.u32 v0, v32;
	vm13 =	vgt.f32 v27, v17;
	vm0 =	vmand vm12, vm11  }
0x1ad: {  	v1 =	vand.u32 $0x7F, v1;
	vm15 =	vlt.s32 v25, v16;
	vm0 =	vmor vm13, vm0  }
0x1ae: {  	v29 =	vand.u32 $0x7F, v42;
	v17 =	vsel vm0, v27, v17;
	v27 =	vld.idx.msk [tilespmem:v38+s10+$0x0], $0xffff;
	vm14 =	veq.f32 v26, v19  }
0x1af: {  	v46 =	vor.u32 v0, v31;
	vm6 =	vgt.f32 v26, v19;
	vm1 =	vmand vm15, vm14  }
0x1b0: {  	v40 =	vld.idx.msk [tilespmem:v36+s10+$0x0], $0xffff;
	v11 =	vsel vm0, v33, v11;
	v33 =	vand.u32 $0x7F, v43;
	vm7 =	vmor vm6, vm1  }
0x1b1: {  	v30 =	vand.u32 $0x7F, v48;
	v44 =	vor.u32 v0, v33;
	v19 =	vsel vm7, v26, v19;
	v26 =	vld.idx.msk [tilespmem:v41+s10+$0x0], $0xffff  }
0x1b2: {  	v61 =	vor.u32 v0, v3;
	v16 =	vsel vm7, v25, v16;
	v25 =	vor.u32 v0, v29  }
0x1b3: {  	v63 =	vor.u32 v0, v1;
	vm12 =	vlt.s32 v37, v10;
	vm11 =	veq.f32 v27, v12  }
0x1b4: {  	v50 =	vor.u32 v0, v30;
	vm13 =	vgt.f32 v27, v12;
	vm1 =	vmand vm12, vm11  }
0x1b5: {  	v49 =	vld.idx.msk [tilespmem:v46+s10+$0x0], $0xffff;
	vm8 =	veq.f32 v40, v15;
	vm10 =	vgt.f32 v40, v15;
	vm1 =	vmor vm13, vm1  }
0x1b6: {  	vm15 =	vlt.s32 v32, v13;
	v12 =	vsel vm1, v27, v12;
	v27 =	vld.idx.msk [tilespmem:v44+s10+$0x0], $0xffff;
	vm14 =	veq.f32 v26, v20  }
0x1b7: {  	vm0 =	vmand vm9, vm8;
	v25 =	vld.idx.msk [tilespmem:v25+s10+$0x0], $0xffff;
	vm4 =	vgt.f32 v26, v20;
	vm2 =	vmand vm15, vm14  }
0x1b8: {  	vm8 =	vlt.s32 v29, v23;
	vm0 =	vmor vm10, vm0;
	vm6 =	vmor vm4, vm2  }
0x1b9: {  	v15 =	vsel vm0, v40, v15;
	v20 =	vsel vm6, v26, v20;
	v26 =	vadd.s32 $0x2, v4  }
0x1ba: {  	v9 =	vsel vm0, v28, v9;
	vm11 =	vlt.s32 v33, v18;
	v26 =	vand.u32 $0x7F, v26  }
0x1bb: {  	vm13 =	veq.f32 v49, v21;
	v10 =	vsel vm1, v37, v10;
	v47 =	vor.u32 v0, v26  }
0x1bc: {  	vm10 =	veq.f32 v27, v22;
	vm12 =	vgt.f32 v27, v22;
	vm7 =	veq.f32 v25, v24  }
0x1bd: {  	vm14 =	vlt.s32 v31, v14;
	vm9 =	vgt.f32 v25, v24;
	vm0 =	vmand vm8, vm7  }
0x1be: {  	v52 =	vld.idx.msk [tilespmem:v50+s10+$0x0], $0xffff;
	vm15 =	vgt.f32 v49, v21;
	vm1 =	vmand vm11, vm10;
	vm0 =	vmor vm9, vm0  }
0x1bf: {  	vm1 =	vmor vm12, vm1;
	v24 =	vsel vm0, v25, v24;
	v25 =	vadd.s32 $0x2, v2  }
0x1c0: {  	v4 =	vadd.s32 $0x3, v4;
	v22 =	vsel vm1, v27, v22;
	v25 =	vand.u32 $0x7F, v25;
	v27 =	vld.idx.msk [tilespmem:v47+s10+$0x0], $0xffff  }
0x1c1: {  	v13 =	vsel vm6, v32, v13;
	v4 =	vand.u32 $0x7F, v4;
	v51 =	vor.u32 v0, v25  }
0x1c2: {  	v57 =	vld.idx.msk [tilespmem:v56+s10+$0x0], $0xffff;
	v18 =	vsel vm1, v33, v18;
	vm5 =	vlt.s32 v26, v11;
	v60 =	vor.u32 v0, v4  }
0x1c3: {  	vm7 =	veq.f32 v52, v19;
	v23 =	vsel vm0, v29, v23;
	vm0 =	vmand vm14, vm13  }
0x1c4: {  	vm8 =	vlt.s32 v30, v16;
	vm9 =	vgt.f32 v52, v19;
	vm0 =	vmor vm15, vm0  }
0x1c5: {  	vm1 =	vmand vm8, vm7;
	v21 =	vsel vm0, v49, v21;
	vm4 =	veq.f32 v27, v17  }
0x1c6: {  	v14 =	vsel vm0, v31, v14;
	vm6 =	vgt.f32 v27, v17;
	v28 =	vld.idx.msk [tilespmem:v51+s10+$0x0], $0xffff;
	vm0 =	vmand vm5, vm4  }
0x1c7: {  	vm7 =	veq.f32 v57, v20;
	vm8 =	vlt.s32 v8, v13;
	vm0 =	vmor vm6, vm0  }
0x1c8: {  	vm1 =	vmor vm9, vm1;
	vm14 =	vlt.s32 v54, v10;
	v17 =	vsel vm0, v27, v17;
	v27 =	vld.idx.msk [tilespmem:v55+s10+$0x0], $0xffff  }
0x1c9: {  	vm9 =	vgt.f32 v57, v20;
	v2 =	vadd.s32 $0x3, v2;
	v19 =	vsel vm1, v52, v19  }
0x1ca: {  	v16 =	vsel vm1, v30, v16;
	v11 =	vsel vm0, v26, v11;
	v26 =	vor.u32 v0, v7  }
0x1cb: {  	v59 =	vld.idx.msk [tilespmem:v58+s10+$0x0], $0xffff;
	v2 =	vand.u32 $0x7F, v2;
	vm11 =	vlt.s32 v25, v9;
	vm10 =	veq.f32 v28, v15  }
0x1cc: {  	v29 =	vld.idx.msk [tilespmem:v61+s10+$0x0], $0xffff;
	v62 =	vor.u32 v0, v2;
	vm12 =	vgt.f32 v28, v15;
	vm0 =	vmand vm11, vm10  }
0x1cd: {  	vm5 =	vlt.s32 v4, v11;
	vm0 =	vmor vm12, vm0;
	vm13 =	veq.f32 v27, v12  }
0x1ce: {  	v15 =	vsel vm0, v28, v15;
	vm15 =	vgt.f32 v27, v12;
	v9 =	vsel vm0, v25, v9  }
0x1cf: {  	v25 =	vld.idx.msk [tilespmem:v26+s10+$0x0], $0xffff;
	v26 =	vor.u32 v0, v5;
	vm1 =	vmand vm14, vm13;
	vm13 =	vlt.s32 v7, v23  }
0x1d0: {  	vm14 =	veq.f32 v59, v22;
	vm6 =	vmor vm15, vm1;
	vm1 =	vmand vm8, vm7  }
0x1d1: {  	v30 =	vld.idx.msk [tilespmem:v62+s10+$0x0], $0xffff;
	vm15 =	vlt.s32 v6, v18;
	vm8 =	vgt.f32 v59, v22;
	vm7 =	veq.f32 v29, v19  }
0x1d2: {  	v12 =	vsel vm6, v27, v12;
	v10 =	vsel vm6, v54, v10;
	vm10 =	vmor vm9, vm1  }
0x1d3: {  	v27 =	vld.idx.msk [tilespmem:v60+s10+$0x0], $0xffff;
	vm2 =	vmand vm15, vm14;
	vm6 =	vgt.f32 v29, v19;
	v20 =	vsel vm10, v57, v20  }
0x1d4: {  	v13 =	vsel vm10, v8, v13;
	vm9 =	vmor vm8, vm2;
	vm8 =	vlt.s32 v3, v16  }
0x1d5: {  	vm11 =	vgt.f32 v25, v24;
	vm12 =	veq.f32 v25, v24;
	v26 =	vld.idx.msk [tilespmem:v26+s10+$0x0], $0xffff;
	v22 =	vsel vm9, v59, v22  }
0x1d6: {  	v18 =	vsel vm9, v6, v18;
	vm9 =	veq.f32 v30, v15;
	vm1 =	vmand vm13, vm12  }
0x1d7: {  	vm12 =	vlt.s32 v5, v14;
	vm0 =	vmor vm11, vm1;
	vm1 =	vmand vm8, vm7  }
0x1d8: {  	vm13 =	veq.f32 v27, v17;
	vm15 =	vgt.f32 v27, v17;
	v24 =	vsel vm0, v25, v24  }
0x1d9: {  	v23 =	vsel vm0, v7, v23;
	v25 =	vld.idx.msk [tilespmem:v63+s10+$0x0], $0xffff;
	vm0 =	vmor vm6, vm1;
	vm14 =	vmand vm5, vm13  }
0x1da: {  	vm13 =	vlt.s32 v1, v10;
	v19 =	vsel vm0, v29, v19;
	vm11 =	veq.f32 v26, v21  }
0x1db: {  	v16 =	vsel vm0, v3, v16;
	vm10 =	vgt.f32 v26, v21;
	vm3 =	vmand vm12, vm11  }
0x1dc: {  	p0 =	sne.s32 s19, $0x1;
	vm11 =	vgt.f32 v30, v15;
	vm2 =	vmor vm10, vm3;
	vm3 =	vmor vm15, vm14  }
.Ltmp6:
0x1dd: {  	vm10 =	vlt.s32 v2, v9;
	v21 =	vsel vm2, v26, v21;
	v17 =	vsel vm3, v27, v17;
	(pc) =	sbr.rel @p0 .LBB2_15-.Ltmp6, $4  }
0x1de: {  	v14 =	vsel vm2, v5, v14;
	vm2 =	vmand vm10, vm9;
	vm12 =	veq.f32 v25, v12  }
0x1df: {  	vm14 =	vgt.f32 v25, v12;
	vm1 =	vmor vm11, vm2;
	vm2 =	vmand vm13, vm12  }
0x1e0: {  	v11 =	vsel vm3, v4, v11;
	v15 =	vsel vm1, v30, v15;
	vm15 =	vmor vm14, vm2  }
0x1e1: {  	s19 =	sadd.s32 $0xFFFFFFFF, s19;
	v9 =	vsel vm1, v2, v9;
	v12 =	vsel vm15, v25, v12;
	v10 =	vsel vm15, v1, v10  }
0x1e2: {  	vm0 =	veq.f32 v24, v20  }
0x1e3: {  	vm1 =	vlt.s32 v23, v13;
	vm2 =	vgt.f32 v24, v20;
	vm8 =	vgt.f32 v21, v22  }
0x1e4: {  	vm9 =	veq.f32 v21, v22;
	vm10 =	vlt.s32 v14, v18;
	vm11 =	veq.f32 v19, v17  }
0x1e5: {  	vm3 =	vlt.s32 v16, v11;
	vm12 =	vgt.f32 v19, v17;
	vm13 =	veq.f32 v12, v15  }
0x1e6: {  	vm14 =	vlt.s32 v10, v9;
	vm15 =	vgt.f32 v12, v15;
	vm0 =	vmand vm0, vm1  }
0x1e7: {  	vm1 =	vmand vm9, vm10;
	vm0 =	vmor vm2, vm0;
	vm2 =	vmand vm11, vm3  }
0x1e8: {  	v0 =	vsel vm0, v24, v20;
	v1 =	vsel vm0, v23, v13;
	vm0 =	vmor vm8, vm1  }
0x1e9: {  	vm1 =	vmor vm12, vm2;
	vm2 =	vmand vm13, vm14;
	v2 =	vsel vm0, v21, v22  }
0x1ea: {  	v3 =	vsel vm0, v14, v18;
	v4 =	vsel vm1, v19, v17;
	vm6 =	vmor vm15, vm2  }
0x1eb: {  	v5 =	vsel vm1, v16, v11;
	v6 =	vsel vm6, v12, v15;
	v7 =	vsel vm6, v10, v9  }
0x1ec: {  	vm7 =	vgt.f32 v2, v0;
	vm8 =	veq.f32 v2, v0;
	vm9 =	vlt.s32 v3, v1  }
0x1ed: {  	vm1 =	vmand vm8, vm9;
	vm10 =	veq.f32 v6, v4;
	vm11 =	vlt.s32 v7, v5  }
0x1ee: {  	vm13 =	vgt.f32 v6, v4;
	vm0 =	vmor vm7, vm1;
	vm12 =	vmand vm10, vm11  }
0x1ef: {  	s17 =	sadd.s32 $0x1, s17;
	v0 =	vsel vm0, v2, v0;
	vm1 =	vmor vm13, vm12  }
0x1f0: {  	p0 =	sne.s32 s17, $0x8;
	v1 =	vsel vm0, v3, v1;
	v61 =	vsel vm1, v6, v4;
	v62 =	vsel vm1, v7, v5  }
.Ltmp7:
0x1f1: {  	vm14 =	veq.f32 v61, v0;
	vm1 =	vlt.s32 v62, v1;
	(pc) =	sbr.rel @p0 .LBB2_14-.Ltmp7, $4  }
0x1f2: {  	vm15 =	vgt.f32 v61, v0;
	vm0 =	vmand vm14, vm1  }
0x1f3: {  	vm0 =	vmor vm15, vm0  }
0x1f4: {  	v63 =	vsel vm0, v62, v1  }
0x1f5: {  	[tilespmem:s18+$0x8380] =	vst v63  }
0x1f6: {  	s16 =	sadd.s32 $0x1, s16  }
0x1f7: {  	p0 =	sne.s32 s16, s6  }
.Ltmp8:
0x1f8: {  	_ = 	snop;
	(pc) =	sbr.rel @p0 .LBB2_1-.Ltmp8, $4  }
0x1f9: {  	[hbm4b:s5+s3] =	stream.linear.scatter [tilespmem:s15], [sflag:$0x3], $0x200, $0x38;
	[tilespmem:$0x8400] =	vst v63  }
0x1fa: {  	_ =	swait.ge [sflag:s7], $0x200  }
0x1fb: {  	[sflag:s7] =	ssyncset.done $0x0  }
0x1fc: {  	[sflag:s7] =	ssyncadd.s32 $0xFFFFFE00  }
0x1fd: {  	_ =	sfence.sel $0x180000  }
0x1fe: {  	[bflag:$0x0] =	sbarrier.arrive $0xFFFF  }
0x1ff: {  	p0 =	sne.s32 s2, $0x0;
	_ =	strace $0x90000047  }
0x200: {  	s0 =	sadd.s32 @!p0 $0x100000, s0;
	[bflag:$0x2] =	sbarrier.arrive $0xFFFF  }
0x201: {  	[sflag:s0] =	ssyncadd.tile.s32 @!p0 $0x1;
	_ =	shalt  }
.Lfunc_end2:
_tile_overlayer_lowered:
.L_overlay_start_2:
0x202: {  	(tag) =	ssettag $0x2  }
0x203: {  	s0 =	rddreg [dreg:$0x0];
	s2 =	stileid.u32  }
0x204: {  	s1 =	rddreg [dreg:$0x1];
	p0 =	sne.s32 s2, $0x0  }
0x205: {  	s3 =	rddreg [dreg:$0x2];
	[bflag:$0x3] =	sbarrier.arrive $0xFFFF;
	s2 =	simm.s32 @!p0 $0x1C03  }
0x206: {  	[timem:s3], [sflag:s2] =	dma.local @!p0 [hbm:s0], s1  }
0x207: {  	s0 =	simm.s32 @!p0 $0x3  }
0x208: {  	_ =	swait.ge @!p0 [sflag:s0], s1  }
0x209: {  	s1 =	ssub.s32 @!p0 $0x0, s1;
	[sflag:s0] =	ssyncset.done @!p0 $0x0  }
0x20a: {  	[sflag:s0] =	ssyncadd.s32 @!p0 s1  }
0x20b: {  	[bflag:$0x3] =	sbarrier.arrive $0xFFFF  }
0x20c: {  	_ =	shalt  }

</sc_bundles>
